<compile_context>
chip_gen: v7x
topology: tpu7x:2x2x1
jax: 0.10.2.dev20260603
libtpu: 0.0.44.dev20260713+nightly
codegen_flags: <defaults>
</compile_context>

<pallas_src>
import functools
import math

import jax
import jax.numpy as jnp
from jax import lax
from jax.experimental import pallas as pl
from jax.experimental.pallas import tpu as pltpu
from jax.experimental.pallas import tpu_sc as plsc

_NSPEC = 10
_RB = 8
_CUT = 5.0
_P = 2.0
_AVG = 32.0
_INV_SQRT_AVG = 1.0 / math.sqrt(_AVG)

_NC = 2
_NS = 16
_K = 80


def _edge_body(dispT_ref, r0c, r1b, r2b, h_ref):
    dT = dispT_ref[...]
    sq = (dT[0:1, :] * dT[0:1, :] + dT[1:2, :] * dT[1:2, :]
          + dT[2:3, :] * dT[2:3, :])
    r = jnp.where(sq == 0.0, 0.0, jnp.sqrt(sq))
    B = r.shape[1]
    r8 = jnp.broadcast_to(r, (_RB, B))
    w = (lax.broadcasted_iota(jnp.int32, (_RB, 1), 0).astype(jnp.float32)
         + 1.0) * jnp.pi
    rbT = (2.0 / _CUT) * jnp.where(r8 == 0.0, w / _CUT,
                                   jnp.sin(w * r8 / _CUT) / r8)
    x = r / _CUT
    x2 = x * x
    cut = (1.0 - 6.0 * x2 + 8.0 * x2 * x - 3.0 * x2 * x2)
    cut = cut * jnp.where(x < 1.0, 1.0, 0.0)
    rbT = (rbT * cut).astype(jnp.bfloat16)

    t = lax.dot_general(rbT, r0c[...], (((0,), (0,)), ((), ())),
                        preferred_element_type=jnp.float32)
    t = jax.nn.silu(t).astype(jnp.bfloat16)
    t = jax.nn.silu(jnp.dot(t, r1b[...], preferred_element_type=jnp.float32))
    h_ref[...] = jnp.dot(t.astype(jnp.bfloat16), r2b[...],
                         preferred_element_type=jnp.float32)


def _edge_mlps(disp, r00, r01, r02p, r10, r11, r12):
    E = disp.shape[0]
    B = next(b for b in (6400, 5120, 2560, 1280, 640, 128) if E % b == 0)
    r0c = jnp.concatenate([r00, r10], axis=1).astype(jnp.bfloat16)
    z64 = jnp.zeros((64, 64), jnp.float32)
    r1b = jnp.block([[r01, z64], [z64, r11]]).astype(jnp.bfloat16)
    r2b = jnp.block(
        [[r02p, jnp.zeros((64, 64), jnp.float32),
          jnp.zeros((64, 48), jnp.float32)],
         [jnp.zeros((64, 16), jnp.float32), r12,
          jnp.zeros((64, 48), jnp.float32)]]).astype(jnp.bfloat16)
    dispT = disp.T

    def full(shape):
        return pl.BlockSpec(shape, lambda i: (0,) * len(shape))

    return pl.pallas_call(
        _edge_body,
        grid=(E // B,),
        in_specs=[
            pl.BlockSpec((3, B), lambda i: (0, i)),
            full((_RB, 128)), full((128, 128)), full((128, 128)),
        ],
        out_specs=pl.BlockSpec((B, 128), lambda i: (i, 0)),
        out_shape=jax.ShapeDtypeStruct((E, 128), jnp.float32),
        compiler_params=pltpu.CompilerParams(
            dimension_semantics=("parallel",)),
    )(dispT, r0c, r1b, r2b)


_R = 5


def _sc_gather_scatter(table, h, col_off, D, Np, snd3, rcv3):
    E = h.shape[0]
    NW = _NC * _NS
    epw = E // NW
    nchunks = epw // _K
    ngroups = nchunks // _R
    rpt = Np // _NS
    mesh = plsc.VectorSubcoreMesh(core_axis_name="c", subcore_axis_name="s")

    @functools.partial(
        pl.kernel,
        out_type=jax.ShapeDtypeStruct((_NC * Np, D), jnp.float32),
        mesh=mesh,
        scratch_types=[
            pltpu.VMEM((nchunks, _K), jnp.int32),
            pltpu.VMEM((nchunks, _K), jnp.int32),
            pltpu.VMEM((_R, _K, D), jnp.float32),
            pltpu.VMEM((_R * _K, D), jnp.float32),
            pltpu.VMEM_SHARED((Np, D), jnp.float32),
            pltpu.SemaphoreType.DMA((_R,)),
            pltpu.SemaphoreType.DMA,
            pltpu.SemaphoreType.DMA((_R,)),
        ],
        compiler_params=pltpu.CompilerParams(use_tc_tiling_on_sc=False),
    )
    def k(table_hbm, h_hbm, snd_hbm, rcv_hbm, out_hbm,
          snd_v, rcv_v, g_v, h_v, acc, sem_g, sem_h, sem_s):
        cid = lax.axis_index("c")
        sid = lax.axis_index("s")
        wid = cid * _NS + sid
        pltpu.sync_copy(snd_hbm.at[wid], snd_v)
        pltpu.sync_copy(rcv_hbm.at[wid], rcv_v)
        zrows = _R * _K

        @plsc.parallel_loop(0, zrows, 1, unroll=8)
        def zrow(i):
            for j in range(D // 16):
                h_v[i, pl.ds(j * 16, 16)] = jnp.zeros((16,), jnp.float32)

        off = 0
        while off < rpt:
            n = min(zrows, rpt - off)
            pltpu.sync_copy(h_v.at[pl.ds(0, n)],
                            acc.at[pl.ds(sid * rpt + off, n)])
            off += n
        plsc.subcore_barrier()

        def group(gi, carry):
            cb = gi * _R
            hbase = pl.multiple_of(wid * epw + cb * _K, 8)
            dh = pltpu.async_copy(
                h_hbm.at[pl.ds(hbase, _R * _K), pl.ds(col_off, D)], h_v, sem_h)
            gds = [
                pltpu.async_copy(table_hbm.at[snd_v.at[cb + r]], g_v.at[r],
                                 sem_g.at[r])
                for r in range(_R)
            ]
            dh.wait()
            sds = []
            for r in range(_R):
                gds[r].wait()

                @plsc.parallel_loop(0, _K, 1, unroll=4)
                def mul_row(i):
                    for j in range(D // 16):
                        sl = pl.ds(j * 16, 16)
                        g_v[r, i, sl] = g_v[r, i, sl] * h_v[r * _K + i, sl]

                sds.append(pltpu.async_copy(g_v.at[r], acc.at[rcv_v.at[cb + r]],
                                            sem_s.at[r], add=True))
            for d in sds:
                d.wait()
            return carry

        lax.fori_loop(0, ngroups, group, 0)
        plsc.subcore_barrier()
        pltpu.sync_copy(acc.at[pl.ds(sid * rpt, rpt)],
                        out_hbm.at[pl.ds(cid * Np + sid * rpt, rpt)])

    return k(table, h, snd3, rcv3)


def _node0_body(spec_ref, w1p, d0p, oh_ref, t0_ref, sk_ref):
    s = spec_ref[...]
    B = s.shape[0]
    oh = jnp.where(lax.broadcasted_iota(jnp.int32, (B, 16), 1) == s,
                   1.0, 0.0)
    oh_ref[...] = oh
    t0_ref[...] = jnp.dot(oh, w1p[...], preferred_element_type=jnp.float32)
    sk_ref[...] = jnp.dot(oh, d0p[...], preferred_element_type=jnp.float32)


def _node0(spec2d, w1p, d0p):
    N = spec2d.shape[0]
    B = 2000

    def full(shape):
        return pl.BlockSpec(shape, lambda i: (0,) * len(shape))

    return pl.pallas_call(
        _node0_body,
        grid=(N // B,),
        in_specs=[
            pl.BlockSpec((B, 1), lambda i: (i, 0)),
            full((16, 16)), full((16, 64)),
        ],
        out_specs=[pl.BlockSpec((B, 16), lambda i: (i, 0)),
                   pl.BlockSpec((B, 16), lambda i: (i, 0)),
                   pl.BlockSpec((B, 64), lambda i: (i, 0))],
        out_shape=[jax.ShapeDtypeStruct((N, 16), jnp.float32),
                   jax.ShapeDtypeStruct((N, 16), jnp.float32),
                   jax.ShapeDtypeStruct((N, 64), jnp.float32)],
        compiler_params=pltpu.CompilerParams(
            dimension_semantics=("parallel",)),
    )(spec2d, w1p, d0p)


def _node1_body(p0, p1, skip0, oh, w2, w1n, wsk, t1_ref, sk_ref):
    agg = (p0[...] + p1[...]) * _INV_SQRT_AVG
    f1 = jax.nn.silu(
        jnp.dot(agg, w2[...], preferred_element_type=jnp.float32) + skip0[...])
    t1_ref[...] = jnp.dot(f1, w1n[...], preferred_element_type=jnp.float32)
    acc = jnp.zeros_like(sk_ref)
    for s in range(_NSPEC):
        acc = acc + jnp.dot(f1 * oh[:, s:s + 1], wsk[s],
                            preferred_element_type=jnp.float32)
    sk_ref[...] = acc


def _node1(p0, p1, skip0, oh, w2, w1n, wsk):
    N = p0.shape[0]
    B = 2000

    def full(shape):
        return pl.BlockSpec(shape, lambda i: (0,) * len(shape))

    return pl.pallas_call(
        _node1_body,
        grid=(N // B,),
        in_specs=[
            pl.BlockSpec((B, 16), lambda i: (i, 0)),
            pl.BlockSpec((B, 16), lambda i: (i, 0)),
            pl.BlockSpec((B, 64), lambda i: (i, 0)),
            pl.BlockSpec((B, 16), lambda i: (i, 0)),
            full((16, 64)), full((64, 64)), full((_NSPEC, 64, 64)),
        ],
        out_specs=[pl.BlockSpec((B, 64), lambda i: (i, 0)),
                   pl.BlockSpec((B, 64), lambda i: (i, 0))],
        out_shape=[jax.ShapeDtypeStruct((N, 64), jnp.float32),
                   jax.ShapeDtypeStruct((N, 64), jnp.float32)],
        compiler_params=pltpu.CompilerParams(
            dimension_semantics=("parallel",)),
    )(p0, p1, skip0, oh, w2, w1n, wsk)


def _node2_body(p0, p1, skip1, oh, w2, wr, aep, out_ref):
    agg = (p0[...] + p1[...]) * _INV_SQRT_AVG
    f2 = jax.nn.silu(
        jnp.dot(agg, w2[...], preferred_element_type=jnp.float32) + skip1[...])
    out_ref[...] = (jnp.dot(f2, wr[...], preferred_element_type=jnp.float32)
                    + jnp.dot(oh[...], aep[...],
                              preferred_element_type=jnp.float32))


def _node2(p0, p1, skip1, oh, w2, wr, aep):
    N = p0.shape[0]
    B = 2000

    def full(shape):
        return pl.BlockSpec(shape, lambda i: (0,) * len(shape))

    return pl.pallas_call(
        _node2_body,
        grid=(N // B,),
        in_specs=[
            pl.BlockSpec((B, 64), lambda i: (i, 0)),
            pl.BlockSpec((B, 64), lambda i: (i, 0)),
            pl.BlockSpec((B, 64), lambda i: (i, 0)),
            pl.BlockSpec((B, 16), lambda i: (i, 0)),
            full((64, 64)), full((64, 1)), full((16, 1)),
        ],
        out_specs=pl.BlockSpec((B, 1), lambda i: (i, 0)),
        out_shape=jax.ShapeDtypeStruct((N, 1), jnp.float32),
        compiler_params=pltpu.CompilerParams(
            dimension_semantics=("parallel",)),
    )(p0, p1, skip1, oh, w2, wr, aep)


def kernel(displacements, species, senders, receivers, params):
    L0, L1 = params["layers"]
    N = species.shape[0]
    E = senders.shape[0]
    spec = species.astype(jnp.int32)
    NW = _NC * _NS
    Np = -(-N // (8 * _NS)) * (8 * _NS)
    cpw = -(-E // (NW * _K))
    cpw = -(-cpw // _R) * _R
    EP = NW * _K * cpw
    snd = jnp.pad(senders.astype(jnp.int32), (0, EP - E)
                  ).reshape(NW, cpw, _K)
    rcv = jnp.pad(receivers.astype(jnp.int32), (0, EP - E),
                  constant_values=Np - 1).reshape(NW, cpw, _K)
    dpad = jnp.pad(displacements, ((0, EP - E), (0, 0)))

    r02p = jnp.pad(L0["R"][2], ((0, 0), (0, 16 - _NSPEC)))
    h_all = _edge_mlps(dpad, L0["R"][0], L0["R"][1], r02p,
                       L1["R"][0], L1["R"][1], L1["R"][2])

    pad6 = (0, 16 - _NSPEC)
    w1p = jnp.pad(L0["W1"], (pad6, pad6))
    diag0 = L0["Wskip"][jnp.arange(_NSPEC), jnp.arange(_NSPEC)]
    d0p = jnp.pad(diag0, (pad6, (0, 0)))
    oh, table0, skip0 = _node0(spec.reshape(N, 1), w1p, d0p)
    parts0 = _sc_gather_scatter(table0, h_all, 0, 16, Np, snd, rcv)
    w2_0p = jnp.pad(L0["W2"], (pad6, (0, 0)))

    table1, skip1 = _node1(parts0[:N], parts0[Np:Np + N], skip0, oh,
                           w2_0p, L1["W1"], L1["Wskip"])
    parts1 = _sc_gather_scatter(table1, h_all, 16, 64, Np, snd, rcv)
    aep = jnp.pad(params["atom_energies"], pad6).reshape(16, 1)
    node_e = _node2(parts1[:N], parts1[Np:Np + N], skip1, oh, L1["W2"],
                    params["Wr"], aep)[:, 0]
    return node_e

# --- scband reference (transcript-rebuilt; emitter-appended) ---
"""Pipeline reference for scband-nequix-28836410425841 (READ-ONLY COPY).

The authoritative reference and input builder live on the scoring server;
editing this copy changes nothing except your own understanding.
"""

import jax, jax.numpy as jnp
import numpy as np

N = 10000
E = 320000
NSPEC = 10
H = 64
RB = 8
RMS = 64
NLAYERS = 2
CUT = 5.0
P = 2.0
AVG = 32.0


def bessel_basis(x, num_basis, r_max):
    prefactor = 2.0 / r_max
    w = jnp.linspace(1.0, num_basis, num_basis) * jnp.pi
    x = x[:, None]
    return prefactor * jnp.where(x == 0.0, w / r_max, jnp.sin(w * x / r_max) / x)


def polynomial_cutoff(x, r_max, p):
    x = x / r_max
    out = 1.0
    out = out - (p + 1.0) * (p + 2.0) / 2.0 * jnp.power(x, p)
    out = out + p * (p + 2.0) * jnp.power(x, p + 1.0)
    out = out - p * (p + 1.0) / 2.0 * jnp.power(x, p + 2.0)
    return out * jnp.where(x < 1.0, 1.0, 0.0)


def setup_inputs(seed: int = 0):
    key = jax.random.key(seed)
    ks = jax.random.split(key, 64)
    idx = [0]

    def nrm(shape, scale):
        k = ks[idx[0]]
        idx[0] += 1
        return jax.random.normal(k, shape, dtype=jnp.float32) * scale

    layers = []
    for i in range(NLAYERS):
        d_in = NSPEC if i == 0 else H
        # e3nn Linear on scalars (path-normalized): W ~ N(0,1)/sqrt(fan_in)
        W1 = nrm((d_in, d_in), 1.0 / np.sqrt(d_in))
        # radial MLP sizes: [RB] + [RMS]*radial_mlp_layers + [tp.num_irreps = d_in]
        sizes = [RB, RMS, RMS, d_in]
        R = []
        for j in range(len(sizes) - 1):
            sc = np.sqrt(4.0 / sizes[j]) if j < len(sizes) - 2 else np.sqrt(1.0 / sizes[j])
            R.append(nrm((sizes[j], sizes[j + 1]), sc))
        W2 = nrm((d_in, H), 1.0 / np.sqrt(d_in))
        Wskip = nrm((NSPEC, d_in, H), 1.0 / np.sqrt(d_in))
        layers.append({"W1": W1, "R": R, "W2": W2, "Wskip": Wskip})
    Wr = nrm((H, 1), 1.0 / np.sqrt(H))
    params = {"layers": layers, "Wr": Wr, "atom_energies": jnp.zeros((NSPEC,), dtype=jnp.float32)}

    displacements = jax.random.normal(ks[60], (E, 3), dtype=jnp.float32)
    species = jax.random.randint(ks[61], (N,), 0, NSPEC)
    senders = jax.random.randint(ks[62], (E,), 0, N)
    receivers = jax.random.randint(ks[63], (E,), 0, N)
    return {"displacements": displacements, "species": species, "senders": senders,
            "receivers": receivers, "params": params}


def reference(displacements, species, senders, receivers, params):
    # node_energies forward with lmax=0 (sh = 1x0e constant 1, component norm),
    # hidden_irreps=64x0e -> all irreps are scalars, gate reduces to silu.
    feats = jax.nn.one_hot(species, NSPEC, dtype=jnp.float32)
    sq = jnp.sum(displacements ** 2, axis=-1)
    r = jnp.where(sq == 0.0, 0.0, jnp.sqrt(sq))
    rb = bessel_basis(r, RB, CUT) * polynomial_cutoff(r, CUT, P)[:, None]
    for layer in params["layers"]:
        # linear_1 then gather to edges
        msg = (feats @ layer["W1"])[senders]
        # tensor product with 1x0e spherical harmonic == identity on scalars
        # radial MLP (silu, no bias)
        h = rb
        Rw = layer["R"]
        for j in range(len(Rw)):
            h = h @ Rw[j]
            if j < len(Rw) - 1:
                h = jax.nn.silu(h)
        msg = msg * h
        # scatter-sum aggregation over receivers
        agg = jnp.zeros((feats.shape[0], msg.shape[1]), dtype=msg.dtype).at[receivers].add(msg)
        agg = agg / jnp.sqrt(AVG)
        # indexed (per-species) skip connection
        skip = jnp.einsum("ni,nio->no", feats, layer["Wskip"][species])
        feats = agg @ layer["W2"] + skip
        # gate: all 0e -> even_act = silu
        feats = jax.nn.silu(feats)
    node_e = (feats @ params["Wr"])[:, 0]
    # scale=1.0, shift=0.0
    return node_e * 1.0 + 0.0 + params["atom_energies"][species]

if __name__ == "__main__":
    import jax
    _d = setup_inputs()
    print(jax.jit(kernel)(*tuple(_d.values())))

</pallas_src>

<mosaic_0001>
#map = affine_map<(d0, d1) -> (0, 0)>
#map1 = affine_map<(d0, d1) -> (0, 0, 0)>
module attributes {stable_mosaic.version = 14 : i64} {
  func.func @k(%arg0: i32, %arg1: i32, %arg2: memref<10000x16xf32, #tpu.memory_space<hbm>>, %arg3: memref<320000x128xf32, #tpu.memory_space<hbm>>, %arg4: memref<32x125x80xi32, #tpu.memory_space<hbm>>, %arg5: memref<32x125x80xi32, #tpu.memory_space<hbm>>, %arg6: memref<20224x16xf32, #tpu.memory_space<hbm>>, %arg7: memref<125x80xi32, #tpu.memory_space<vmem>>, %arg8: memref<125x80xi32, #tpu.memory_space<vmem>>, %arg9: memref<5x80x16xf32, #tpu.memory_space<vmem>>, %arg10: memref<400x16xf32, #tpu.memory_space<vmem>>, %arg11: memref<10112x16xf32, #tpu.memory_space<vmem_shared>>, %arg12: memref<5x!tpu.dma_semaphore, #tpu.memory_space<semaphore_mem>>, %arg13: memref<!tpu.dma_semaphore, #tpu.memory_space<semaphore_mem>>, %arg14: memref<5x!tpu.dma_semaphore, #tpu.memory_space<semaphore_mem>>) attributes {dimension_semantics = [#tpu.dimension_semantics<core_parallel>, #tpu.dimension_semantics<subcore_parallel>], iteration_bounds = array<i64: 2, 16>, scalar_prefetch = 0 : i64, scratch_operands = 8 : i64, tpu.core_type = #tpu.core_type<sc_vector_subcore>, window_params = [{transform_indices = #map}, {transform_indices = #map}, {transform_indices = #map1}, {transform_indices = #map1}, {transform_indices = #map}]} {
    %mul3A = arith.constant 16 : i32
    %mul3A_0 = arith.muli %arg0, %mul3A : i32
    %add3A = arith.addi %mul3A_0, %arg1 : i32
    "tpu.region"() ({
      %run_scoped3A = tpu.sem_alloc : memref<!tpu.dma_semaphore, #tpu.memory_space<semaphore_mem>>
      %dma_start3A = arith.constant 0 : i32
      %dma_start3A_24 = arith.constant 0 : i32
      %dma_start3A_25 = tpu.memref_slice %arg4[%add3A, %dma_start3A, %dma_start3A_24] : memref<32x125x80xi32, #tpu.memory_space<hbm>> -> memref<1x125x80xi32, #tpu.memory_space<hbm>>
      %dma_start3A_26 = tpu.memref_squeeze %dma_start3A_25 : memref<1x125x80xi32, #tpu.memory_space<hbm>> -> memref<125x80xi32, #tpu.memory_space<hbm>>
      %dma_start3A_27 = arith.constant 0 : i32
      %dma_start3A_28 = arith.constant 0 : i32
      %dma_start3A_29 = tpu.memref_slice %arg4[%add3A, %dma_start3A_27, %dma_start3A_28] : memref<32x125x80xi32, #tpu.memory_space<hbm>> -> memref<1x125x80xi32, #tpu.memory_space<hbm>>
      %dma_start3A_30 = tpu.memref_squeeze %dma_start3A_29 : memref<1x125x80xi32, #tpu.memory_space<hbm>> -> memref<125x80xi32, #tpu.memory_space<hbm>>
      tpu.enqueue_dma source(%dma_start3A_30 : memref<125x80xi32, #tpu.memory_space<hbm>>) target(%arg7 : memref<125x80xi32, #tpu.memory_space<vmem>>) target_semaphore(%run_scoped3A : memref<!tpu.dma_semaphore, #tpu.memory_space<semaphore_mem>>)
      %dma_wait3A = arith.constant 0 : i32
      %dma_wait3A_31 = arith.constant 0 : i32
      %dma_wait3A_32 = tpu.memref_slice %arg4[%add3A, %dma_wait3A, %dma_wait3A_31] : memref<32x125x80xi32, #tpu.memory_space<hbm>> -> memref<1x125x80xi32, #tpu.memory_space<hbm>>
      %dma_wait3A_33 = tpu.memref_squeeze %dma_wait3A_32 : memref<1x125x80xi32, #tpu.memory_space<hbm>> -> memref<125x80xi32, #tpu.memory_space<hbm>>
      %dma_wait3A_34 = arith.constant 0 : i32
      %dma_wait3A_35 = arith.constant 0 : i32
      %dma_wait3A_36 = tpu.memref_slice %arg4[%add3A, %dma_wait3A_34, %dma_wait3A_35] : memref<32x125x80xi32, #tpu.memory_space<hbm>> -> memref<1x125x80xi32, #tpu.memory_space<hbm>>
      %dma_wait3A_37 = tpu.memref_squeeze %dma_wait3A_36 : memref<1x125x80xi32, #tpu.memory_space<hbm>> -> memref<125x80xi32, #tpu.memory_space<hbm>>
      tpu.wait_dma2 semaphore(%run_scoped3A : memref<!tpu.dma_semaphore, #tpu.memory_space<semaphore_mem>>) src(%dma_wait3A_37 : memref<125x80xi32, #tpu.memory_space<hbm>>) dst(%arg7 : memref<125x80xi32, #tpu.memory_space<vmem>>)
      tpu.yield
    }) : () -> ()
    "tpu.region"() ({
      %run_scoped3A = tpu.sem_alloc : memref<!tpu.dma_semaphore, #tpu.memory_space<semaphore_mem>>
      %dma_start3A = arith.constant 0 : i32
      %dma_start3A_24 = arith.constant 0 : i32
      %dma_start3A_25 = tpu.memref_slice %arg5[%add3A, %dma_start3A, %dma_start3A_24] : memref<32x125x80xi32, #tpu.memory_space<hbm>> -> memref<1x125x80xi32, #tpu.memory_space<hbm>>
      %dma_start3A_26 = tpu.memref_squeeze %dma_start3A_25 : memref<1x125x80xi32, #tpu.memory_space<hbm>> -> memref<125x80xi32, #tpu.memory_space<hbm>>
      %dma_start3A_27 = arith.constant 0 : i32
      %dma_start3A_28 = arith.constant 0 : i32
      %dma_start3A_29 = tpu.memref_slice %arg5[%add3A, %dma_start3A_27, %dma_start3A_28] : memref<32x125x80xi32, #tpu.memory_space<hbm>> -> memref<1x125x80xi32, #tpu.memory_space<hbm>>
      %dma_start3A_30 = tpu.memref_squeeze %dma_start3A_29 : memref<1x125x80xi32, #tpu.memory_space<hbm>> -> memref<125x80xi32, #tpu.memory_space<hbm>>
      tpu.enqueue_dma source(%dma_start3A_30 : memref<125x80xi32, #tpu.memory_space<hbm>>) target(%arg8 : memref<125x80xi32, #tpu.memory_space<vmem>>) target_semaphore(%run_scoped3A : memref<!tpu.dma_semaphore, #tpu.memory_space<semaphore_mem>>)
      %dma_wait3A = arith.constant 0 : i32
      %dma_wait3A_31 = arith.constant 0 : i32
      %dma_wait3A_32 = tpu.memref_slice %arg5[%add3A, %dma_wait3A, %dma_wait3A_31] : memref<32x125x80xi32, #tpu.memory_space<hbm>> -> memref<1x125x80xi32, #tpu.memory_space<hbm>>
      %dma_wait3A_33 = tpu.memref_squeeze %dma_wait3A_32 : memref<1x125x80xi32, #tpu.memory_space<hbm>> -> memref<125x80xi32, #tpu.memory_space<hbm>>
      %dma_wait3A_34 = arith.constant 0 : i32
      %dma_wait3A_35 = arith.constant 0 : i32
      %dma_wait3A_36 = tpu.memref_slice %arg5[%add3A, %dma_wait3A_34, %dma_wait3A_35] : memref<32x125x80xi32, #tpu.memory_space<hbm>> -> memref<1x125x80xi32, #tpu.memory_space<hbm>>
      %dma_wait3A_37 = tpu.memref_squeeze %dma_wait3A_36 : memref<1x125x80xi32, #tpu.memory_space<hbm>> -> memref<125x80xi32, #tpu.memory_space<hbm>>
      tpu.wait_dma2 semaphore(%run_scoped3A : memref<!tpu.dma_semaphore, #tpu.memory_space<semaphore_mem>>) src(%dma_wait3A_37 : memref<125x80xi32, #tpu.memory_space<hbm>>) dst(%arg8 : memref<125x80xi32, #tpu.memory_space<vmem>>)
      tpu.yield
    }) : () -> ()
    %parallel_loop3A = arith.constant 0 : i32
    %parallel_loop3A_1 = arith.constant 400 : i32
    %parallel_loop3A_2 = arith.constant 1 : i32
    scf.for %parallel_loop3A_24 = %parallel_loop3A to %parallel_loop3A_1 step %parallel_loop3A_2  : i32 {
      %parallel_loop3A_25 = arith.constant 0.000000e+00 : f32
      %parallel_loop3A_26 = vector.broadcast %parallel_loop3A_25 : f32 to vector<16xf32>
      %parallel_loop3A_27 = arith.index_cast %parallel_loop3A_24 : i32 to index
      %parallel_loop3A_28 = arith.constant 0 : index
      %parallel_loop3A_29 = tpu.vector_load %arg10[%parallel_loop3A_27, %parallel_loop3A_28] {strides = array<i32>} : memref<400x16xf32, #tpu.memory_space<vmem>>, vector<1x16xf32>,
      %parallel_loop3A_30 = vector.shape_cast %parallel_loop3A_29 : vector<1x16xf32> to vector<16xf32>
      %parallel_loop3A_31 = vector.shape_cast %parallel_loop3A_26 : vector<16xf32> to vector<1x16xf32>
      tpu.vector_store %arg10[%parallel_loop3A_27, %parallel_loop3A_28], %parallel_loop3A_31 {strides = array<i32>} : memref<400x16xf32, #tpu.memory_space<vmem>>, vector<1x16xf32>,
    } {sc.loop_unroll_factor = 8 : i64, sc.parallel_access}
    %mul3A_3 = arith.constant 632 : i32
    %mul3A_4 = arith.muli %arg1, %mul3A_3 : i32
    %add3A_5 = arith.constant 0 : i32
    %add3A_6 = arith.addi %mul3A_4, %add3A_5 : i32
    "tpu.region"() ({
      %run_scoped3A = tpu.sem_alloc : memref<!tpu.dma_semaphore, #tpu.memory_space<semaphore_mem>>
      %dma_start3A = arith.constant 0 : i32
      %dma_start3A_24 = arith.constant 0 : i32
      %dma_start3A_25 = tpu.memref_slice %arg10[%dma_start3A, %dma_start3A_24] : memref<400x16xf32, #tpu.memory_space<vmem>> -> memref<400x16xf32, #tpu.memory_space<vmem>>
      %dma_start3A_26 = arith.constant 0 : i32
      %dma_start3A_27 = tpu.memref_slice %arg11[%add3A_6, %dma_start3A_26] : memref<10112x16xf32, #tpu.memory_space<vmem_shared>> -> memref<400x16xf32, #tpu.memory_space<vmem_shared>>
      %dma_start3A_28 = arith.constant 0 : i32
      %dma_start3A_29 = tpu.memref_slice %arg11[%add3A_6, %dma_start3A_28] : memref<10112x16xf32, #tpu.memory_space<vmem_shared>> -> memref<400x16xf32, #tpu.memory_space<vmem_shared>>
      %dma_start3A_30 = arith.constant 0 : i32
      %dma_start3A_31 = arith.constant 0 : i32
      %dma_start3A_32 = tpu.memref_slice %arg10[%dma_start3A_30, %dma_start3A_31] : memref<400x16xf32, #tpu.memory_space<vmem>> -> memref<400x16xf32, #tpu.memory_space<vmem>>
      tpu.enqueue_dma source(%dma_start3A_32 : memref<400x16xf32, #tpu.memory_space<vmem>>) target(%dma_start3A_29 : memref<400x16xf32, #tpu.memory_space<vmem_shared>>) target_semaphore(%run_scoped3A : memref<!tpu.dma_semaphore, #tpu.memory_space<semaphore_mem>>)
      %dma_wait3A = arith.constant 0 : i32
      %dma_wait3A_33 = arith.constant 0 : i32
      %dma_wait3A_34 = tpu.memref_slice %arg10[%dma_wait3A, %dma_wait3A_33] : memref<400x16xf32, #tpu.memory_space<vmem>> -> memref<400x16xf32, #tpu.memory_space<vmem>>
      %dma_wait3A_35 = arith.constant 0 : i32
      %dma_wait3A_36 = tpu.memref_slice %arg11[%add3A_6, %dma_wait3A_35] : memref<10112x16xf32, #tpu.memory_space<vmem_shared>> -> memref<400x16xf32, #tpu.memory_space<vmem_shared>>
      %dma_wait3A_37 = arith.constant 0 : i32
      %dma_wait3A_38 = tpu.memref_slice %arg11[%add3A_6, %dma_wait3A_37] : memref<10112x16xf32, #tpu.memory_space<vmem_shared>> -> memref<400x16xf32, #tpu.memory_space<vmem_shared>>
      %dma_wait3A_39 = arith.constant 0 : i32
      %dma_wait3A_40 = arith.constant 0 : i32
      %dma_wait3A_41 = tpu.memref_slice %arg10[%dma_wait3A_39, %dma_wait3A_40] : memref<400x16xf32, #tpu.memory_space<vmem>> -> memref<400x16xf32, #tpu.memory_space<vmem>>
      tpu.wait_dma2 semaphore(%run_scoped3A : memref<!tpu.dma_semaphore, #tpu.memory_space<semaphore_mem>>) src(%dma_wait3A_41 : memref<400x16xf32, #tpu.memory_space<vmem>>) dst(%dma_wait3A_38 : memref<400x16xf32, #tpu.memory_space<vmem_shared>>)
      tpu.yield
    }) : () -> ()
    %mul3A_7 = arith.constant 632 : i32
    %mul3A_8 = arith.muli %arg1, %mul3A_7 : i32
    %add3A_9 = arith.constant 400 : i32
    %add3A_10 = arith.addi %mul3A_8, %add3A_9 : i32
    "tpu.region"() ({
      %run_scoped3A = tpu.sem_alloc : memref<!tpu.dma_semaphore, #tpu.memory_space<semaphore_mem>>
      %dma_start3A = arith.constant 0 : i32
      %dma_start3A_24 = arith.constant 0 : i32
      %dma_start3A_25 = tpu.memref_slice %arg10[%dma_start3A, %dma_start3A_24] : memref<400x16xf32, #tpu.memory_space<vmem>> -> memref<232x16xf32, #tpu.memory_space<vmem>>
      %dma_start3A_26 = arith.constant 0 : i32
      %dma_start3A_27 = tpu.memref_slice %arg11[%add3A_10, %dma_start3A_26] : memref<10112x16xf32, #tpu.memory_space<vmem_shared>> -> memref<232x16xf32, #tpu.memory_space<vmem_shared>>
      %dma_start3A_28 = arith.constant 0 : i32
      %dma_start3A_29 = tpu.memref_slice %arg11[%add3A_10, %dma_start3A_28] : memref<10112x16xf32, #tpu.memory_space<vmem_shared>> -> memref<232x16xf32, #tpu.memory_space<vmem_shared>>
      %dma_start3A_30 = arith.constant 0 : i32
      %dma_start3A_31 = arith.constant 0 : i32
      %dma_start3A_32 = tpu.memref_slice %arg10[%dma_start3A_30, %dma_start3A_31] : memref<400x16xf32, #tpu.memory_space<vmem>> -> memref<232x16xf32, #tpu.memory_space<vmem>>
      tpu.enqueue_dma source(%dma_start3A_32 : memref<232x16xf32, #tpu.memory_space<vmem>>) target(%dma_start3A_29 : memref<232x16xf32, #tpu.memory_space<vmem_shared>>) target_semaphore(%run_scoped3A : memref<!tpu.dma_semaphore, #tpu.memory_space<semaphore_mem>>)
      %dma_wait3A = arith.constant 0 : i32
      %dma_wait3A_33 = arith.constant 0 : i32
      %dma_wait3A_34 = tpu.memref_slice %arg10[%dma_wait3A, %dma_wait3A_33] : memref<400x16xf32, #tpu.memory_space<vmem>> -> memref<232x16xf32, #tpu.memory_space<vmem>>
      %dma_wait3A_35 = arith.constant 0 : i32
      %dma_wait3A_36 = tpu.memref_slice %arg11[%add3A_10, %dma_wait3A_35] : memref<10112x16xf32, #tpu.memory_space<vmem_shared>> -> memref<232x16xf32, #tpu.memory_space<vmem_shared>>
      %dma_wait3A_37 = arith.constant 0 : i32
      %dma_wait3A_38 = tpu.memref_slice %arg11[%add3A_10, %dma_wait3A_37] : memref<10112x16xf32, #tpu.memory_space<vmem_shared>> -> memref<232x16xf32, #tpu.memory_space<vmem_shared>>
      %dma_wait3A_39 = arith.constant 0 : i32
      %dma_wait3A_40 = arith.constant 0 : i32
      %dma_wait3A_41 = tpu.memref_slice %arg10[%dma_wait3A_39, %dma_wait3A_40] : memref<400x16xf32, #tpu.memory_space<vmem>> -> memref<232x16xf32, #tpu.memory_space<vmem>>
      tpu.wait_dma2 semaphore(%run_scoped3A : memref<!tpu.dma_semaphore, #tpu.memory_space<semaphore_mem>>) src(%dma_wait3A_41 : memref<232x16xf32, #tpu.memory_space<vmem>>) dst(%dma_wait3A_38 : memref<232x16xf32, #tpu.memory_space<vmem_shared>>)
      tpu.yield
    }) : () -> ()
    %barrier3A = arith.constant 0 : index
    tpu.barrier barrier_id(%barrier3A)
    %scan3A = arith.constant 0 : i32
    %scan3A_11 = arith.constant 0 : i32
    %scan3A_12 = arith.constant 25 : i32
    %scan3A_13 = arith.addi %scan3A_11, %scan3A_12 : i32
    %scan3A_14 = arith.constant 1 : i32
    scf.for %scan3A_24 = %scan3A_11 to %scan3A_13 step %scan3A_14  : i32 {
      %mul3A_25 = arith.constant 5 : i32
      %mul3A_26 = arith.muli %scan3A_24, %mul3A_25 : i32
      %mul3A_27 = arith.constant 10000 : i32
      %mul3A_28 = arith.muli %add3A, %mul3A_27 : i32
      %mul3A_29 = arith.constant 80 : i32
      %mul3A_30 = arith.muli %mul3A_26, %mul3A_29 : i32
      %add3A_31 = arith.addi %mul3A_28, %mul3A_30 : i32
      %multiple_of3A = tpu.assume_multiple %add3A_31, 8 : i32
      %dma_start3A = arith.constant 0 : i32
      %dma_start3A_32 = tpu.memref_slice %arg3[%multiple_of3A, %dma_start3A] : memref<320000x128xf32, #tpu.memory_space<hbm>> -> memref<400x16xf32, #tpu.memory_space<hbm>>
      %dma_start3A_33 = arith.constant 0 : i32
      %dma_start3A_34 = tpu.memref_slice %arg3[%multiple_of3A, %dma_start3A_33] : memref<320000x128xf32, #tpu.memory_space<hbm>> -> memref<400x16xf32, #tpu.memory_space<hbm>>
      tpu.enqueue_dma source(%dma_start3A_34 : memref<400x16xf32, #tpu.memory_space<hbm>>) target(%arg10 : memref<400x16xf32, #tpu.memory_space<vmem>>) target_semaphore(%arg13 : memref<!tpu.dma_semaphore, #tpu.memory_space<semaphore_mem>>)
      %add3A_35 = arith.constant 0 : i32
      %add3A_36 = arith.addi %mul3A_26, %add3A_35 : i32
      %dma_start3A_37 = arith.constant 0 : i32
      %dma_start3A_38 = arith.constant 0 : i32
      %dma_start3A_39 = arith.constant 0 : i32
      %dma_start3A_40 = arith.constant 0 : i32
      %dma_start3A_41 = tpu.memref_slice %arg9[%dma_start3A_37, %dma_start3A_39, %dma_start3A_40] : memref<5x80x16xf32, #tpu.memory_space<vmem>> -> memref<1x80x16xf32, #tpu.memory_space<vmem>>
      %dma_start3A_42 = tpu.memref_squeeze %dma_start3A_41 : memref<1x80x16xf32, #tpu.memory_space<vmem>> -> memref<80x16xf32, #tpu.memory_space<vmem>>
      %dma_start3A_43 = arith.constant 0 : i32
      %dma_start3A_44 = tpu.memref_slice %arg7[%add3A_36, %dma_start3A_43] : memref<125x80xi32, #tpu.memory_space<vmem>> -> memref<1x80xi32, #tpu.memory_space<vmem>>
      %dma_start3A_45 = tpu.memref_squeeze %dma_start3A_44 : memref<1x80xi32, #tpu.memory_space<vmem>> -> memref<80xi32, #tpu.memory_space<vmem>>
      %dma_start3A_46 = arith.constant 0 : i32
      %dma_start3A_47 = arith.constant 0 : i32
      %dma_start3A_48 = tpu.memref_slice %arg2[%dma_start3A_46, %dma_start3A_47] : memref<10000x16xf32, #tpu.memory_space<hbm>> -> memref<10000x16xf32, #tpu.memory_space<hbm>>
      %dma_start3A_49 = tpu.memref_slice %arg12[%dma_start3A_38] : memref<5x!tpu.dma_semaphore, #tpu.memory_space<semaphore_mem>> -> memref<1x!tpu.dma_semaphore, #tpu.memory_space<semaphore_mem>>
      %dma_start3A_50 = tpu.memref_squeeze %dma_start3A_49 : memref<1x!tpu.dma_semaphore, #tpu.memory_space<semaphore_mem>> -> memref<!tpu.dma_semaphore, #tpu.memory_space<semaphore_mem>>
      tpu.enqueue_indirect_dma source(%dma_start3A_48 : memref<10000x16xf32, #tpu.memory_space<hbm>>) target(%dma_start3A_42 : memref<80x16xf32, #tpu.memory_space<vmem>>) offsets(%dma_start3A_45 : memref<80xi32, #tpu.memory_space<vmem>>) semaphore(%dma_start3A_50 : memref<!tpu.dma_semaphore, #tpu.memory_space<semaphore_mem>>)
      %add3A_51 = arith.constant 1 : i32
      %add3A_52 = arith.addi %mul3A_26, %add3A_51 : i32
      %dma_start3A_53 = arith.constant 1 : i32
      %dma_start3A_54 = arith.constant 1 : i32
      %dma_start3A_55 = arith.constant 0 : i32
      %dma_start3A_56 = arith.constant 0 : i32
      %dma_start3A_57 = tpu.memref_slice %arg9[%dma_start3A_53, %dma_start3A_55, %dma_start3A_56] : memref<5x80x16xf32, #tpu.memory_space<vmem>> -> memref<1x80x16xf32, #tpu.memory_space<vmem>>
      %dma_start3A_58 = tpu.memref_squeeze %dma_start3A_57 : memref<1x80x16xf32, #tpu.memory_space<vmem>> -> memref<80x16xf32, #tpu.memory_space<vmem>>
      %dma_start3A_59 = arith.constant 0 : i32
      %dma_start3A_60 = tpu.memref_slice %arg7[%add3A_52, %dma_start3A_59] : memref<125x80xi32, #tpu.memory_space<vmem>> -> memref<1x80xi32, #tpu.memory_space<vmem>>
      %dma_start3A_61 = tpu.memref_squeeze %dma_start3A_60 : memref<1x80xi32, #tpu.memory_space<vmem>> -> memref<80xi32, #tpu.memory_space<vmem>>
      %dma_start3A_62 = arith.constant 0 : i32
      %dma_start3A_63 = arith.constant 0 : i32
      %dma_start3A_64 = tpu.memref_slice %arg2[%dma_start3A_62, %dma_start3A_63] : memref<10000x16xf32, #tpu.memory_space<hbm>> -> memref<10000x16xf32, #tpu.memory_space<hbm>>
      %dma_start3A_65 = tpu.memref_slice %arg12[%dma_start3A_54] : memref<5x!tpu.dma_semaphore, #tpu.memory_space<semaphore_mem>> -> memref<1x!tpu.dma_semaphore, #tpu.memory_space<semaphore_mem>>
      %dma_start3A_66 = tpu.memref_squeeze %dma_start3A_65 : memref<1x!tpu.dma_semaphore, #tpu.memory_space<semaphore_mem>> -> memref<!tpu.dma_semaphore, #tpu.memory_space<semaphore_mem>>
      tpu.enqueue_indirect_dma source(%dma_start3A_64 : memref<10000x16xf32, #tpu.memory_space<hbm>>) target(%dma_start3A_58 : memref<80x16xf32, #tpu.memory_space<vmem>>) offsets(%dma_start3A_61 : memref<80xi32, #tpu.memory_space<vmem>>) semaphore(%dma_start3A_66 : memref<!tpu.dma_semaphore, #tpu.memory_space<semaphore_mem>>)
      %add3A_67 = arith.constant 2 : i32
      %add3A_68 = arith.addi %mul3A_26, %add3A_67 : i32
      %dma_start3A_69 = arith.constant 2 : i32
      %dma_start3A_70 = arith.constant 2 : i32
      %dma_start3A_71 = arith.constant 0 : i32
      %dma_start3A_72 = arith.constant 0 : i32
      %dma_start3A_73 = tpu.memref_slice %arg9[%dma_start3A_69, %dma_start3A_71, %dma_start3A_72] : memref<5x80x16xf32, #tpu.memory_space<vmem>> -> memref<1x80x16xf32, #tpu.memory_space<vmem>>
      %dma_start3A_74 = tpu.memref_squeeze %dma_start3A_73 : memref<1x80x16xf32, #tpu.memory_space<vmem>> -> memref<80x16xf32, #tpu.memory_space<vmem>>
      %dma_start3A_75 = arith.constant 0 : i32
      %dma_start3A_76 = tpu.memref_slice %arg7[%add3A_68, %dma_start3A_75] : memref<125x80xi32, #tpu.memory_space<vmem>> -> memref<1x80xi32, #tpu.memory_space<vmem>>
      %dma_start3A_77 = tpu.memref_squeeze %dma_start3A_76 : memref<1x80xi32, #tpu.memory_space<vmem>> -> memref<80xi32, #tpu.memory_space<vmem>>
      %dma_start3A_78 = arith.constant 0 : i32
      %dma_start3A_79 = arith.constant 0 : i32
      %dma_start3A_80 = tpu.memref_slice %arg2[%dma_start3A_78, %dma_start3A_79] : memref<10000x16xf32, #tpu.memory_space<hbm>> -> memref<10000x16xf32, #tpu.memory_space<hbm>>
      %dma_start3A_81 = tpu.memref_slice %arg12[%dma_start3A_70] : memref<5x!tpu.dma_semaphore, #tpu.memory_space<semaphore_mem>> -> memref<1x!tpu.dma_semaphore, #tpu.memory_space<semaphore_mem>>
      %dma_start3A_82 = tpu.memref_squeeze %dma_start3A_81 : memref<1x!tpu.dma_semaphore, #tpu.memory_space<semaphore_mem>> -> memref<!tpu.dma_semaphore, #tpu.memory_space<semaphore_mem>>
      tpu.enqueue_indirect_dma source(%dma_start3A_80 : memref<10000x16xf32, #tpu.memory_space<hbm>>) target(%dma_start3A_74 : memref<80x16xf32, #tpu.memory_space<vmem>>) offsets(%dma_start3A_77 : memref<80xi32, #tpu.memory_space<vmem>>) semaphore(%dma_start3A_82 : memref<!tpu.dma_semaphore, #tpu.memory_space<semaphore_mem>>)
      %add3A_83 = arith.constant 3 : i32
      %add3A_84 = arith.addi %mul3A_26, %add3A_83 : i32
      %dma_start3A_85 = arith.constant 3 : i32
      %dma_start3A_86 = arith.constant 3 : i32
      %dma_start3A_87 = arith.constant 0 : i32
      %dma_start3A_88 = arith.constant 0 : i32
      %dma_start3A_89 = tpu.memref_slice %arg9[%dma_start3A_85, %dma_start3A_87, %dma_start3A_88] : memref<5x80x16xf32, #tpu.memory_space<vmem>> -> memref<1x80x16xf32, #tpu.memory_space<vmem>>
      %dma_start3A_90 = tpu.memref_squeeze %dma_start3A_89 : memref<1x80x16xf32, #tpu.memory_space<vmem>> -> memref<80x16xf32, #tpu.memory_space<vmem>>
      %dma_start3A_91 = arith.constant 0 : i32
      %dma_start3A_92 = tpu.memref_slice %arg7[%add3A_84, %dma_start3A_91] : memref<125x80xi32, #tpu.memory_space<vmem>> -> memref<1x80xi32, #tpu.memory_space<vmem>>
      %dma_start3A_93 = tpu.memref_squeeze %dma_start3A_92 : memref<1x80xi32, #tpu.memory_space<vmem>> -> memref<80xi32, #tpu.memory_space<vmem>>
      %dma_start3A_94 = arith.constant 0 : i32
      %dma_start3A_95 = arith.constant 0 : i32
      %dma_start3A_96 = tpu.memref_slice %arg2[%dma_start3A_94, %dma_start3A_95] : memref<10000x16xf32, #tpu.memory_space<hbm>> -> memref<10000x16xf32, #tpu.memory_space<hbm>>
      %dma_start3A_97 = tpu.memref_slice %arg12[%dma_start3A_86] : memref<5x!tpu.dma_semaphore, #tpu.memory_space<semaphore_mem>> -> memref<1x!tpu.dma_semaphore, #tpu.memory_space<semaphore_mem>>
      %dma_start3A_98 = tpu.memref_squeeze %dma_start3A_97 : memref<1x!tpu.dma_semaphore, #tpu.memory_space<semaphore_mem>> -> memref<!tpu.dma_semaphore, #tpu.memory_space<semaphore_mem>>
      tpu.enqueue_indirect_dma source(%dma_start3A_96 : memref<10000x16xf32, #tpu.memory_space<hbm>>) target(%dma_start3A_90 : memref<80x16xf32, #tpu.memory_space<vmem>>) offsets(%dma_start3A_93 : memref<80xi32, #tpu.memory_space<vmem>>) semaphore(%dma_start3A_98 : memref<!tpu.dma_semaphore, #tpu.memory_space<semaphore_mem>>)
      %add3A_99 = arith.constant 4 : i32
      %add3A_100 = arith.addi %mul3A_26, %add3A_99 : i32
      %dma_start3A_101 = arith.constant 4 : i32
      %dma_start3A_102 = arith.constant 4 : i32
      %dma_start3A_103 = arith.constant 0 : i32
      %dma_start3A_104 = arith.constant 0 : i32
      %dma_start3A_105 = tpu.memref_slice %arg9[%dma_start3A_101, %dma_start3A_103, %dma_start3A_104] : memref<5x80x16xf32, #tpu.memory_space<vmem>> -> memref<1x80x16xf32, #tpu.memory_space<vmem>>
      %dma_start3A_106 = tpu.memref_squeeze %dma_start3A_105 : memref<1x80x16xf32, #tpu.memory_space<vmem>> -> memref<80x16xf32, #tpu.memory_space<vmem>>
      %dma_start3A_107 = arith.constant 0 : i32
      %dma_start3A_108 = tpu.memref_slice %arg7[%add3A_100, %dma_start3A_107] : memref<125x80xi32, #tpu.memory_space<vmem>> -> memref<1x80xi32, #tpu.memory_space<vmem>>
      %dma_start3A_109 = tpu.memref_squeeze %dma_start3A_108 : memref<1x80xi32, #tpu.memory_space<vmem>> -> memref<80xi32, #tpu.memory_space<vmem>>
      %dma_start3A_110 = arith.constant 0 : i32
      %dma_start3A_111 = arith.constant 0 : i32
      %dma_start3A_112 = tpu.memref_slice %arg2[%dma_start3A_110, %dma_start3A_111] : memref<10000x16xf32, #tpu.memory_space<hbm>> -> memref<10000x16xf32, #tpu.memory_space<hbm>>
      %dma_start3A_113 = tpu.memref_slice %arg12[%dma_start3A_102] : memref<5x!tpu.dma_semaphore, #tpu.memory_space<semaphore_mem>> -> memref<1x!tpu.dma_semaphore, #tpu.memory_space<semaphore_mem>>
      %dma_start3A_114 = tpu.memref_squeeze %dma_start3A_113 : memref<1x!tpu.dma_semaphore, #tpu.memory_space<semaphore_mem>> -> memref<!tpu.dma_semaphore, #tpu.memory_space<semaphore_mem>>
      tpu.enqueue_indirect_dma source(%dma_start3A_112 : memref<10000x16xf32, #tpu.memory_space<hbm>>) target(%dma_start3A_106 : memref<80x16xf32, #tpu.memory_space<vmem>>) offsets(%dma_start3A_109 : memref<80xi32, #tpu.memory_space<vmem>>) semaphore(%dma_start3A_114 : memref<!tpu.dma_semaphore, #tpu.memory_space<semaphore_mem>>)
      %dma_wait3A = arith.constant 0 : i32
      %dma_wait3A_115 = tpu.memref_slice %arg3[%multiple_of3A, %dma_wait3A] : memref<320000x128xf32, #tpu.memory_space<hbm>> -> memref<400x16xf32, #tpu.memory_space<hbm>>
      %dma_wait3A_116 = arith.constant 0 : i32
      %dma_wait3A_117 = tpu.memref_slice %arg3[%multiple_of3A, %dma_wait3A_116] : memref<320000x128xf32, #tpu.memory_space<hbm>> -> memref<400x16xf32, #tpu.memory_space<hbm>>
      tpu.wait_dma2 semaphore(%arg13 : memref<!tpu.dma_semaphore, #tpu.memory_space<semaphore_mem>>) src(%dma_wait3A_117 : memref<400x16xf32, #tpu.memory_space<hbm>>) dst(%arg10 : memref<400x16xf32, #tpu.memory_space<vmem>>)
      %dma_wait3A_118 = arith.constant 0 : i32
      %dma_wait3A_119 = arith.constant 0 : i32
      %dma_wait3A_120 = arith.constant 0 : i32
      %dma_wait3A_121 = arith.constant 0 : i32
      %dma_wait3A_122 = tpu.memref_slice %arg9[%dma_wait3A_118, %dma_wait3A_120, %dma_wait3A_121] : memref<5x80x16xf32, #tpu.memory_space<vmem>> -> memref<1x80x16xf32, #tpu.memory_space<vmem>>
      %dma_wait3A_123 = tpu.memref_squeeze %dma_wait3A_122 : memref<1x80x16xf32, #tpu.memory_space<vmem>> -> memref<80x16xf32, #tpu.memory_space<vmem>>
      %dma_wait3A_124 = arith.constant 0 : i32
      %dma_wait3A_125 = tpu.memref_slice %arg7[%add3A_36, %dma_wait3A_124] : memref<125x80xi32, #tpu.memory_space<vmem>> -> memref<1x80xi32, #tpu.memory_space<vmem>>
      %dma_wait3A_126 = tpu.memref_squeeze %dma_wait3A_125 : memref<1x80xi32, #tpu.memory_space<vmem>> -> memref<80xi32, #tpu.memory_space<vmem>>
      %dma_wait3A_127 = arith.constant 0 : i32
      %dma_wait3A_128 = arith.constant 0 : i32
      %dma_wait3A_129 = tpu.memref_slice %arg2[%dma_wait3A_127, %dma_wait3A_128] : memref<10000x16xf32, #tpu.memory_space<hbm>> -> memref<10000x16xf32, #tpu.memory_space<hbm>>
      %dma_wait3A_130 = tpu.memref_slice %arg12[%dma_wait3A_119] : memref<5x!tpu.dma_semaphore, #tpu.memory_space<semaphore_mem>> -> memref<1x!tpu.dma_semaphore, #tpu.memory_space<semaphore_mem>>
      %dma_wait3A_131 = tpu.memref_squeeze %dma_wait3A_130 : memref<1x!tpu.dma_semaphore, #tpu.memory_space<semaphore_mem>> -> memref<!tpu.dma_semaphore, #tpu.memory_space<semaphore_mem>>
      tpu.wait_indirect_dma semaphore(%dma_wait3A_131 : memref<!tpu.dma_semaphore, #tpu.memory_space<semaphore_mem>>) src(%dma_wait3A_129 : memref<10000x16xf32, #tpu.memory_space<hbm>>) dst(%dma_wait3A_123 : memref<80x16xf32, #tpu.memory_space<vmem>>)
      %parallel_loop3A_132 = arith.constant 0 : i32
      %parallel_loop3A_133 = arith.constant 80 : i32
      %parallel_loop3A_134 = arith.constant 1 : i32
      scf.for %parallel_loop3A_353 = %parallel_loop3A_132 to %parallel_loop3A_133 step %parallel_loop3A_134  : i32 {
        %parallel_loop3A_354 = arith.constant 0 : i32
        %parallel_loop3A_355 = arith.index_cast %parallel_loop3A_354 : i32 to index
        %parallel_loop3A_356 = arith.index_cast %parallel_loop3A_353 : i32 to index
        %parallel_loop3A_357 = arith.constant 0 : index
        %parallel_loop3A_358 = tpu.vector_load %arg9[%parallel_loop3A_355, %parallel_loop3A_356, %parallel_loop3A_357] {strides = array<i32>} : memref<5x80x16xf32, #tpu.memory_space<vmem>>, vector<1x1x16xf32>,
        %parallel_loop3A_359 = vector.shape_cast %parallel_loop3A_358 : vector<1x1x16xf32> to vector<16xf32>
        %parallel_loop3A_360 = arith.constant 0 : i32
        %parallel_loop3A_361 = arith.addi %parallel_loop3A_360, %parallel_loop3A_353 : i32
        %parallel_loop3A_362 = arith.index_cast %parallel_loop3A_361 : i32 to index
        %parallel_loop3A_363 = arith.constant 0 : index
        %parallel_loop3A_364 = tpu.vector_load %arg10[%parallel_loop3A_362, %parallel_loop3A_363] {strides = array<i32>} : memref<400x16xf32, #tpu.memory_space<vmem>>, vector<1x16xf32>,
        %parallel_loop3A_365 = vector.shape_cast %parallel_loop3A_364 : vector<1x16xf32> to vector<16xf32>
        %parallel_loop3A_366 = arith.mulf %parallel_loop3A_359, %parallel_loop3A_365 : vector<16xf32>
        %parallel_loop3A_367 = arith.constant 0 : i32
        %parallel_loop3A_368 = arith.index_cast %parallel_loop3A_367 : i32 to index
        %parallel_loop3A_369 = arith.index_cast %parallel_loop3A_353 : i32 to index
        %parallel_loop3A_370 = arith.constant 0 : index
        %parallel_loop3A_371 = tpu.vector_load %arg9[%parallel_loop3A_368, %parallel_loop3A_369, %parallel_loop3A_370] {strides = array<i32>} : memref<5x80x16xf32, #tpu.memory_space<vmem>>, vector<1x1x16xf32>,
        %parallel_loop3A_372 = vector.shape_cast %parallel_loop3A_371 : vector<1x1x16xf32> to vector<16xf32>
        %parallel_loop3A_373 = vector.shape_cast %parallel_loop3A_366 : vector<16xf32> to vector<1x1x16xf32>
        tpu.vector_store %arg9[%parallel_loop3A_368, %parallel_loop3A_369, %parallel_loop3A_370], %parallel_loop3A_373 {strides = array<i32>} : memref<5x80x16xf32, #tpu.memory_space<vmem>>, vector<1x1x16xf32>,
      } {sc.loop_unroll_factor = 4 : i64, sc.parallel_access}
      %add3A_135 = arith.constant 0 : i32
      %add3A_136 = arith.addi %mul3A_26, %add3A_135 : i32
      %dma_start3A_137 = arith.constant 0 : i32
      %dma_start3A_138 = arith.constant 0 : i32
      %dma_start3A_139 = arith.constant 0 : i32
      %dma_start3A_140 = arith.constant 0 : i32
      %dma_start3A_141 = tpu.memref_slice %arg9[%dma_start3A_137, %dma_start3A_139, %dma_start3A_140] : memref<5x80x16xf32, #tpu.memory_space<vmem>> -> memref<1x80x16xf32, #tpu.memory_space<vmem>>
      %dma_start3A_142 = tpu.memref_squeeze %dma_start3A_141 : memref<1x80x16xf32, #tpu.memory_space<vmem>> -> memref<80x16xf32, #tpu.memory_space<vmem>>
      %dma_start3A_143 = arith.constant 0 : i32
      %dma_start3A_144 = tpu.memref_slice %arg8[%add3A_136, %dma_start3A_143] : memref<125x80xi32, #tpu.memory_space<vmem>> -> memref<1x80xi32, #tpu.memory_space<vmem>>
      %dma_start3A_145 = tpu.memref_squeeze %dma_start3A_144 : memref<1x80xi32, #tpu.memory_space<vmem>> -> memref<80xi32, #tpu.memory_space<vmem>>
      %dma_start3A_146 = arith.constant 0 : i32
      %dma_start3A_147 = arith.constant 0 : i32
      %dma_start3A_148 = tpu.memref_slice %arg11[%dma_start3A_146, %dma_start3A_147] : memref<10112x16xf32, #tpu.memory_space<vmem_shared>> -> memref<10112x16xf32, #tpu.memory_space<vmem_shared>>
      %dma_start3A_149 = tpu.memref_slice %arg14[%dma_start3A_138] : memref<5x!tpu.dma_semaphore, #tpu.memory_space<semaphore_mem>> -> memref<1x!tpu.dma_semaphore, #tpu.memory_space<semaphore_mem>>
      %dma_start3A_150 = tpu.memref_squeeze %dma_start3A_149 : memref<1x!tpu.dma_semaphore, #tpu.memory_space<semaphore_mem>> -> memref<!tpu.dma_semaphore, #tpu.memory_space<semaphore_mem>>
      tpu.enqueue_indirect_dma source(%dma_start3A_142 : memref<80x16xf32, #tpu.memory_space<vmem>>) target(%dma_start3A_148 : memref<10112x16xf32, #tpu.memory_space<vmem_shared>>) offsets(%dma_start3A_145 : memref<80xi32, #tpu.memory_space<vmem>>) semaphore(%dma_start3A_150 : memref<!tpu.dma_semaphore, #tpu.memory_space<semaphore_mem>>) {add = true}
      %dma_wait3A_151 = arith.constant 1 : i32
      %dma_wait3A_152 = arith.constant 1 : i32
      %dma_wait3A_153 = arith.constant 0 : i32
      %dma_wait3A_154 = arith.constant 0 : i32
      %dma_wait3A_155 = tpu.memref_slice %arg9[%dma_wait3A_151, %dma_wait3A_153, %dma_wait3A_154] : memref<5x80x16xf32, #tpu.memory_space<vmem>> -> memref<1x80x16xf32, #tpu.memory_space<vmem>>
      %dma_wait3A_156 = tpu.memref_squeeze %dma_wait3A_155 : memref<1x80x16xf32, #tpu.memory_space<vmem>> -> memref<80x16xf32, #tpu.memory_space<vmem>>
      %dma_wait3A_157 = arith.constant 0 : i32
      %dma_wait3A_158 = tpu.memref_slice %arg7[%add3A_52, %dma_wait3A_157] : memref<125x80xi32, #tpu.memory_space<vmem>> -> memref<1x80xi32, #tpu.memory_space<vmem>>
      %dma_wait3A_159 = tpu.memref_squeeze %dma_wait3A_158 : memref<1x80xi32, #tpu.memory_space<vmem>> -> memref<80xi32, #tpu.memory_space<vmem>>
      %dma_wait3A_160 = arith.constant 0 : i32
      %dma_wait3A_161 = arith.constant 0 : i32
      %dma_wait3A_162 = tpu.memref_slice %arg2[%dma_wait3A_160, %dma_wait3A_161] : memref<10000x16xf32, #tpu.memory_space<hbm>> -> memref<10000x16xf32, #tpu.memory_space<hbm>>
      %dma_wait3A_163 = tpu.memref_slice %arg12[%dma_wait3A_152] : memref<5x!tpu.dma_semaphore, #tpu.memory_space<semaphore_mem>> -> memref<1x!tpu.dma_semaphore, #tpu.memory_space<semaphore_mem>>
      %dma_wait3A_164 = tpu.memref_squeeze %dma_wait3A_163 : memref<1x!tpu.dma_semaphore, #tpu.memory_space<semaphore_mem>> -> memref<!tpu.dma_semaphore, #tpu.memory_space<semaphore_mem>>
      tpu.wait_indirect_dma semaphore(%dma_wait3A_164 : memref<!tpu.dma_semaphore, #tpu.memory_space<semaphore_mem>>) src(%dma_wait3A_162 : memref<10000x16xf32, #tpu.memory_space<hbm>>) dst(%dma_wait3A_156 : memref<80x16xf32, #tpu.memory_space<vmem>>)
      %parallel_loop3A_165 = arith.constant 0 : i32
      %parallel_loop3A_166 = arith.constant 80 : i32
      %parallel_loop3A_167 = arith.constant 1 : i32
      scf.for %parallel_loop3A_353 = %parallel_loop3A_165 to %parallel_loop3A_166 step %parallel_loop3A_167  : i32 {
        %parallel_loop3A_354 = arith.constant 1 : i32
        %parallel_loop3A_355 = arith.index_cast %parallel_loop3A_354 : i32 to index
        %parallel_loop3A_356 = arith.index_cast %parallel_loop3A_353 : i32 to index
        %parallel_loop3A_357 = arith.constant 0 : index
        %parallel_loop3A_358 = tpu.vector_load %arg9[%parallel_loop3A_355, %parallel_loop3A_356, %parallel_loop3A_357] {strides = array<i32>} : memref<5x80x16xf32, #tpu.memory_space<vmem>>, vector<1x1x16xf32>,
        %parallel_loop3A_359 = vector.shape_cast %parallel_loop3A_358 : vector<1x1x16xf32> to vector<16xf32>
        %parallel_loop3A_360 = arith.constant 80 : i32
        %parallel_loop3A_361 = arith.addi %parallel_loop3A_360, %parallel_loop3A_353 : i32
        %parallel_loop3A_362 = arith.index_cast %parallel_loop3A_361 : i32 to index
        %parallel_loop3A_363 = arith.constant 0 : index
        %parallel_loop3A_364 = tpu.vector_load %arg10[%parallel_loop3A_362, %parallel_loop3A_363] {strides = array<i32>} : memref<400x16xf32, #tpu.memory_space<vmem>>, vector<1x16xf32>,
        %parallel_loop3A_365 = vector.shape_cast %parallel_loop3A_364 : vector<1x16xf32> to vector<16xf32>
        %parallel_loop3A_366 = arith.mulf %parallel_loop3A_359, %parallel_loop3A_365 : vector<16xf32>
        %parallel_loop3A_367 = arith.constant 1 : i32
        %parallel_loop3A_368 = arith.index_cast %parallel_loop3A_367 : i32 to index
        %parallel_loop3A_369 = arith.index_cast %parallel_loop3A_353 : i32 to index
        %parallel_loop3A_370 = arith.constant 0 : index
        %parallel_loop3A_371 = tpu.vector_load %arg9[%parallel_loop3A_368, %parallel_loop3A_369, %parallel_loop3A_370] {strides = array<i32>} : memref<5x80x16xf32, #tpu.memory_space<vmem>>, vector<1x1x16xf32>,
        %parallel_loop3A_372 = vector.shape_cast %parallel_loop3A_371 : vector<1x1x16xf32> to vector<16xf32>
        %parallel_loop3A_373 = vector.shape_cast %parallel_loop3A_366 : vector<16xf32> to vector<1x1x16xf32>
        tpu.vector_store %arg9[%parallel_loop3A_368, %parallel_loop3A_369, %parallel_loop3A_370], %parallel_loop3A_373 {strides = array<i32>} : memref<5x80x16xf32, #tpu.memory_space<vmem>>, vector<1x1x16xf32>,
      } {sc.loop_unroll_factor = 4 : i64, sc.parallel_access}
      %add3A_168 = arith.constant 1 : i32
      %add3A_169 = arith.addi %mul3A_26, %add3A_168 : i32
      %dma_start3A_170 = arith.constant 1 : i32
      %dma_start3A_171 = arith.constant 1 : i32
      %dma_start3A_172 = arith.constant 0 : i32
      %dma_start3A_173 = arith.constant 0 : i32
      %dma_start3A_174 = tpu.memref_slice %arg9[%dma_start3A_170, %dma_start3A_172, %dma_start3A_173] : memref<5x80x16xf32, #tpu.memory_space<vmem>> -> memref<1x80x16xf32, #tpu.memory_space<vmem>>
      %dma_start3A_175 = tpu.memref_squeeze %dma_start3A_174 : memref<1x80x16xf32, #tpu.memory_space<vmem>> -> memref<80x16xf32, #tpu.memory_space<vmem>>
      %dma_start3A_176 = arith.constant 0 : i32
      %dma_start3A_177 = tpu.memref_slice %arg8[%add3A_169, %dma_start3A_176] : memref<125x80xi32, #tpu.memory_space<vmem>> -> memref<1x80xi32, #tpu.memory_space<vmem>>
      %dma_start3A_178 = tpu.memref_squeeze %dma_start3A_177 : memref<1x80xi32, #tpu.memory_space<vmem>> -> memref<80xi32, #tpu.memory_space<vmem>>
      %dma_start3A_179 = arith.constant 0 : i32
      %dma_start3A_180 = arith.constant 0 : i32
      %dma_start3A_181 = tpu.memref_slice %arg11[%dma_start3A_179, %dma_start3A_180] : memref<10112x16xf32, #tpu.memory_space<vmem_shared>> -> memref<10112x16xf32, #tpu.memory_space<vmem_shared>>
      %dma_start3A_182 = tpu.memref_slice %arg14[%dma_start3A_171] : memref<5x!tpu.dma_semaphore, #tpu.memory_space<semaphore_mem>> -> memref<1x!tpu.dma_semaphore, #tpu.memory_space<semaphore_mem>>
      %dma_start3A_183 = tpu.memref_squeeze %dma_start3A_182 : memref<1x!tpu.dma_semaphore, #tpu.memory_space<semaphore_mem>> -> memref<!tpu.dma_semaphore, #tpu.memory_space<semaphore_mem>>
      tpu.enqueue_indirect_dma source(%dma_start3A_175 : memref<80x16xf32, #tpu.memory_space<vmem>>) target(%dma_start3A_181 : memref<10112x16xf32, #tpu.memory_space<vmem_shared>>) offsets(%dma_start3A_178 : memref<80xi32, #tpu.memory_space<vmem>>) semaphore(%dma_start3A_183 : memref<!tpu.dma_semaphore, #tpu.memory_space<semaphore_mem>>) {add = true}
      %dma_wait3A_184 = arith.constant 2 : i32
      %dma_wait3A_185 = arith.constant 2 : i32
      %dma_wait3A_186 = arith.constant 0 : i32
      %dma_wait3A_187 = arith.constant 0 : i32
      %dma_wait3A_188 = tpu.memref_slice %arg9[%dma_wait3A_184, %dma_wait3A_186, %dma_wait3A_187] : memref<5x80x16xf32, #tpu.memory_space<vmem>> -> memref<1x80x16xf32, #tpu.memory_space<vmem>>
      %dma_wait3A_189 = tpu.memref_squeeze %dma_wait3A_188 : memref<1x80x16xf32, #tpu.memory_space<vmem>> -> memref<80x16xf32, #tpu.memory_space<vmem>>
      %dma_wait3A_190 = arith.constant 0 : i32
      %dma_wait3A_191 = tpu.memref_slice %arg7[%add3A_68, %dma_wait3A_190] : memref<125x80xi32, #tpu.memory_space<vmem>> -> memref<1x80xi32, #tpu.memory_space<vmem>>
      %dma_wait3A_192 = tpu.memref_squeeze %dma_wait3A_191 : memref<1x80xi32, #tpu.memory_space<vmem>> -> memref<80xi32, #tpu.memory_space<vmem>>
      %dma_wait3A_193 = arith.constant 0 : i32
      %dma_wait3A_194 = arith.constant 0 : i32
      %dma_wait3A_195 = tpu.memref_slice %arg2[%dma_wait3A_193, %dma_wait3A_194] : memref<10000x16xf32, #tpu.memory_space<hbm>> -> memref<10000x16xf32, #tpu.memory_space<hbm>>
      %dma_wait3A_196 = tpu.memref_slice %arg12[%dma_wait3A_185] : memref<5x!tpu.dma_semaphore, #tpu.memory_space<semaphore_mem>> -> memref<1x!tpu.dma_semaphore, #tpu.memory_space<semaphore_mem>>
      %dma_wait3A_197 = tpu.memref_squeeze %dma_wait3A_196 : memref<1x!tpu.dma_semaphore, #tpu.memory_space<semaphore_mem>> -> memref<!tpu.dma_semaphore, #tpu.memory_space<semaphore_mem>>
      tpu.wait_indirect_dma semaphore(%dma_wait3A_197 : memref<!tpu.dma_semaphore, #tpu.memory_space<semaphore_mem>>) src(%dma_wait3A_195 : memref<10000x16xf32, #tpu.memory_space<hbm>>) dst(%dma_wait3A_189 : memref<80x16xf32, #tpu.memory_space<vmem>>)
      %parallel_loop3A_198 = arith.constant 0 : i32
      %parallel_loop3A_199 = arith.constant 80 : i32
      %parallel_loop3A_200 = arith.constant 1 : i32
      scf.for %parallel_loop3A_353 = %parallel_loop3A_198 to %parallel_loop3A_199 step %parallel_loop3A_200  : i32 {
        %parallel_loop3A_354 = arith.constant 2 : i32
        %parallel_loop3A_355 = arith.index_cast %parallel_loop3A_354 : i32 to index
        %parallel_loop3A_356 = arith.index_cast %parallel_loop3A_353 : i32 to index
        %parallel_loop3A_357 = arith.constant 0 : index
        %parallel_loop3A_358 = tpu.vector_load %arg9[%parallel_loop3A_355, %parallel_loop3A_356, %parallel_loop3A_357] {strides = array<i32>} : memref<5x80x16xf32, #tpu.memory_space<vmem>>, vector<1x1x16xf32>,
        %parallel_loop3A_359 = vector.shape_cast %parallel_loop3A_358 : vector<1x1x16xf32> to vector<16xf32>
        %parallel_loop3A_360 = arith.constant 160 : i32
        %parallel_loop3A_361 = arith.addi %parallel_loop3A_360, %parallel_loop3A_353 : i32
        %parallel_loop3A_362 = arith.index_cast %parallel_loop3A_361 : i32 to index
        %parallel_loop3A_363 = arith.constant 0 : index
        %parallel_loop3A_364 = tpu.vector_load %arg10[%parallel_loop3A_362, %parallel_loop3A_363] {strides = array<i32>} : memref<400x16xf32, #tpu.memory_space<vmem>>, vector<1x16xf32>,
        %parallel_loop3A_365 = vector.shape_cast %parallel_loop3A_364 : vector<1x16xf32> to vector<16xf32>
        %parallel_loop3A_366 = arith.mulf %parallel_loop3A_359, %parallel_loop3A_365 : vector<16xf32>
        %parallel_loop3A_367 = arith.constant 2 : i32
        %parallel_loop3A_368 = arith.index_cast %parallel_loop3A_367 : i32 to index
        %parallel_loop3A_369 = arith.index_cast %parallel_loop3A_353 : i32 to index
        %parallel_loop3A_370 = arith.constant 0 : index
        %parallel_loop3A_371 = tpu.vector_load %arg9[%parallel_loop3A_368, %parallel_loop3A_369, %parallel_loop3A_370] {strides = array<i32>} : memref<5x80x16xf32, #tpu.memory_space<vmem>>, vector<1x1x16xf32>,
        %parallel_loop3A_372 = vector.shape_cast %parallel_loop3A_371 : vector<1x1x16xf32> to vector<16xf32>
        %parallel_loop3A_373 = vector.shape_cast %parallel_loop3A_366 : vector<16xf32> to vector<1x1x16xf32>
        tpu.vector_store %arg9[%parallel_loop3A_368, %parallel_loop3A_369, %parallel_loop3A_370], %parallel_loop3A_373 {strides = array<i32>} : memref<5x80x16xf32, #tpu.memory_space<vmem>>, vector<1x1x16xf32>,
      } {sc.loop_unroll_factor = 4 : i64, sc.parallel_access}
      %add3A_201 = arith.constant 2 : i32
      %add3A_202 = arith.addi %mul3A_26, %add3A_201 : i32
      %dma_start3A_203 = arith.constant 2 : i32
      %dma_start3A_204 = arith.constant 2 : i32
      %dma_start3A_205 = arith.constant 0 : i32
      %dma_start3A_206 = arith.constant 0 : i32
      %dma_start3A_207 = tpu.memref_slice %arg9[%dma_start3A_203, %dma_start3A_205, %dma_start3A_206] : memref<5x80x16xf32, #tpu.memory_space<vmem>> -> memref<1x80x16xf32, #tpu.memory_space<vmem>>
      %dma_start3A_208 = tpu.memref_squeeze %dma_start3A_207 : memref<1x80x16xf32, #tpu.memory_space<vmem>> -> memref<80x16xf32, #tpu.memory_space<vmem>>
      %dma_start3A_209 = arith.constant 0 : i32
      %dma_start3A_210 = tpu.memref_slice %arg8[%add3A_202, %dma_start3A_209] : memref<125x80xi32, #tpu.memory_space<vmem>> -> memref<1x80xi32, #tpu.memory_space<vmem>>
      %dma_start3A_211 = tpu.memref_squeeze %dma_start3A_210 : memref<1x80xi32, #tpu.memory_space<vmem>> -> memref<80xi32, #tpu.memory_space<vmem>>
      %dma_start3A_212 = arith.constant 0 : i32
      %dma_start3A_213 = arith.constant 0 : i32
      %dma_start3A_214 = tpu.memref_slice %arg11[%dma_start3A_212, %dma_start3A_213] : memref<10112x16xf32, #tpu.memory_space<vmem_shared>> -> memref<10112x16xf32, #tpu.memory_space<vmem_shared>>
      %dma_start3A_215 = tpu.memref_slice %arg14[%dma_start3A_204] : memref<5x!tpu.dma_semaphore, #tpu.memory_space<semaphore_mem>> -> memref<1x!tpu.dma_semaphore, #tpu.memory_space<semaphore_mem>>
      %dma_start3A_216 = tpu.memref_squeeze %dma_start3A_215 : memref<1x!tpu.dma_semaphore, #tpu.memory_space<semaphore_mem>> -> memref<!tpu.dma_semaphore, #tpu.memory_space<semaphore_mem>>
      tpu.enqueue_indirect_dma source(%dma_start3A_208 : memref<80x16xf32, #tpu.memory_space<vmem>>) target(%dma_start3A_214 : memref<10112x16xf32, #tpu.memory_space<vmem_shared>>) offsets(%dma_start3A_211 : memref<80xi32, #tpu.memory_space<vmem>>) semaphore(%dma_start3A_216 : memref<!tpu.dma_semaphore, #tpu.memory_space<semaphore_mem>>) {add = true}
      %dma_wait3A_217 = arith.constant 3 : i32
      %dma_wait3A_218 = arith.constant 3 : i32
      %dma_wait3A_219 = arith.constant 0 : i32
      %dma_wait3A_220 = arith.constant 0 : i32
      %dma_wait3A_221 = tpu.memref_slice %arg9[%dma_wait3A_217, %dma_wait3A_219, %dma_wait3A_220] : memref<5x80x16xf32, #tpu.memory_space<vmem>> -> memref<1x80x16xf32, #tpu.memory_space<vmem>>
      %dma_wait3A_222 = tpu.memref_squeeze %dma_wait3A_221 : memref<1x80x16xf32, #tpu.memory_space<vmem>> -> memref<80x16xf32, #tpu.memory_space<vmem>>
      %dma_wait3A_223 = arith.constant 0 : i32
      %dma_wait3A_224 = tpu.memref_slice %arg7[%add3A_84, %dma_wait3A_223] : memref<125x80xi32, #tpu.memory_space<vmem>> -> memref<1x80xi32, #tpu.memory_space<vmem>>
      %dma_wait3A_225 = tpu.memref_squeeze %dma_wait3A_224 : memref<1x80xi32, #tpu.memory_space<vmem>> -> memref<80xi32, #tpu.memory_space<vmem>>
      %dma_wait3A_226 = arith.constant 0 : i32
      %dma_wait3A_227 = arith.constant 0 : i32
      %dma_wait3A_228 = tpu.memref_slice %arg2[%dma_wait3A_226, %dma_wait3A_227] : memref<10000x16xf32, #tpu.memory_space<hbm>> -> memref<10000x16xf32, #tpu.memory_space<hbm>>
      %dma_wait3A_229 = tpu.memref_slice %arg12[%dma_wait3A_218] : memref<5x!tpu.dma_semaphore, #tpu.memory_space<semaphore_mem>> -> memref<1x!tpu.dma_semaphore, #tpu.memory_space<semaphore_mem>>
      %dma_wait3A_230 = tpu.memref_squeeze %dma_wait3A_229 : memref<1x!tpu.dma_semaphore, #tpu.memory_space<semaphore_mem>> -> memref<!tpu.dma_semaphore, #tpu.memory_space<semaphore_mem>>
      tpu.wait_indirect_dma semaphore(%dma_wait3A_230 : memref<!tpu.dma_semaphore, #tpu.memory_space<semaphore_mem>>) src(%dma_wait3A_228 : memref<10000x16xf32, #tpu.memory_space<hbm>>) dst(%dma_wait3A_222 : memref<80x16xf32, #tpu.memory_space<vmem>>)
      %parallel_loop3A_231 = arith.constant 0 : i32
      %parallel_loop3A_232 = arith.constant 80 : i32
      %parallel_loop3A_233 = arith.constant 1 : i32
      scf.for %parallel_loop3A_353 = %parallel_loop3A_231 to %parallel_loop3A_232 step %parallel_loop3A_233  : i32 {
        %parallel_loop3A_354 = arith.constant 3 : i32
        %parallel_loop3A_355 = arith.index_cast %parallel_loop3A_354 : i32 to index
        %parallel_loop3A_356 = arith.index_cast %parallel_loop3A_353 : i32 to index
        %parallel_loop3A_357 = arith.constant 0 : index
        %parallel_loop3A_358 = tpu.vector_load %arg9[%parallel_loop3A_355, %parallel_loop3A_356, %parallel_loop3A_357] {strides = array<i32>} : memref<5x80x16xf32, #tpu.memory_space<vmem>>, vector<1x1x16xf32>,
        %parallel_loop3A_359 = vector.shape_cast %parallel_loop3A_358 : vector<1x1x16xf32> to vector<16xf32>
        %parallel_loop3A_360 = arith.constant 240 : i32
        %parallel_loop3A_361 = arith.addi %parallel_loop3A_360, %parallel_loop3A_353 : i32
        %parallel_loop3A_362 = arith.index_cast %parallel_loop3A_361 : i32 to index
        %parallel_loop3A_363 = arith.constant 0 : index
        %parallel_loop3A_364 = tpu.vector_load %arg10[%parallel_loop3A_362, %parallel_loop3A_363] {strides = array<i32>} : memref<400x16xf32, #tpu.memory_space<vmem>>, vector<1x16xf32>,
        %parallel_loop3A_365 = vector.shape_cast %parallel_loop3A_364 : vector<1x16xf32> to vector<16xf32>
        %parallel_loop3A_366 = arith.mulf %parallel_loop3A_359, %parallel_loop3A_365 : vector<16xf32>
        %parallel_loop3A_367 = arith.constant 3 : i32
        %parallel_loop3A_368 = arith.index_cast %parallel_loop3A_367 : i32 to index
        %parallel_loop3A_369 = arith.index_cast %parallel_loop3A_353 : i32 to index
        %parallel_loop3A_370 = arith.constant 0 : index
        %parallel_loop3A_371 = tpu.vector_load %arg9[%parallel_loop3A_368, %parallel_loop3A_369, %parallel_loop3A_370] {strides = array<i32>} : memref<5x80x16xf32, #tpu.memory_space<vmem>>, vector<1x1x16xf32>,
        %parallel_loop3A_372 = vector.shape_cast %parallel_loop3A_371 : vector<1x1x16xf32> to vector<16xf32>
        %parallel_loop3A_373 = vector.shape_cast %parallel_loop3A_366 : vector<16xf32> to vector<1x1x16xf32>
        tpu.vector_store %arg9[%parallel_loop3A_368, %parallel_loop3A_369, %parallel_loop3A_370], %parallel_loop3A_373 {strides = array<i32>} : memref<5x80x16xf32, #tpu.memory_space<vmem>>, vector<1x1x16xf32>,
      } {sc.loop_unroll_factor = 4 : i64, sc.parallel_access}
      %add3A_234 = arith.constant 3 : i32
      %add3A_235 = arith.addi %mul3A_26, %add3A_234 : i32
      %dma_start3A_236 = arith.constant 3 : i32
      %dma_start3A_237 = arith.constant 3 : i32
      %dma_start3A_238 = arith.constant 0 : i32
      %dma_start3A_239 = arith.constant 0 : i32
      %dma_start3A_240 = tpu.memref_slice %arg9[%dma_start3A_236, %dma_start3A_238, %dma_start3A_239] : memref<5x80x16xf32, #tpu.memory_space<vmem>> -> memref<1x80x16xf32, #tpu.memory_space<vmem>>
      %dma_start3A_241 = tpu.memref_squeeze %dma_start3A_240 : memref<1x80x16xf32, #tpu.memory_space<vmem>> -> memref<80x16xf32, #tpu.memory_space<vmem>>
      %dma_start3A_242 = arith.constant 0 : i32
      %dma_start3A_243 = tpu.memref_slice %arg8[%add3A_235, %dma_start3A_242] : memref<125x80xi32, #tpu.memory_space<vmem>> -> memref<1x80xi32, #tpu.memory_space<vmem>>
      %dma_start3A_244 = tpu.memref_squeeze %dma_start3A_243 : memref<1x80xi32, #tpu.memory_space<vmem>> -> memref<80xi32, #tpu.memory_space<vmem>>
      %dma_start3A_245 = arith.constant 0 : i32
      %dma_start3A_246 = arith.constant 0 : i32
      %dma_start3A_247 = tpu.memref_slice %arg11[%dma_start3A_245, %dma_start3A_246] : memref<10112x16xf32, #tpu.memory_space<vmem_shared>> -> memref<10112x16xf32, #tpu.memory_space<vmem_shared>>
      %dma_start3A_248 = tpu.memref_slice %arg14[%dma_start3A_237] : memref<5x!tpu.dma_semaphore, #tpu.memory_space<semaphore_mem>> -> memref<1x!tpu.dma_semaphore, #tpu.memory_space<semaphore_mem>>
      %dma_start3A_249 = tpu.memref_squeeze %dma_start3A_248 : memref<1x!tpu.dma_semaphore, #tpu.memory_space<semaphore_mem>> -> memref<!tpu.dma_semaphore, #tpu.memory_space<semaphore_mem>>
      tpu.enqueue_indirect_dma source(%dma_start3A_241 : memref<80x16xf32, #tpu.memory_space<vmem>>) target(%dma_start3A_247 : memref<10112x16xf32, #tpu.memory_space<vmem_shared>>) offsets(%dma_start3A_244 : memref<80xi32, #tpu.memory_space<vmem>>) semaphore(%dma_start3A_249 : memref<!tpu.dma_semaphore, #tpu.memory_space<semaphore_mem>>) {add = true}
      %dma_wait3A_250 = arith.constant 4 : i32
      %dma_wait3A_251 = arith.constant 4 : i32
      %dma_wait3A_252 = arith.constant 0 : i32
      %dma_wait3A_253 = arith.constant 0 : i32
      %dma_wait3A_254 = tpu.memref_slice %arg9[%dma_wait3A_250, %dma_wait3A_252, %dma_wait3A_253] : memref<5x80x16xf32, #tpu.memory_space<vmem>> -> memref<1x80x16xf32, #tpu.memory_space<vmem>>
      %dma_wait3A_255 = tpu.memref_squeeze %dma_wait3A_254 : memref<1x80x16xf32, #tpu.memory_space<vmem>> -> memref<80x16xf32, #tpu.memory_space<vmem>>
      %dma_wait3A_256 = arith.constant 0 : i32
      %dma_wait3A_257 = tpu.memref_slice %arg7[%add3A_100, %dma_wait3A_256] : memref<125x80xi32, #tpu.memory_space<vmem>> -> memref<1x80xi32, #tpu.memory_space<vmem>>
      %dma_wait3A_258 = tpu.memref_squeeze %dma_wait3A_257 : memref<1x80xi32, #tpu.memory_space<vmem>> -> memref<80xi32, #tpu.memory_space<vmem>>
      %dma_wait3A_259 = arith.constant 0 : i32
      %dma_wait3A_260 = arith.constant 0 : i32
      %dma_wait3A_261 = tpu.memref_slice %arg2[%dma_wait3A_259, %dma_wait3A_260] : memref<10000x16xf32, #tpu.memory_space<hbm>> -> memref<10000x16xf32, #tpu.memory_space<hbm>>
      %dma_wait3A_262 = tpu.memref_slice %arg12[%dma_wait3A_251] : memref<5x!tpu.dma_semaphore, #tpu.memory_space<semaphore_mem>> -> memref<1x!tpu.dma_semaphore, #tpu.memory_space<semaphore_mem>>
      %dma_wait3A_263 = tpu.memref_squeeze %dma_wait3A_262 : memref<1x!tpu.dma_semaphore, #tpu.memory_space<semaphore_mem>> -> memref<!tpu.dma_semaphore, #tpu.memory_space<semaphore_mem>>
      tpu.wait_indirect_dma semaphore(%dma_wait3A_263 : memref<!tpu.dma_semaphore, #tpu.memory_space<semaphore_mem>>) src(%dma_wait3A_261 : memref<10000x16xf32, #tpu.memory_space<hbm>>) dst(%dma_wait3A_255 : memref<80x16xf32, #tpu.memory_space<vmem>>)
      %parallel_loop3A_264 = arith.constant 0 : i32
      %parallel_loop3A_265 = arith.constant 80 : i32
      %parallel_loop3A_266 = arith.constant 1 : i32
      scf.for %parallel_loop3A_353 = %parallel_loop3A_264 to %parallel_loop3A_265 step %parallel_loop3A_266  : i32 {
        %parallel_loop3A_354 = arith.constant 4 : i32
        %parallel_loop3A_355 = arith.index_cast %parallel_loop3A_354 : i32 to index
        %parallel_loop3A_356 = arith.index_cast %parallel_loop3A_353 : i32 to index
        %parallel_loop3A_357 = arith.constant 0 : index
        %parallel_loop3A_358 = tpu.vector_load %arg9[%parallel_loop3A_355, %parallel_loop3A_356, %parallel_loop3A_357] {strides = array<i32>} : memref<5x80x16xf32, #tpu.memory_space<vmem>>, vector<1x1x16xf32>,
        %parallel_loop3A_359 = vector.shape_cast %parallel_loop3A_358 : vector<1x1x16xf32> to vector<16xf32>
        %parallel_loop3A_360 = arith.constant 320 : i32
        %parallel_loop3A_361 = arith.addi %parallel_loop3A_360, %parallel_loop3A_353 : i32
        %parallel_loop3A_362 = arith.index_cast %parallel_loop3A_361 : i32 to index
        %parallel_loop3A_363 = arith.constant 0 : index
        %parallel_loop3A_364 = tpu.vector_load %arg10[%parallel_loop3A_362, %parallel_loop3A_363] {strides = array<i32>} : memref<400x16xf32, #tpu.memory_space<vmem>>, vector<1x16xf32>,
        %parallel_loop3A_365 = vector.shape_cast %parallel_loop3A_364 : vector<1x16xf32> to vector<16xf32>
        %parallel_loop3A_366 = arith.mulf %parallel_loop3A_359, %parallel_loop3A_365 : vector<16xf32>
        %parallel_loop3A_367 = arith.constant 4 : i32
        %parallel_loop3A_368 = arith.index_cast %parallel_loop3A_367 : i32 to index
        %parallel_loop3A_369 = arith.index_cast %parallel_loop3A_353 : i32 to index
        %parallel_loop3A_370 = arith.constant 0 : index
        %parallel_loop3A_371 = tpu.vector_load %arg9[%parallel_loop3A_368, %parallel_loop3A_369, %parallel_loop3A_370] {strides = array<i32>} : memref<5x80x16xf32, #tpu.memory_space<vmem>>, vector<1x1x16xf32>,
        %parallel_loop3A_372 = vector.shape_cast %parallel_loop3A_371 : vector<1x1x16xf32> to vector<16xf32>
        %parallel_loop3A_373 = vector.shape_cast %parallel_loop3A_366 : vector<16xf32> to vector<1x1x16xf32>
        tpu.vector_store %arg9[%parallel_loop3A_368, %parallel_loop3A_369, %parallel_loop3A_370], %parallel_loop3A_373 {strides = array<i32>} : memref<5x80x16xf32, #tpu.memory_space<vmem>>, vector<1x1x16xf32>,
      } {sc.loop_unroll_factor = 4 : i64, sc.parallel_access}
      %add3A_267 = arith.constant 4 : i32
      %add3A_268 = arith.addi %mul3A_26, %add3A_267 : i32
      %dma_start3A_269 = arith.constant 4 : i32
      %dma_start3A_270 = arith.constant 4 : i32
      %dma_start3A_271 = arith.constant 0 : i32
      %dma_start3A_272 = arith.constant 0 : i32
      %dma_start3A_273 = tpu.memref_slice %arg9[%dma_start3A_269, %dma_start3A_271, %dma_start3A_272] : memref<5x80x16xf32, #tpu.memory_space<vmem>> -> memref<1x80x16xf32, #tpu.memory_space<vmem>>
      %dma_start3A_274 = tpu.memref_squeeze %dma_start3A_273 : memref<1x80x16xf32, #tpu.memory_space<vmem>> -> memref<80x16xf32, #tpu.memory_space<vmem>>
      %dma_start3A_275 = arith.constant 0 : i32
      %dma_start3A_276 = tpu.memref_slice %arg8[%add3A_268, %dma_start3A_275] : memref<125x80xi32, #tpu.memory_space<vmem>> -> memref<1x80xi32, #tpu.memory_space<vmem>>
      %dma_start3A_277 = tpu.memref_squeeze %dma_start3A_276 : memref<1x80xi32, #tpu.memory_space<vmem>> -> memref<80xi32, #tpu.memory_space<vmem>>
      %dma_start3A_278 = arith.constant 0 : i32
      %dma_start3A_279 = arith.constant 0 : i32
      %dma_start3A_280 = tpu.memref_slice %arg11[%dma_start3A_278, %dma_start3A_279] : memref<10112x16xf32, #tpu.memory_space<vmem_shared>> -> memref<10112x16xf32, #tpu.memory_space<vmem_shared>>
      %dma_start3A_281 = tpu.memref_slice %arg14[%dma_start3A_270] : memref<5x!tpu.dma_semaphore, #tpu.memory_space<semaphore_mem>> -> memref<1x!tpu.dma_semaphore, #tpu.memory_space<semaphore_mem>>
      %dma_start3A_282 = tpu.memref_squeeze %dma_start3A_281 : memref<1x!tpu.dma_semaphore, #tpu.memory_space<semaphore_mem>> -> memref<!tpu.dma_semaphore, #tpu.memory_space<semaphore_mem>>
      tpu.enqueue_indirect_dma source(%dma_start3A_274 : memref<80x16xf32, #tpu.memory_space<vmem>>) target(%dma_start3A_280 : memref<10112x16xf32, #tpu.memory_space<vmem_shared>>) offsets(%dma_start3A_277 : memref<80xi32, #tpu.memory_space<vmem>>) semaphore(%dma_start3A_282 : memref<!tpu.dma_semaphore, #tpu.memory_space<semaphore_mem>>) {add = true}
      %dma_wait3A_283 = arith.constant 0 : i32
      %dma_wait3A_284 = arith.constant 0 : i32
      %dma_wait3A_285 = arith.constant 0 : i32
      %dma_wait3A_286 = arith.constant 0 : i32
      %dma_wait3A_287 = tpu.memref_slice %arg9[%dma_wait3A_283, %dma_wait3A_285, %dma_wait3A_286] : memref<5x80x16xf32, #tpu.memory_space<vmem>> -> memref<1x80x16xf32, #tpu.memory_space<vmem>>
      %dma_wait3A_288 = tpu.memref_squeeze %dma_wait3A_287 : memref<1x80x16xf32, #tpu.memory_space<vmem>> -> memref<80x16xf32, #tpu.memory_space<vmem>>
      %dma_wait3A_289 = arith.constant 0 : i32
      %dma_wait3A_290 = tpu.memref_slice %arg8[%add3A_136, %dma_wait3A_289] : memref<125x80xi32, #tpu.memory_space<vmem>> -> memref<1x80xi32, #tpu.memory_space<vmem>>
      %dma_wait3A_291 = tpu.memref_squeeze %dma_wait3A_290 : memref<1x80xi32, #tpu.memory_space<vmem>> -> memref<80xi32, #tpu.memory_space<vmem>>
      %dma_wait3A_292 = arith.constant 0 : i32
      %dma_wait3A_293 = arith.constant 0 : i32
      %dma_wait3A_294 = tpu.memref_slice %arg11[%dma_wait3A_292, %dma_wait3A_293] : memref<10112x16xf32, #tpu.memory_space<vmem_shared>> -> memref<10112x16xf32, #tpu.memory_space<vmem_shared>>
      %dma_wait3A_295 = tpu.memref_slice %arg14[%dma_wait3A_284] : memref<5x!tpu.dma_semaphore, #tpu.memory_space<semaphore_mem>> -> memref<1x!tpu.dma_semaphore, #tpu.memory_space<semaphore_mem>>
      %dma_wait3A_296 = tpu.memref_squeeze %dma_wait3A_295 : memref<1x!tpu.dma_semaphore, #tpu.memory_space<semaphore_mem>> -> memref<!tpu.dma_semaphore, #tpu.memory_space<semaphore_mem>>
      tpu.wait_indirect_dma semaphore(%dma_wait3A_296 : memref<!tpu.dma_semaphore, #tpu.memory_space<semaphore_mem>>) src(%dma_wait3A_288 : memref<80x16xf32, #tpu.memory_space<vmem>>) dst(%dma_wait3A_294 : memref<10112x16xf32, #tpu.memory_space<vmem_shared>>)
      %dma_wait3A_297 = arith.constant 1 : i32
      %dma_wait3A_298 = arith.constant 1 : i32
      %dma_wait3A_299 = arith.constant 0 : i32
      %dma_wait3A_300 = arith.constant 0 : i32
      %dma_wait3A_301 = tpu.memref_slice %arg9[%dma_wait3A_297, %dma_wait3A_299, %dma_wait3A_300] : memref<5x80x16xf32, #tpu.memory_space<vmem>> -> memref<1x80x16xf32, #tpu.memory_space<vmem>>
      %dma_wait3A_302 = tpu.memref_squeeze %dma_wait3A_301 : memref<1x80x16xf32, #tpu.memory_space<vmem>> -> memref<80x16xf32, #tpu.memory_space<vmem>>
      %dma_wait3A_303 = arith.constant 0 : i32
      %dma_wait3A_304 = tpu.memref_slice %arg8[%add3A_169, %dma_wait3A_303] : memref<125x80xi32, #tpu.memory_space<vmem>> -> memref<1x80xi32, #tpu.memory_space<vmem>>
      %dma_wait3A_305 = tpu.memref_squeeze %dma_wait3A_304 : memref<1x80xi32, #tpu.memory_space<vmem>> -> memref<80xi32, #tpu.memory_space<vmem>>
      %dma_wait3A_306 = arith.constant 0 : i32
      %dma_wait3A_307 = arith.constant 0 : i32
      %dma_wait3A_308 = tpu.memref_slice %arg11[%dma_wait3A_306, %dma_wait3A_307] : memref<10112x16xf32, #tpu.memory_space<vmem_shared>> -> memref<10112x16xf32, #tpu.memory_space<vmem_shared>>
      %dma_wait3A_309 = tpu.memref_slice %arg14[%dma_wait3A_298] : memref<5x!tpu.dma_semaphore, #tpu.memory_space<semaphore_mem>> -> memref<1x!tpu.dma_semaphore, #tpu.memory_space<semaphore_mem>>
      %dma_wait3A_310 = tpu.memref_squeeze %dma_wait3A_309 : memref<1x!tpu.dma_semaphore, #tpu.memory_space<semaphore_mem>> -> memref<!tpu.dma_semaphore, #tpu.memory_space<semaphore_mem>>
      tpu.wait_indirect_dma semaphore(%dma_wait3A_310 : memref<!tpu.dma_semaphore, #tpu.memory_space<semaphore_mem>>) src(%dma_wait3A_302 : memref<80x16xf32, #tpu.memory_space<vmem>>) dst(%dma_wait3A_308 : memref<10112x16xf32, #tpu.memory_space<vmem_shared>>)
      %dma_wait3A_311 = arith.constant 2 : i32
      %dma_wait3A_312 = arith.constant 2 : i32
      %dma_wait3A_313 = arith.constant 0 : i32
      %dma_wait3A_314 = arith.constant 0 : i32
      %dma_wait3A_315 = tpu.memref_slice %arg9[%dma_wait3A_311, %dma_wait3A_313, %dma_wait3A_314] : memref<5x80x16xf32, #tpu.memory_space<vmem>> -> memref<1x80x16xf32, #tpu.memory_space<vmem>>
      %dma_wait3A_316 = tpu.memref_squeeze %dma_wait3A_315 : memref<1x80x16xf32, #tpu.memory_space<vmem>> -> memref<80x16xf32, #tpu.memory_space<vmem>>
      %dma_wait3A_317 = arith.constant 0 : i32
      %dma_wait3A_318 = tpu.memref_slice %arg8[%add3A_202, %dma_wait3A_317] : memref<125x80xi32, #tpu.memory_space<vmem>> -> memref<1x80xi32, #tpu.memory_space<vmem>>
      %dma_wait3A_319 = tpu.memref_squeeze %dma_wait3A_318 : memref<1x80xi32, #tpu.memory_space<vmem>> -> memref<80xi32, #tpu.memory_space<vmem>>
      %dma_wait3A_320 = arith.constant 0 : i32
      %dma_wait3A_321 = arith.constant 0 : i32
      %dma_wait3A_322 = tpu.memref_slice %arg11[%dma_wait3A_320, %dma_wait3A_321] : memref<10112x16xf32, #tpu.memory_space<vmem_shared>> -> memref<10112x16xf32, #tpu.memory_space<vmem_shared>>
      %dma_wait3A_323 = tpu.memref_slice %arg14[%dma_wait3A_312] : memref<5x!tpu.dma_semaphore, #tpu.memory_space<semaphore_mem>> -> memref<1x!tpu.dma_semaphore, #tpu.memory_space<semaphore_mem>>
      %dma_wait3A_324 = tpu.memref_squeeze %dma_wait3A_323 : memref<1x!tpu.dma_semaphore, #tpu.memory_space<semaphore_mem>> -> memref<!tpu.dma_semaphore, #tpu.memory_space<semaphore_mem>>
      tpu.wait_indirect_dma semaphore(%dma_wait3A_324 : memref<!tpu.dma_semaphore, #tpu.memory_space<semaphore_mem>>) src(%dma_wait3A_316 : memref<80x16xf32, #tpu.memory_space<vmem>>) dst(%dma_wait3A_322 : memref<10112x16xf32, #tpu.memory_space<vmem_shared>>)
      %dma_wait3A_325 = arith.constant 3 : i32
      %dma_wait3A_326 = arith.constant 3 : i32
      %dma_wait3A_327 = arith.constant 0 : i32
      %dma_wait3A_328 = arith.constant 0 : i32
      %dma_wait3A_329 = tpu.memref_slice %arg9[%dma_wait3A_325, %dma_wait3A_327, %dma_wait3A_328] : memref<5x80x16xf32, #tpu.memory_space<vmem>> -> memref<1x80x16xf32, #tpu.memory_space<vmem>>
      %dma_wait3A_330 = tpu.memref_squeeze %dma_wait3A_329 : memref<1x80x16xf32, #tpu.memory_space<vmem>> -> memref<80x16xf32, #tpu.memory_space<vmem>>
      %dma_wait3A_331 = arith.constant 0 : i32
      %dma_wait3A_332 = tpu.memref_slice %arg8[%add3A_235, %dma_wait3A_331] : memref<125x80xi32, #tpu.memory_space<vmem>> -> memref<1x80xi32, #tpu.memory_space<vmem>>
      %dma_wait3A_333 = tpu.memref_squeeze %dma_wait3A_332 : memref<1x80xi32, #tpu.memory_space<vmem>> -> memref<80xi32, #tpu.memory_space<vmem>>
      %dma_wait3A_334 = arith.constant 0 : i32
      %dma_wait3A_335 = arith.constant 0 : i32
      %dma_wait3A_336 = tpu.memref_slice %arg11[%dma_wait3A_334, %dma_wait3A_335] : memref<10112x16xf32, #tpu.memory_space<vmem_shared>> -> memref<10112x16xf32, #tpu.memory_space<vmem_shared>>
      %dma_wait3A_337 = tpu.memref_slice %arg14[%dma_wait3A_326] : memref<5x!tpu.dma_semaphore, #tpu.memory_space<semaphore_mem>> -> memref<1x!tpu.dma_semaphore, #tpu.memory_space<semaphore_mem>>
      %dma_wait3A_338 = tpu.memref_squeeze %dma_wait3A_337 : memref<1x!tpu.dma_semaphore, #tpu.memory_space<semaphore_mem>> -> memref<!tpu.dma_semaphore, #tpu.memory_space<semaphore_mem>>
      tpu.wait_indirect_dma semaphore(%dma_wait3A_338 : memref<!tpu.dma_semaphore, #tpu.memory_space<semaphore_mem>>) src(%dma_wait3A_330 : memref<80x16xf32, #tpu.memory_space<vmem>>) dst(%dma_wait3A_336 : memref<10112x16xf32, #tpu.memory_space<vmem_shared>>)
      %dma_wait3A_339 = arith.constant 4 : i32
      %dma_wait3A_340 = arith.constant 4 : i32
      %dma_wait3A_341 = arith.constant 0 : i32
      %dma_wait3A_342 = arith.constant 0 : i32
      %dma_wait3A_343 = tpu.memref_slice %arg9[%dma_wait3A_339, %dma_wait3A_341, %dma_wait3A_342] : memref<5x80x16xf32, #tpu.memory_space<vmem>> -> memref<1x80x16xf32, #tpu.memory_space<vmem>>
      %dma_wait3A_344 = tpu.memref_squeeze %dma_wait3A_343 : memref<1x80x16xf32, #tpu.memory_space<vmem>> -> memref<80x16xf32, #tpu.memory_space<vmem>>
      %dma_wait3A_345 = arith.constant 0 : i32
      %dma_wait3A_346 = tpu.memref_slice %arg8[%add3A_268, %dma_wait3A_345] : memref<125x80xi32, #tpu.memory_space<vmem>> -> memref<1x80xi32, #tpu.memory_space<vmem>>
      %dma_wait3A_347 = tpu.memref_squeeze %dma_wait3A_346 : memref<1x80xi32, #tpu.memory_space<vmem>> -> memref<80xi32, #tpu.memory_space<vmem>>
      %dma_wait3A_348 = arith.constant 0 : i32
      %dma_wait3A_349 = arith.constant 0 : i32
      %dma_wait3A_350 = tpu.memref_slice %arg11[%dma_wait3A_348, %dma_wait3A_349] : memref<10112x16xf32, #tpu.memory_space<vmem_shared>> -> memref<10112x16xf32, #tpu.memory_space<vmem_shared>>
      %dma_wait3A_351 = tpu.memref_slice %arg14[%dma_wait3A_340] : memref<5x!tpu.dma_semaphore, #tpu.memory_space<semaphore_mem>> -> memref<1x!tpu.dma_semaphore, #tpu.memory_space<semaphore_mem>>
      %dma_wait3A_352 = tpu.memref_squeeze %dma_wait3A_351 : memref<1x!tpu.dma_semaphore, #tpu.memory_space<semaphore_mem>> -> memref<!tpu.dma_semaphore, #tpu.memory_space<semaphore_mem>>
      tpu.wait_indirect_dma semaphore(%dma_wait3A_352 : memref<!tpu.dma_semaphore, #tpu.memory_space<semaphore_mem>>) src(%dma_wait3A_344 : memref<80x16xf32, #tpu.memory_space<vmem>>) dst(%dma_wait3A_350 : memref<10112x16xf32, #tpu.memory_space<vmem_shared>>)
    }
    %scan3A_15 = arith.constant 25 : i32
    %barrier3A_16 = arith.constant 0 : index
    tpu.barrier barrier_id(%barrier3A_16)
    %mul3A_17 = arith.constant 632 : i32
    %mul3A_18 = arith.muli %arg1, %mul3A_17 : i32
    %mul3A_19 = arith.constant 10112 : i32
    %mul3A_20 = arith.muli %arg0, %mul3A_19 : i32
    %mul3A_21 = arith.constant 632 : i32
    %mul3A_22 = arith.muli %arg1, %mul3A_21 : i32
    %add3A_23 = arith.addi %mul3A_20, %mul3A_22 : i32
    "tpu.region"() ({
      %run_scoped3A = tpu.sem_alloc : memref<!tpu.dma_semaphore, #tpu.memory_space<semaphore_mem>>
      %dma_start3A = arith.constant 0 : i32
      %dma_start3A_24 = tpu.memref_slice %arg6[%add3A_23, %dma_start3A] : memref<20224x16xf32, #tpu.memory_space<hbm>> -> memref<632x16xf32, #tpu.memory_space<hbm>>
      %dma_start3A_25 = arith.constant 0 : i32
      %dma_start3A_26 = tpu.memref_slice %arg11[%mul3A_18, %dma_start3A_25] : memref<10112x16xf32, #tpu.memory_space<vmem_shared>> -> memref<632x16xf32, #tpu.memory_space<vmem_shared>>
      tpu.enqueue_dma source(%dma_start3A_26 : memref<632x16xf32, #tpu.memory_space<vmem_shared>>) target(%dma_start3A_24 : memref<632x16xf32, #tpu.memory_space<hbm>>) target_semaphore(%run_scoped3A : memref<!tpu.dma_semaphore, #tpu.memory_space<semaphore_mem>>)
      %dma_wait3A = arith.constant 0 : i32
      %dma_wait3A_27 = tpu.memref_slice %arg6[%add3A_23, %dma_wait3A] : memref<20224x16xf32, #tpu.memory_space<hbm>> -> memref<632x16xf32, #tpu.memory_space<hbm>>
      %dma_wait3A_28 = arith.constant 0 : i32
      %dma_wait3A_29 = tpu.memref_slice %arg11[%mul3A_18, %dma_wait3A_28] : memref<10112x16xf32, #tpu.memory_space<vmem_shared>> -> memref<632x16xf32, #tpu.memory_space<vmem_shared>>
      tpu.wait_dma2 semaphore(%run_scoped3A : memref<!tpu.dma_semaphore, #tpu.memory_space<semaphore_mem>>) src(%dma_wait3A_29 : memref<632x16xf32, #tpu.memory_space<vmem_shared>>) dst(%dma_wait3A_27 : memref<632x16xf32, #tpu.memory_space<hbm>>)
      tpu.yield
    }) : () -> ()
    return
  }
}

#map = affine_map<(d0, d1) -> (0, 0)>
#map1 = affine_map<(d0, d1) -> (0, 0, 0)>
module attributes {stable_mosaic.version = 14 : i64} {
  func.func @k(%arg0: i32, %arg1: i32, %arg2: memref<10000x64xf32, #tpu.memory_space<hbm>>, %arg3: memref<320000x128xf32, #tpu.memory_space<hbm>>, %arg4: memref<32x125x80xi32, #tpu.memory_space<hbm>>, %arg5: memref<32x125x80xi32, #tpu.memory_space<hbm>>, %arg6: memref<20224x64xf32, #tpu.memory_space<hbm>>, %arg7: memref<125x80xi32, #tpu.memory_space<vmem>>, %arg8: memref<125x80xi32, #tpu.memory_space<vmem>>, %arg9: memref<5x80x64xf32, #tpu.memory_space<vmem>>, %arg10: memref<400x64xf32, #tpu.memory_space<vmem>>, %arg11: memref<10112x64xf32, #tpu.memory_space<vmem_shared>>, %arg12: memref<5x!tpu.dma_semaphore, #tpu.memory_space<semaphore_mem>>, %arg13: memref<!tpu.dma_semaphore, #tpu.memory_space<semaphore_mem>>, %arg14: memref<5x!tpu.dma_semaphore, #tpu.memory_space<semaphore_mem>>) attributes {dimension_semantics = [#tpu.dimension_semantics<core_parallel>, #tpu.dimension_semantics<subcore_parallel>], iteration_bounds = array<i64: 2, 16>, scalar_prefetch = 0 : i64, scratch_operands = 8 : i64, tpu.core_type = #tpu.core_type<sc_vector_subcore>, window_params = [{transform_indices = #map}, {transform_indices = #map}, {transform_indices = #map1}, {transform_indices = #map1}, {transform_indices = #map}]} {
    %mul3A = arith.constant 16 : i32
    %mul3A_0 = arith.muli %arg0, %mul3A : i32
    %add3A = arith.addi %mul3A_0, %arg1 : i32
    "tpu.region"() ({
      %run_scoped3A = tpu.sem_alloc : memref<!tpu.dma_semaphore, #tpu.memory_space<semaphore_mem>>
      %dma_start3A = arith.constant 0 : i32
      %dma_start3A_24 = arith.constant 0 : i32
      %dma_start3A_25 = tpu.memref_slice %arg4[%add3A, %dma_start3A, %dma_start3A_24] : memref<32x125x80xi32, #tpu.memory_space<hbm>> -> memref<1x125x80xi32, #tpu.memory_space<hbm>>
      %dma_start3A_26 = tpu.memref_squeeze %dma_start3A_25 : memref<1x125x80xi32, #tpu.memory_space<hbm>> -> memref<125x80xi32, #tpu.memory_space<hbm>>
      %dma_start3A_27 = arith.constant 0 : i32
      %dma_start3A_28 = arith.constant 0 : i32
      %dma_start3A_29 = tpu.memref_slice %arg4[%add3A, %dma_start3A_27, %dma_start3A_28] : memref<32x125x80xi32, #tpu.memory_space<hbm>> -> memref<1x125x80xi32, #tpu.memory_space<hbm>>
      %dma_start3A_30 = tpu.memref_squeeze %dma_start3A_29 : memref<1x125x80xi32, #tpu.memory_space<hbm>> -> memref<125x80xi32, #tpu.memory_space<hbm>>
      tpu.enqueue_dma source(%dma_start3A_30 : memref<125x80xi32, #tpu.memory_space<hbm>>) target(%arg7 : memref<125x80xi32, #tpu.memory_space<vmem>>) target_semaphore(%run_scoped3A : memref<!tpu.dma_semaphore, #tpu.memory_space<semaphore_mem>>)
      %dma_wait3A = arith.constant 0 : i32
      %dma_wait3A_31 = arith.constant 0 : i32
      %dma_wait3A_32 = tpu.memref_slice %arg4[%add3A, %dma_wait3A, %dma_wait3A_31] : memref<32x125x80xi32, #tpu.memory_space<hbm>> -> memref<1x125x80xi32, #tpu.memory_space<hbm>>
      %dma_wait3A_33 = tpu.memref_squeeze %dma_wait3A_32 : memref<1x125x80xi32, #tpu.memory_space<hbm>> -> memref<125x80xi32, #tpu.memory_space<hbm>>
      %dma_wait3A_34 = arith.constant 0 : i32
      %dma_wait3A_35 = arith.constant 0 : i32
      %dma_wait3A_36 = tpu.memref_slice %arg4[%add3A, %dma_wait3A_34, %dma_wait3A_35] : memref<32x125x80xi32, #tpu.memory_space<hbm>> -> memref<1x125x80xi32, #tpu.memory_space<hbm>>
      %dma_wait3A_37 = tpu.memref_squeeze %dma_wait3A_36 : memref<1x125x80xi32, #tpu.memory_space<hbm>> -> memref<125x80xi32, #tpu.memory_space<hbm>>
      tpu.wait_dma2 semaphore(%run_scoped3A : memref<!tpu.dma_semaphore, #tpu.memory_space<semaphore_mem>>) src(%dma_wait3A_37 : memref<125x80xi32, #tpu.memory_space<hbm>>) dst(%arg7 : memref<125x80xi32, #tpu.memory_space<vmem>>)
      tpu.yield
    }) : () -> ()
    "tpu.region"() ({
      %run_scoped3A = tpu.sem_alloc : memref<!tpu.dma_semaphore, #tpu.memory_space<semaphore_mem>>
      %dma_start3A = arith.constant 0 : i32
      %dma_start3A_24 = arith.constant 0 : i32
      %dma_start3A_25 = tpu.memref_slice %arg5[%add3A, %dma_start3A, %dma_start3A_24] : memref<32x125x80xi32, #tpu.memory_space<hbm>> -> memref<1x125x80xi32, #tpu.memory_space<hbm>>
      %dma_start3A_26 = tpu.memref_squeeze %dma_start3A_25 : memref<1x125x80xi32, #tpu.memory_space<hbm>> -> memref<125x80xi32, #tpu.memory_space<hbm>>
      %dma_start3A_27 = arith.constant 0 : i32
      %dma_start3A_28 = arith.constant 0 : i32
      %dma_start3A_29 = tpu.memref_slice %arg5[%add3A, %dma_start3A_27, %dma_start3A_28] : memref<32x125x80xi32, #tpu.memory_space<hbm>> -> memref<1x125x80xi32, #tpu.memory_space<hbm>>
      %dma_start3A_30 = tpu.memref_squeeze %dma_start3A_29 : memref<1x125x80xi32, #tpu.memory_space<hbm>> -> memref<125x80xi32, #tpu.memory_space<hbm>>
      tpu.enqueue_dma source(%dma_start3A_30 : memref<125x80xi32, #tpu.memory_space<hbm>>) target(%arg8 : memref<125x80xi32, #tpu.memory_space<vmem>>) target_semaphore(%run_scoped3A : memref<!tpu.dma_semaphore, #tpu.memory_space<semaphore_mem>>)
      %dma_wait3A = arith.constant 0 : i32
      %dma_wait3A_31 = arith.constant 0 : i32
      %dma_wait3A_32 = tpu.memref_slice %arg5[%add3A, %dma_wait3A, %dma_wait3A_31] : memref<32x125x80xi32, #tpu.memory_space<hbm>> -> memref<1x125x80xi32, #tpu.memory_space<hbm>>
      %dma_wait3A_33 = tpu.memref_squeeze %dma_wait3A_32 : memref<1x125x80xi32, #tpu.memory_space<hbm>> -> memref<125x80xi32, #tpu.memory_space<hbm>>
      %dma_wait3A_34 = arith.constant 0 : i32
      %dma_wait3A_35 = arith.constant 0 : i32
      %dma_wait3A_36 = tpu.memref_slice %arg5[%add3A, %dma_wait3A_34, %dma_wait3A_35] : memref<32x125x80xi32, #tpu.memory_space<hbm>> -> memref<1x125x80xi32, #tpu.memory_space<hbm>>
      %dma_wait3A_37 = tpu.memref_squeeze %dma_wait3A_36 : memref<1x125x80xi32, #tpu.memory_space<hbm>> -> memref<125x80xi32, #tpu.memory_space<hbm>>
      tpu.wait_dma2 semaphore(%run_scoped3A : memref<!tpu.dma_semaphore, #tpu.memory_space<semaphore_mem>>) src(%dma_wait3A_37 : memref<125x80xi32, #tpu.memory_space<hbm>>) dst(%arg8 : memref<125x80xi32, #tpu.memory_space<vmem>>)
      tpu.yield
    }) : () -> ()
    %parallel_loop3A = arith.constant 0 : i32
    %parallel_loop3A_1 = arith.constant 400 : i32
    %parallel_loop3A_2 = arith.constant 1 : i32
    scf.for %parallel_loop3A_24 = %parallel_loop3A to %parallel_loop3A_1 step %parallel_loop3A_2  : i32 {
      %parallel_loop3A_25 = arith.constant 0.000000e+00 : f32
      %parallel_loop3A_26 = vector.broadcast %parallel_loop3A_25 : f32 to vector<16xf32>
      %parallel_loop3A_27 = arith.index_cast %parallel_loop3A_24 : i32 to index
      %parallel_loop3A_28 = arith.constant 0 : index
      %parallel_loop3A_29 = tpu.vector_load %arg10[%parallel_loop3A_27, %parallel_loop3A_28] {strides = array<i32>} : memref<400x64xf32, #tpu.memory_space<vmem>>, vector<1x16xf32>,
      %parallel_loop3A_30 = vector.shape_cast %parallel_loop3A_29 : vector<1x16xf32> to vector<16xf32>
      %parallel_loop3A_31 = vector.shape_cast %parallel_loop3A_26 : vector<16xf32> to vector<1x16xf32>
      tpu.vector_store %arg10[%parallel_loop3A_27, %parallel_loop3A_28], %parallel_loop3A_31 {strides = array<i32>} : memref<400x64xf32, #tpu.memory_space<vmem>>, vector<1x16xf32>,
      %parallel_loop3A_32 = arith.constant 0.000000e+00 : f32
      %parallel_loop3A_33 = vector.broadcast %parallel_loop3A_32 : f32 to vector<16xf32>
      %parallel_loop3A_34 = arith.index_cast %parallel_loop3A_24 : i32 to index
      %parallel_loop3A_35 = arith.constant 16 : index
      %parallel_loop3A_36 = tpu.vector_load %arg10[%parallel_loop3A_34, %parallel_loop3A_35] {strides = array<i32>} : memref<400x64xf32, #tpu.memory_space<vmem>>, vector<1x16xf32>,
      %parallel_loop3A_37 = vector.shape_cast %parallel_loop3A_36 : vector<1x16xf32> to vector<16xf32>
      %parallel_loop3A_38 = vector.shape_cast %parallel_loop3A_33 : vector<16xf32> to vector<1x16xf32>
      tpu.vector_store %arg10[%parallel_loop3A_34, %parallel_loop3A_35], %parallel_loop3A_38 {strides = array<i32>} : memref<400x64xf32, #tpu.memory_space<vmem>>, vector<1x16xf32>,
      %parallel_loop3A_39 = arith.constant 0.000000e+00 : f32
      %parallel_loop3A_40 = vector.broadcast %parallel_loop3A_39 : f32 to vector<16xf32>
      %parallel_loop3A_41 = arith.index_cast %parallel_loop3A_24 : i32 to index
      %parallel_loop3A_42 = arith.constant 32 : index
      %parallel_loop3A_43 = tpu.vector_load %arg10[%parallel_loop3A_41, %parallel_loop3A_42] {strides = array<i32>} : memref<400x64xf32, #tpu.memory_space<vmem>>, vector<1x16xf32>,
      %parallel_loop3A_44 = vector.shape_cast %parallel_loop3A_43 : vector<1x16xf32> to vector<16xf32>
      %parallel_loop3A_45 = vector.shape_cast %parallel_loop3A_40 : vector<16xf32> to vector<1x16xf32>
      tpu.vector_store %arg10[%parallel_loop3A_41, %parallel_loop3A_42], %parallel_loop3A_45 {strides = array<i32>} : memref<400x64xf32, #tpu.memory_space<vmem>>, vector<1x16xf32>,
      %parallel_loop3A_46 = arith.constant 0.000000e+00 : f32
      %parallel_loop3A_47 = vector.broadcast %parallel_loop3A_46 : f32 to vector<16xf32>
      %parallel_loop3A_48 = arith.index_cast %parallel_loop3A_24 : i32 to index
      %parallel_loop3A_49 = arith.constant 48 : index
      %parallel_loop3A_50 = tpu.vector_load %arg10[%parallel_loop3A_48, %parallel_loop3A_49] {strides = array<i32>} : memref<400x64xf32, #tpu.memory_space<vmem>>, vector<1x16xf32>,
      %parallel_loop3A_51 = vector.shape_cast %parallel_loop3A_50 : vector<1x16xf32> to vector<16xf32>
      %parallel_loop3A_52 = vector.shape_cast %parallel_loop3A_47 : vector<16xf32> to vector<1x16xf32>
      tpu.vector_store %arg10[%parallel_loop3A_48, %parallel_loop3A_49], %parallel_loop3A_52 {strides = array<i32>} : memref<400x64xf32, #tpu.memory_space<vmem>>, vector<1x16xf32>,
    } {sc.loop_unroll_factor = 8 : i64, sc.parallel_access}
    %mul3A_3 = arith.constant 632 : i32
    %mul3A_4 = arith.muli %arg1, %mul3A_3 : i32
    %add3A_5 = arith.constant 0 : i32
    %add3A_6 = arith.addi %mul3A_4, %add3A_5 : i32
    "tpu.region"() ({
      %run_scoped3A = tpu.sem_alloc : memref<!tpu.dma_semaphore, #tpu.memory_space<semaphore_mem>>
      %dma_start3A = arith.constant 0 : i32
      %dma_start3A_24 = arith.constant 0 : i32
      %dma_start3A_25 = tpu.memref_slice %arg10[%dma_start3A, %dma_start3A_24] : memref<400x64xf32, #tpu.memory_space<vmem>> -> memref<400x64xf32, #tpu.memory_space<vmem>>
      %dma_start3A_26 = arith.constant 0 : i32
      %dma_start3A_27 = tpu.memref_slice %arg11[%add3A_6, %dma_start3A_26] : memref<10112x64xf32, #tpu.memory_space<vmem_shared>> -> memref<400x64xf32, #tpu.memory_space<vmem_shared>>
      %dma_start3A_28 = arith.constant 0 : i32
      %dma_start3A_29 = tpu.memref_slice %arg11[%add3A_6, %dma_start3A_28] : memref<10112x64xf32, #tpu.memory_space<vmem_shared>> -> memref<400x64xf32, #tpu.memory_space<vmem_shared>>
      %dma_start3A_30 = arith.constant 0 : i32
      %dma_start3A_31 = arith.constant 0 : i32
      %dma_start3A_32 = tpu.memref_slice %arg10[%dma_start3A_30, %dma_start3A_31] : memref<400x64xf32, #tpu.memory_space<vmem>> -> memref<400x64xf32, #tpu.memory_space<vmem>>
      tpu.enqueue_dma source(%dma_start3A_32 : memref<400x64xf32, #tpu.memory_space<vmem>>) target(%dma_start3A_29 : memref<400x64xf32, #tpu.memory_space<vmem_shared>>) target_semaphore(%run_scoped3A : memref<!tpu.dma_semaphore, #tpu.memory_space<semaphore_mem>>)
      %dma_wait3A = arith.constant 0 : i32
      %dma_wait3A_33 = arith.constant 0 : i32
      %dma_wait3A_34 = tpu.memref_slice %arg10[%dma_wait3A, %dma_wait3A_33] : memref<400x64xf32, #tpu.memory_space<vmem>> -> memref<400x64xf32, #tpu.memory_space<vmem>>
      %dma_wait3A_35 = arith.constant 0 : i32
      %dma_wait3A_36 = tpu.memref_slice %arg11[%add3A_6, %dma_wait3A_35] : memref<10112x64xf32, #tpu.memory_space<vmem_shared>> -> memref<400x64xf32, #tpu.memory_space<vmem_shared>>
      %dma_wait3A_37 = arith.constant 0 : i32
      %dma_wait3A_38 = tpu.memref_slice %arg11[%add3A_6, %dma_wait3A_37] : memref<10112x64xf32, #tpu.memory_space<vmem_shared>> -> memref<400x64xf32, #tpu.memory_space<vmem_shared>>
      %dma_wait3A_39 = arith.constant 0 : i32
      %dma_wait3A_40 = arith.constant 0 : i32
      %dma_wait3A_41 = tpu.memref_slice %arg10[%dma_wait3A_39, %dma_wait3A_40] : memref<400x64xf32, #tpu.memory_space<vmem>> -> memref<400x64xf32, #tpu.memory_space<vmem>>
      tpu.wait_dma2 semaphore(%run_scoped3A : memref<!tpu.dma_semaphore, #tpu.memory_space<semaphore_mem>>) src(%dma_wait3A_41 : memref<400x64xf32, #tpu.memory_space<vmem>>) dst(%dma_wait3A_38 : memref<400x64xf32, #tpu.memory_space<vmem_shared>>)
      tpu.yield
    }) : () -> ()
    %mul3A_7 = arith.constant 632 : i32
    %mul3A_8 = arith.muli %arg1, %mul3A_7 : i32
    %add3A_9 = arith.constant 400 : i32
    %add3A_10 = arith.addi %mul3A_8, %add3A_9 : i32
    "tpu.region"() ({
      %run_scoped3A = tpu.sem_alloc : memref<!tpu.dma_semaphore, #tpu.memory_space<semaphore_mem>>
      %dma_start3A = arith.constant 0 : i32
      %dma_start3A_24 = arith.constant 0 : i32
      %dma_start3A_25 = tpu.memref_slice %arg10[%dma_start3A, %dma_start3A_24] : memref<400x64xf32, #tpu.memory_space<vmem>> -> memref<232x64xf32, #tpu.memory_space<vmem>>
      %dma_start3A_26 = arith.constant 0 : i32
      %dma_start3A_27 = tpu.memref_slice %arg11[%add3A_10, %dma_start3A_26] : memref<10112x64xf32, #tpu.memory_space<vmem_shared>> -> memref<232x64xf32, #tpu.memory_space<vmem_shared>>
      %dma_start3A_28 = arith.constant 0 : i32
      %dma_start3A_29 = tpu.memref_slice %arg11[%add3A_10, %dma_start3A_28] : memref<10112x64xf32, #tpu.memory_space<vmem_shared>> -> memref<232x64xf32, #tpu.memory_space<vmem_shared>>
      %dma_start3A_30 = arith.constant 0 : i32
      %dma_start3A_31 = arith.constant 0 : i32
      %dma_start3A_32 = tpu.memref_slice %arg10[%dma_start3A_30, %dma_start3A_31] : memref<400x64xf32, #tpu.memory_space<vmem>> -> memref<232x64xf32, #tpu.memory_space<vmem>>
      tpu.enqueue_dma source(%dma_start3A_32 : memref<232x64xf32, #tpu.memory_space<vmem>>) target(%dma_start3A_29 : memref<232x64xf32, #tpu.memory_space<vmem_shared>>) target_semaphore(%run_scoped3A : memref<!tpu.dma_semaphore, #tpu.memory_space<semaphore_mem>>)
      %dma_wait3A = arith.constant 0 : i32
      %dma_wait3A_33 = arith.constant 0 : i32
      %dma_wait3A_34 = tpu.memref_slice %arg10[%dma_wait3A, %dma_wait3A_33] : memref<400x64xf32, #tpu.memory_space<vmem>> -> memref<232x64xf32, #tpu.memory_space<vmem>>
      %dma_wait3A_35 = arith.constant 0 : i32
      %dma_wait3A_36 = tpu.memref_slice %arg11[%add3A_10, %dma_wait3A_35] : memref<10112x64xf32, #tpu.memory_space<vmem_shared>> -> memref<232x64xf32, #tpu.memory_space<vmem_shared>>
      %dma_wait3A_37 = arith.constant 0 : i32
      %dma_wait3A_38 = tpu.memref_slice %arg11[%add3A_10, %dma_wait3A_37] : memref<10112x64xf32, #tpu.memory_space<vmem_shared>> -> memref<232x64xf32, #tpu.memory_space<vmem_shared>>
      %dma_wait3A_39 = arith.constant 0 : i32
      %dma_wait3A_40 = arith.constant 0 : i32
      %dma_wait3A_41 = tpu.memref_slice %arg10[%dma_wait3A_39, %dma_wait3A_40] : memref<400x64xf32, #tpu.memory_space<vmem>> -> memref<232x64xf32, #tpu.memory_space<vmem>>
      tpu.wait_dma2 semaphore(%run_scoped3A : memref<!tpu.dma_semaphore, #tpu.memory_space<semaphore_mem>>) src(%dma_wait3A_41 : memref<232x64xf32, #tpu.memory_space<vmem>>) dst(%dma_wait3A_38 : memref<232x64xf32, #tpu.memory_space<vmem_shared>>)
      tpu.yield
    }) : () -> ()
    %barrier3A = arith.constant 0 : index
    tpu.barrier barrier_id(%barrier3A)
    %scan3A = arith.constant 0 : i32
    %scan3A_11 = arith.constant 0 : i32
    %scan3A_12 = arith.constant 25 : i32
    %scan3A_13 = arith.addi %scan3A_11, %scan3A_12 : i32
    %scan3A_14 = arith.constant 1 : i32
    scf.for %scan3A_24 = %scan3A_11 to %scan3A_13 step %scan3A_14  : i32 {
      %mul3A_25 = arith.constant 5 : i32
      %mul3A_26 = arith.muli %scan3A_24, %mul3A_25 : i32
      %mul3A_27 = arith.constant 10000 : i32
      %mul3A_28 = arith.muli %add3A, %mul3A_27 : i32
      %mul3A_29 = arith.constant 80 : i32
      %mul3A_30 = arith.muli %mul3A_26, %mul3A_29 : i32
      %add3A_31 = arith.addi %mul3A_28, %mul3A_30 : i32
      %multiple_of3A = tpu.assume_multiple %add3A_31, 8 : i32
      %dma_start3A = arith.constant 16 : i32
      %dma_start3A_32 = tpu.memref_slice %arg3[%multiple_of3A, %dma_start3A] : memref<320000x128xf32, #tpu.memory_space<hbm>> -> memref<400x64xf32, #tpu.memory_space<hbm>>
      %dma_start3A_33 = arith.constant 16 : i32
      %dma_start3A_34 = tpu.memref_slice %arg3[%multiple_of3A, %dma_start3A_33] : memref<320000x128xf32, #tpu.memory_space<hbm>> -> memref<400x64xf32, #tpu.memory_space<hbm>>
      tpu.enqueue_dma source(%dma_start3A_34 : memref<400x64xf32, #tpu.memory_space<hbm>>) target(%arg10 : memref<400x64xf32, #tpu.memory_space<vmem>>) target_semaphore(%arg13 : memref<!tpu.dma_semaphore, #tpu.memory_space<semaphore_mem>>)
      %add3A_35 = arith.constant 0 : i32
      %add3A_36 = arith.addi %mul3A_26, %add3A_35 : i32
      %dma_start3A_37 = arith.constant 0 : i32
      %dma_start3A_38 = arith.constant 0 : i32
      %dma_start3A_39 = arith.constant 0 : i32
      %dma_start3A_40 = arith.constant 0 : i32
      %dma_start3A_41 = tpu.memref_slice %arg9[%dma_start3A_37, %dma_start3A_39, %dma_start3A_40] : memref<5x80x64xf32, #tpu.memory_space<vmem>> -> memref<1x80x64xf32, #tpu.memory_space<vmem>>
      %dma_start3A_42 = tpu.memref_squeeze %dma_start3A_41 : memref<1x80x64xf32, #tpu.memory_space<vmem>> -> memref<80x64xf32, #tpu.memory_space<vmem>>
      %dma_start3A_43 = arith.constant 0 : i32
      %dma_start3A_44 = tpu.memref_slice %arg7[%add3A_36, %dma_start3A_43] : memref<125x80xi32, #tpu.memory_space<vmem>> -> memref<1x80xi32, #tpu.memory_space<vmem>>
      %dma_start3A_45 = tpu.memref_squeeze %dma_start3A_44 : memref<1x80xi32, #tpu.memory_space<vmem>> -> memref<80xi32, #tpu.memory_space<vmem>>
      %dma_start3A_46 = arith.constant 0 : i32
      %dma_start3A_47 = arith.constant 0 : i32
      %dma_start3A_48 = tpu.memref_slice %arg2[%dma_start3A_46, %dma_start3A_47] : memref<10000x64xf32, #tpu.memory_space<hbm>> -> memref<10000x64xf32, #tpu.memory_space<hbm>>
      %dma_start3A_49 = tpu.memref_slice %arg12[%dma_start3A_38] : memref<5x!tpu.dma_semaphore, #tpu.memory_space<semaphore_mem>> -> memref<1x!tpu.dma_semaphore, #tpu.memory_space<semaphore_mem>>
      %dma_start3A_50 = tpu.memref_squeeze %dma_start3A_49 : memref<1x!tpu.dma_semaphore, #tpu.memory_space<semaphore_mem>> -> memref<!tpu.dma_semaphore, #tpu.memory_space<semaphore_mem>>
      tpu.enqueue_indirect_dma source(%dma_start3A_48 : memref<10000x64xf32, #tpu.memory_space<hbm>>) target(%dma_start3A_42 : memref<80x64xf32, #tpu.memory_space<vmem>>) offsets(%dma_start3A_45 : memref<80xi32, #tpu.memory_space<vmem>>) semaphore(%dma_start3A_50 : memref<!tpu.dma_semaphore, #tpu.memory_space<semaphore_mem>>)
      %add3A_51 = arith.constant 1 : i32
      %add3A_52 = arith.addi %mul3A_26, %add3A_51 : i32
      %dma_start3A_53 = arith.constant 1 : i32
      %dma_start3A_54 = arith.constant 1 : i32
      %dma_start3A_55 = arith.constant 0 : i32
      %dma_start3A_56 = arith.constant 0 : i32
      %dma_start3A_57 = tpu.memref_slice %arg9[%dma_start3A_53, %dma_start3A_55, %dma_start3A_56] : memref<5x80x64xf32, #tpu.memory_space<vmem>> -> memref<1x80x64xf32, #tpu.memory_space<vmem>>
      %dma_start3A_58 = tpu.memref_squeeze %dma_start3A_57 : memref<1x80x64xf32, #tpu.memory_space<vmem>> -> memref<80x64xf32, #tpu.memory_space<vmem>>
      %dma_start3A_59 = arith.constant 0 : i32
      %dma_start3A_60 = tpu.memref_slice %arg7[%add3A_52, %dma_start3A_59] : memref<125x80xi32, #tpu.memory_space<vmem>> -> memref<1x80xi32, #tpu.memory_space<vmem>>
      %dma_start3A_61 = tpu.memref_squeeze %dma_start3A_60 : memref<1x80xi32, #tpu.memory_space<vmem>> -> memref<80xi32, #tpu.memory_space<vmem>>
      %dma_start3A_62 = arith.constant 0 : i32
      %dma_start3A_63 = arith.constant 0 : i32
      %dma_start3A_64 = tpu.memref_slice %arg2[%dma_start3A_62, %dma_start3A_63] : memref<10000x64xf32, #tpu.memory_space<hbm>> -> memref<10000x64xf32, #tpu.memory_space<hbm>>
      %dma_start3A_65 = tpu.memref_slice %arg12[%dma_start3A_54] : memref<5x!tpu.dma_semaphore, #tpu.memory_space<semaphore_mem>> -> memref<1x!tpu.dma_semaphore, #tpu.memory_space<semaphore_mem>>
      %dma_start3A_66 = tpu.memref_squeeze %dma_start3A_65 : memref<1x!tpu.dma_semaphore, #tpu.memory_space<semaphore_mem>> -> memref<!tpu.dma_semaphore, #tpu.memory_space<semaphore_mem>>
      tpu.enqueue_indirect_dma source(%dma_start3A_64 : memref<10000x64xf32, #tpu.memory_space<hbm>>) target(%dma_start3A_58 : memref<80x64xf32, #tpu.memory_space<vmem>>) offsets(%dma_start3A_61 : memref<80xi32, #tpu.memory_space<vmem>>) semaphore(%dma_start3A_66 : memref<!tpu.dma_semaphore, #tpu.memory_space<semaphore_mem>>)
      %add3A_67 = arith.constant 2 : i32
      %add3A_68 = arith.addi %mul3A_26, %add3A_67 : i32
      %dma_start3A_69 = arith.constant 2 : i32
      %dma_start3A_70 = arith.constant 2 : i32
      %dma_start3A_71 = arith.constant 0 : i32
      %dma_start3A_72 = arith.constant 0 : i32
      %dma_start3A_73 = tpu.memref_slice %arg9[%dma_start3A_69, %dma_start3A_71, %dma_start3A_72] : memref<5x80x64xf32, #tpu.memory_space<vmem>> -> memref<1x80x64xf32, #tpu.memory_space<vmem>>
      %dma_start3A_74 = tpu.memref_squeeze %dma_start3A_73 : memref<1x80x64xf32, #tpu.memory_space<vmem>> -> memref<80x64xf32, #tpu.memory_space<vmem>>
      %dma_start3A_75 = arith.constant 0 : i32
      %dma_start3A_76 = tpu.memref_slice %arg7[%add3A_68, %dma_start3A_75] : memref<125x80xi32, #tpu.memory_space<vmem>> -> memref<1x80xi32, #tpu.memory_space<vmem>>
      %dma_start3A_77 = tpu.memref_squeeze %dma_start3A_76 : memref<1x80xi32, #tpu.memory_space<vmem>> -> memref<80xi32, #tpu.memory_space<vmem>>
      %dma_start3A_78 = arith.constant 0 : i32
      %dma_start3A_79 = arith.constant 0 : i32
      %dma_start3A_80 = tpu.memref_slice %arg2[%dma_start3A_78, %dma_start3A_79] : memref<10000x64xf32, #tpu.memory_space<hbm>> -> memref<10000x64xf32, #tpu.memory_space<hbm>>
      %dma_start3A_81 = tpu.memref_slice %arg12[%dma_start3A_70] : memref<5x!tpu.dma_semaphore, #tpu.memory_space<semaphore_mem>> -> memref<1x!tpu.dma_semaphore, #tpu.memory_space<semaphore_mem>>
      %dma_start3A_82 = tpu.memref_squeeze %dma_start3A_81 : memref<1x!tpu.dma_semaphore, #tpu.memory_space<semaphore_mem>> -> memref<!tpu.dma_semaphore, #tpu.memory_space<semaphore_mem>>
      tpu.enqueue_indirect_dma source(%dma_start3A_80 : memref<10000x64xf32, #tpu.memory_space<hbm>>) target(%dma_start3A_74 : memref<80x64xf32, #tpu.memory_space<vmem>>) offsets(%dma_start3A_77 : memref<80xi32, #tpu.memory_space<vmem>>) semaphore(%dma_start3A_82 : memref<!tpu.dma_semaphore, #tpu.memory_space<semaphore_mem>>)
      %add3A_83 = arith.constant 3 : i32
      %add3A_84 = arith.addi %mul3A_26, %add3A_83 : i32
      %dma_start3A_85 = arith.constant 3 : i32
      %dma_start3A_86 = arith.constant 3 : i32
      %dma_start3A_87 = arith.constant 0 : i32
      %dma_start3A_88 = arith.constant 0 : i32
      %dma_start3A_89 = tpu.memref_slice %arg9[%dma_start3A_85, %dma_start3A_87, %dma_start3A_88] : memref<5x80x64xf32, #tpu.memory_space<vmem>> -> memref<1x80x64xf32, #tpu.memory_space<vmem>>
      %dma_start3A_90 = tpu.memref_squeeze %dma_start3A_89 : memref<1x80x64xf32, #tpu.memory_space<vmem>> -> memref<80x64xf32, #tpu.memory_space<vmem>>
      %dma_start3A_91 = arith.constant 0 : i32
      %dma_start3A_92 = tpu.memref_slice %arg7[%add3A_84, %dma_start3A_91] : memref<125x80xi32, #tpu.memory_space<vmem>> -> memref<1x80xi32, #tpu.memory_space<vmem>>
      %dma_start3A_93 = tpu.memref_squeeze %dma_start3A_92 : memref<1x80xi32, #tpu.memory_space<vmem>> -> memref<80xi32, #tpu.memory_space<vmem>>
      %dma_start3A_94 = arith.constant 0 : i32
      %dma_start3A_95 = arith.constant 0 : i32
      %dma_start3A_96 = tpu.memref_slice %arg2[%dma_start3A_94, %dma_start3A_95] : memref<10000x64xf32, #tpu.memory_space<hbm>> -> memref<10000x64xf32, #tpu.memory_space<hbm>>
      %dma_start3A_97 = tpu.memref_slice %arg12[%dma_start3A_86] : memref<5x!tpu.dma_semaphore, #tpu.memory_space<semaphore_mem>> -> memref<1x!tpu.dma_semaphore, #tpu.memory_space<semaphore_mem>>
      %dma_start3A_98 = tpu.memref_squeeze %dma_start3A_97 : memref<1x!tpu.dma_semaphore, #tpu.memory_space<semaphore_mem>> -> memref<!tpu.dma_semaphore, #tpu.memory_space<semaphore_mem>>
      tpu.enqueue_indirect_dma source(%dma_start3A_96 : memref<10000x64xf32, #tpu.memory_space<hbm>>) target(%dma_start3A_90 : memref<80x64xf32, #tpu.memory_space<vmem>>) offsets(%dma_start3A_93 : memref<80xi32, #tpu.memory_space<vmem>>) semaphore(%dma_start3A_98 : memref<!tpu.dma_semaphore, #tpu.memory_space<semaphore_mem>>)
      %add3A_99 = arith.constant 4 : i32
      %add3A_100 = arith.addi %mul3A_26, %add3A_99 : i32
      %dma_start3A_101 = arith.constant 4 : i32
      %dma_start3A_102 = arith.constant 4 : i32
      %dma_start3A_103 = arith.constant 0 : i32
      %dma_start3A_104 = arith.constant 0 : i32
      %dma_start3A_105 = tpu.memref_slice %arg9[%dma_start3A_101, %dma_start3A_103, %dma_start3A_104] : memref<5x80x64xf32, #tpu.memory_space<vmem>> -> memref<1x80x64xf32, #tpu.memory_space<vmem>>
      %dma_start3A_106 = tpu.memref_squeeze %dma_start3A_105 : memref<1x80x64xf32, #tpu.memory_space<vmem>> -> memref<80x64xf32, #tpu.memory_space<vmem>>
      %dma_start3A_107 = arith.constant 0 : i32
      %dma_start3A_108 = tpu.memref_slice %arg7[%add3A_100, %dma_start3A_107] : memref<125x80xi32, #tpu.memory_space<vmem>> -> memref<1x80xi32, #tpu.memory_space<vmem>>
      %dma_start3A_109 = tpu.memref_squeeze %dma_start3A_108 : memref<1x80xi32, #tpu.memory_space<vmem>> -> memref<80xi32, #tpu.memory_space<vmem>>
      %dma_start3A_110 = arith.constant 0 : i32
      %dma_start3A_111 = arith.constant 0 : i32
      %dma_start3A_112 = tpu.memref_slice %arg2[%dma_start3A_110, %dma_start3A_111] : memref<10000x64xf32, #tpu.memory_space<hbm>> -> memref<10000x64xf32, #tpu.memory_space<hbm>>
      %dma_start3A_113 = tpu.memref_slice %arg12[%dma_start3A_102] : memref<5x!tpu.dma_semaphore, #tpu.memory_space<semaphore_mem>> -> memref<1x!tpu.dma_semaphore, #tpu.memory_space<semaphore_mem>>
      %dma_start3A_114 = tpu.memref_squeeze %dma_start3A_113 : memref<1x!tpu.dma_semaphore, #tpu.memory_space<semaphore_mem>> -> memref<!tpu.dma_semaphore, #tpu.memory_space<semaphore_mem>>
      tpu.enqueue_indirect_dma source(%dma_start3A_112 : memref<10000x64xf32, #tpu.memory_space<hbm>>) target(%dma_start3A_106 : memref<80x64xf32, #tpu.memory_space<vmem>>) offsets(%dma_start3A_109 : memref<80xi32, #tpu.memory_space<vmem>>) semaphore(%dma_start3A_114 : memref<!tpu.dma_semaphore, #tpu.memory_space<semaphore_mem>>)
      %dma_wait3A = arith.constant 16 : i32
      %dma_wait3A_115 = tpu.memref_slice %arg3[%multiple_of3A, %dma_wait3A] : memref<320000x128xf32, #tpu.memory_space<hbm>> -> memref<400x64xf32, #tpu.memory_space<hbm>>
      %dma_wait3A_116 = arith.constant 16 : i32
      %dma_wait3A_117 = tpu.memref_slice %arg3[%multiple_of3A, %dma_wait3A_116] : memref<320000x128xf32, #tpu.memory_space<hbm>> -> memref<400x64xf32, #tpu.memory_space<hbm>>
      tpu.wait_dma2 semaphore(%arg13 : memref<!tpu.dma_semaphore, #tpu.memory_space<semaphore_mem>>) src(%dma_wait3A_117 : memref<400x64xf32, #tpu.memory_space<hbm>>) dst(%arg10 : memref<400x64xf32, #tpu.memory_space<vmem>>)
      %dma_wait3A_118 = arith.constant 0 : i32
      %dma_wait3A_119 = arith.constant 0 : i32
      %dma_wait3A_120 = arith.constant 0 : i32
      %dma_wait3A_121 = arith.constant 0 : i32
      %dma_wait3A_122 = tpu.memref_slice %arg9[%dma_wait3A_118, %dma_wait3A_120, %dma_wait3A_121] : memref<5x80x64xf32, #tpu.memory_space<vmem>> -> memref<1x80x64xf32, #tpu.memory_space<vmem>>
      %dma_wait3A_123 = tpu.memref_squeeze %dma_wait3A_122 : memref<1x80x64xf32, #tpu.memory_space<vmem>> -> memref<80x64xf32, #tpu.memory_space<vmem>>
      %dma_wait3A_124 = arith.constant 0 : i32
      %dma_wait3A_125 = tpu.memref_slice %arg7[%add3A_36, %dma_wait3A_124] : memref<125x80xi32, #tpu.memory_space<vmem>> -> memref<1x80xi32, #tpu.memory_space<vmem>>
      %dma_wait3A_126 = tpu.memref_squeeze %dma_wait3A_125 : memref<1x80xi32, #tpu.memory_space<vmem>> -> memref<80xi32, #tpu.memory_space<vmem>>
      %dma_wait3A_127 = arith.constant 0 : i32
      %dma_wait3A_128 = arith.constant 0 : i32
      %dma_wait3A_129 = tpu.memref_slice %arg2[%dma_wait3A_127, %dma_wait3A_128] : memref<10000x64xf32, #tpu.memory_space<hbm>> -> memref<10000x64xf32, #tpu.memory_space<hbm>>
      %dma_wait3A_130 = tpu.memref_slice %arg12[%dma_wait3A_119] : memref<5x!tpu.dma_semaphore, #tpu.memory_space<semaphore_mem>> -> memref<1x!tpu.dma_semaphore, #tpu.memory_space<semaphore_mem>>
      %dma_wait3A_131 = tpu.memref_squeeze %dma_wait3A_130 : memref<1x!tpu.dma_semaphore, #tpu.memory_space<semaphore_mem>> -> memref<!tpu.dma_semaphore, #tpu.memory_space<semaphore_mem>>
      tpu.wait_indirect_dma semaphore(%dma_wait3A_131 : memref<!tpu.dma_semaphore, #tpu.memory_space<semaphore_mem>>) src(%dma_wait3A_129 : memref<10000x64xf32, #tpu.memory_space<hbm>>) dst(%dma_wait3A_123 : memref<80x64xf32, #tpu.memory_space<vmem>>)
      %parallel_loop3A_132 = arith.constant 0 : i32
      %parallel_loop3A_133 = arith.constant 80 : i32
      %parallel_loop3A_134 = arith.constant 1 : i32
      scf.for %parallel_loop3A_353 = %parallel_loop3A_132 to %parallel_loop3A_133 step %parallel_loop3A_134  : i32 {
        %parallel_loop3A_354 = arith.constant 0 : i32
        %parallel_loop3A_355 = arith.index_cast %parallel_loop3A_354 : i32 to index
        %parallel_loop3A_356 = arith.index_cast %parallel_loop3A_353 : i32 to index
        %parallel_loop3A_357 = arith.constant 0 : index
        %parallel_loop3A_358 = tpu.vector_load %arg9[%parallel_loop3A_355, %parallel_loop3A_356, %parallel_loop3A_357] {strides = array<i32>} : memref<5x80x64xf32, #tpu.memory_space<vmem>>, vector<1x1x16xf32>,
        %parallel_loop3A_359 = vector.shape_cast %parallel_loop3A_358 : vector<1x1x16xf32> to vector<16xf32>
        %parallel_loop3A_360 = arith.constant 0 : i32
        %parallel_loop3A_361 = arith.addi %parallel_loop3A_360, %parallel_loop3A_353 : i32
        %parallel_loop3A_362 = arith.index_cast %parallel_loop3A_361 : i32 to index
        %parallel_loop3A_363 = arith.constant 0 : index
        %parallel_loop3A_364 = tpu.vector_load %arg10[%parallel_loop3A_362, %parallel_loop3A_363] {strides = array<i32>} : memref<400x64xf32, #tpu.memory_space<vmem>>, vector<1x16xf32>,
        %parallel_loop3A_365 = vector.shape_cast %parallel_loop3A_364 : vector<1x16xf32> to vector<16xf32>
        %parallel_loop3A_366 = arith.mulf %parallel_loop3A_359, %parallel_loop3A_365 : vector<16xf32>
        %parallel_loop3A_367 = arith.constant 0 : i32
        %parallel_loop3A_368 = arith.index_cast %parallel_loop3A_367 : i32 to index
        %parallel_loop3A_369 = arith.index_cast %parallel_loop3A_353 : i32 to index
        %parallel_loop3A_370 = arith.constant 0 : index
        %parallel_loop3A_371 = tpu.vector_load %arg9[%parallel_loop3A_368, %parallel_loop3A_369, %parallel_loop3A_370] {strides = array<i32>} : memref<5x80x64xf32, #tpu.memory_space<vmem>>, vector<1x1x16xf32>,
        %parallel_loop3A_372 = vector.shape_cast %parallel_loop3A_371 : vector<1x1x16xf32> to vector<16xf32>
        %parallel_loop3A_373 = vector.shape_cast %parallel_loop3A_366 : vector<16xf32> to vector<1x1x16xf32>
        tpu.vector_store %arg9[%parallel_loop3A_368, %parallel_loop3A_369, %parallel_loop3A_370], %parallel_loop3A_373 {strides = array<i32>} : memref<5x80x64xf32, #tpu.memory_space<vmem>>, vector<1x1x16xf32>,
        %parallel_loop3A_374 = arith.constant 0 : i32
        %parallel_loop3A_375 = arith.index_cast %parallel_loop3A_374 : i32 to index
        %parallel_loop3A_376 = arith.index_cast %parallel_loop3A_353 : i32 to index
        %parallel_loop3A_377 = arith.constant 16 : index
        %parallel_loop3A_378 = tpu.vector_load %arg9[%parallel_loop3A_375, %parallel_loop3A_376, %parallel_loop3A_377] {strides = array<i32>} : memref<5x80x64xf32, #tpu.memory_space<vmem>>, vector<1x1x16xf32>,
        %parallel_loop3A_379 = vector.shape_cast %parallel_loop3A_378 : vector<1x1x16xf32> to vector<16xf32>
        %parallel_loop3A_380 = arith.constant 0 : i32
        %parallel_loop3A_381 = arith.addi %parallel_loop3A_380, %parallel_loop3A_353 : i32
        %parallel_loop3A_382 = arith.index_cast %parallel_loop3A_381 : i32 to index
        %parallel_loop3A_383 = arith.constant 16 : index
        %parallel_loop3A_384 = tpu.vector_load %arg10[%parallel_loop3A_382, %parallel_loop3A_383] {strides = array<i32>} : memref<400x64xf32, #tpu.memory_space<vmem>>, vector<1x16xf32>,
        %parallel_loop3A_385 = vector.shape_cast %parallel_loop3A_384 : vector<1x16xf32> to vector<16xf32>
        %parallel_loop3A_386 = arith.mulf %parallel_loop3A_379, %parallel_loop3A_385 : vector<16xf32>
        %parallel_loop3A_387 = arith.constant 0 : i32
        %parallel_loop3A_388 = arith.index_cast %parallel_loop3A_387 : i32 to index
        %parallel_loop3A_389 = arith.index_cast %parallel_loop3A_353 : i32 to index
        %parallel_loop3A_390 = arith.constant 16 : index
        %parallel_loop3A_391 = tpu.vector_load %arg9[%parallel_loop3A_388, %parallel_loop3A_389, %parallel_loop3A_390] {strides = array<i32>} : memref<5x80x64xf32, #tpu.memory_space<vmem>>, vector<1x1x16xf32>,
        %parallel_loop3A_392 = vector.shape_cast %parallel_loop3A_391 : vector<1x1x16xf32> to vector<16xf32>
        %parallel_loop3A_393 = vector.shape_cast %parallel_loop3A_386 : vector<16xf32> to vector<1x1x16xf32>
        tpu.vector_store %arg9[%parallel_loop3A_388, %parallel_loop3A_389, %parallel_loop3A_390], %parallel_loop3A_393 {strides = array<i32>} : memref<5x80x64xf32, #tpu.memory_space<vmem>>, vector<1x1x16xf32>,
        %parallel_loop3A_394 = arith.constant 0 : i32
        %parallel_loop3A_395 = arith.index_cast %parallel_loop3A_394 : i32 to index
        %parallel_loop3A_396 = arith.index_cast %parallel_loop3A_353 : i32 to index
        %parallel_loop3A_397 = arith.constant 32 : index
        %parallel_loop3A_398 = tpu.vector_load %arg9[%parallel_loop3A_395, %parallel_loop3A_396, %parallel_loop3A_397] {strides = array<i32>} : memref<5x80x64xf32, #tpu.memory_space<vmem>>, vector<1x1x16xf32>,
        %parallel_loop3A_399 = vector.shape_cast %parallel_loop3A_398 : vector<1x1x16xf32> to vector<16xf32>
        %parallel_loop3A_400 = arith.constant 0 : i32
        %parallel_loop3A_401 = arith.addi %parallel_loop3A_400, %parallel_loop3A_353 : i32
        %parallel_loop3A_402 = arith.index_cast %parallel_loop3A_401 : i32 to index
        %parallel_loop3A_403 = arith.constant 32 : index
        %parallel_loop3A_404 = tpu.vector_load %arg10[%parallel_loop3A_402, %parallel_loop3A_403] {strides = array<i32>} : memref<400x64xf32, #tpu.memory_space<vmem>>, vector<1x16xf32>,
        %parallel_loop3A_405 = vector.shape_cast %parallel_loop3A_404 : vector<1x16xf32> to vector<16xf32>
        %parallel_loop3A_406 = arith.mulf %parallel_loop3A_399, %parallel_loop3A_405 : vector<16xf32>
        %parallel_loop3A_407 = arith.constant 0 : i32
        %parallel_loop3A_408 = arith.index_cast %parallel_loop3A_407 : i32 to index
        %parallel_loop3A_409 = arith.index_cast %parallel_loop3A_353 : i32 to index
        %parallel_loop3A_410 = arith.constant 32 : index
        %parallel_loop3A_411 = tpu.vector_load %arg9[%parallel_loop3A_408, %parallel_loop3A_409, %parallel_loop3A_410] {strides = array<i32>} : memref<5x80x64xf32, #tpu.memory_space<vmem>>, vector<1x1x16xf32>,
        %parallel_loop3A_412 = vector.shape_cast %parallel_loop3A_411 : vector<1x1x16xf32> to vector<16xf32>
        %parallel_loop3A_413 = vector.shape_cast %parallel_loop3A_406 : vector<16xf32> to vector<1x1x16xf32>
        tpu.vector_store %arg9[%parallel_loop3A_408, %parallel_loop3A_409, %parallel_loop3A_410], %parallel_loop3A_413 {strides = array<i32>} : memref<5x80x64xf32, #tpu.memory_space<vmem>>, vector<1x1x16xf32>,
        %parallel_loop3A_414 = arith.constant 0 : i32
        %parallel_loop3A_415 = arith.index_cast %parallel_loop3A_414 : i32 to index
        %parallel_loop3A_416 = arith.index_cast %parallel_loop3A_353 : i32 to index
        %parallel_loop3A_417 = arith.constant 48 : index
        %parallel_loop3A_418 = tpu.vector_load %arg9[%parallel_loop3A_415, %parallel_loop3A_416, %parallel_loop3A_417] {strides = array<i32>} : memref<5x80x64xf32, #tpu.memory_space<vmem>>, vector<1x1x16xf32>,
        %parallel_loop3A_419 = vector.shape_cast %parallel_loop3A_418 : vector<1x1x16xf32> to vector<16xf32>
        %parallel_loop3A_420 = arith.constant 0 : i32
        %parallel_loop3A_421 = arith.addi %parallel_loop3A_420, %parallel_loop3A_353 : i32
        %parallel_loop3A_422 = arith.index_cast %parallel_loop3A_421 : i32 to index
        %parallel_loop3A_423 = arith.constant 48 : index
        %parallel_loop3A_424 = tpu.vector_load %arg10[%parallel_loop3A_422, %parallel_loop3A_423] {strides = array<i32>} : memref<400x64xf32, #tpu.memory_space<vmem>>, vector<1x16xf32>,
        %parallel_loop3A_425 = vector.shape_cast %parallel_loop3A_424 : vector<1x16xf32> to vector<16xf32>
        %parallel_loop3A_426 = arith.mulf %parallel_loop3A_419, %parallel_loop3A_425 : vector<16xf32>
        %parallel_loop3A_427 = arith.constant 0 : i32
        %parallel_loop3A_428 = arith.index_cast %parallel_loop3A_427 : i32 to index
        %parallel_loop3A_429 = arith.index_cast %parallel_loop3A_353 : i32 to index
        %parallel_loop3A_430 = arith.constant 48 : index
        %parallel_loop3A_431 = tpu.vector_load %arg9[%parallel_loop3A_428, %parallel_loop3A_429, %parallel_loop3A_430] {strides = array<i32>} : memref<5x80x64xf32, #tpu.memory_space<vmem>>, vector<1x1x16xf32>,
        %parallel_loop3A_432 = vector.shape_cast %parallel_loop3A_431 : vector<1x1x16xf32> to vector<16xf32>
        %parallel_loop3A_433 = vector.shape_cast %parallel_loop3A_426 : vector<16xf32> to vector<1x1x16xf32>
        tpu.vector_store %arg9[%parallel_loop3A_428, %parallel_loop3A_429, %parallel_loop3A_430], %parallel_loop3A_433 {strides = array<i32>} : memref<5x80x64xf32, #tpu.memory_space<vmem>>, vector<1x1x16xf32>,
      } {sc.loop_unroll_factor = 4 : i64, sc.parallel_access}
      %add3A_135 = arith.constant 0 : i32
      %add3A_136 = arith.addi %mul3A_26, %add3A_135 : i32
      %dma_start3A_137 = arith.constant 0 : i32
      %dma_start3A_138 = arith.constant 0 : i32
      %dma_start3A_139 = arith.constant 0 : i32
      %dma_start3A_140 = arith.constant 0 : i32
      %dma_start3A_141 = tpu.memref_slice %arg9[%dma_start3A_137, %dma_start3A_139, %dma_start3A_140] : memref<5x80x64xf32, #tpu.memory_space<vmem>> -> memref<1x80x64xf32, #tpu.memory_space<vmem>>
      %dma_start3A_142 = tpu.memref_squeeze %dma_start3A_141 : memref<1x80x64xf32, #tpu.memory_space<vmem>> -> memref<80x64xf32, #tpu.memory_space<vmem>>
      %dma_start3A_143 = arith.constant 0 : i32
      %dma_start3A_144 = tpu.memref_slice %arg8[%add3A_136, %dma_start3A_143] : memref<125x80xi32, #tpu.memory_space<vmem>> -> memref<1x80xi32, #tpu.memory_space<vmem>>
      %dma_start3A_145 = tpu.memref_squeeze %dma_start3A_144 : memref<1x80xi32, #tpu.memory_space<vmem>> -> memref<80xi32, #tpu.memory_space<vmem>>
      %dma_start3A_146 = arith.constant 0 : i32
      %dma_start3A_147 = arith.constant 0 : i32
      %dma_start3A_148 = tpu.memref_slice %arg11[%dma_start3A_146, %dma_start3A_147] : memref<10112x64xf32, #tpu.memory_space<vmem_shared>> -> memref<10112x64xf32, #tpu.memory_space<vmem_shared>>
      %dma_start3A_149 = tpu.memref_slice %arg14[%dma_start3A_138] : memref<5x!tpu.dma_semaphore, #tpu.memory_space<semaphore_mem>> -> memref<1x!tpu.dma_semaphore, #tpu.memory_space<semaphore_mem>>
      %dma_start3A_150 = tpu.memref_squeeze %dma_start3A_149 : memref<1x!tpu.dma_semaphore, #tpu.memory_space<semaphore_mem>> -> memref<!tpu.dma_semaphore, #tpu.memory_space<semaphore_mem>>
      tpu.enqueue_indirect_dma source(%dma_start3A_142 : memref<80x64xf32, #tpu.memory_space<vmem>>) target(%dma_start3A_148 : memref<10112x64xf32, #tpu.memory_space<vmem_shared>>) offsets(%dma_start3A_145 : memref<80xi32, #tpu.memory_space<vmem>>) semaphore(%dma_start3A_150 : memref<!tpu.dma_semaphore, #tpu.memory_space<semaphore_mem>>) {add = true}
      %dma_wait3A_151 = arith.constant 1 : i32
      %dma_wait3A_152 = arith.constant 1 : i32
      %dma_wait3A_153 = arith.constant 0 : i32
      %dma_wait3A_154 = arith.constant 0 : i32
      %dma_wait3A_155 = tpu.memref_slice %arg9[%dma_wait3A_151, %dma_wait3A_153, %dma_wait3A_154] : memref<5x80x64xf32, #tpu.memory_space<vmem>> -> memref<1x80x64xf32, #tpu.memory_space<vmem>>
      %dma_wait3A_156 = tpu.memref_squeeze %dma_wait3A_155 : memref<1x80x64xf32, #tpu.memory_space<vmem>> -> memref<80x64xf32, #tpu.memory_space<vmem>>
      %dma_wait3A_157 = arith.constant 0 : i32
      %dma_wait3A_158 = tpu.memref_slice %arg7[%add3A_52, %dma_wait3A_157] : memref<125x80xi32, #tpu.memory_space<vmem>> -> memref<1x80xi32, #tpu.memory_space<vmem>>
      %dma_wait3A_159 = tpu.memref_squeeze %dma_wait3A_158 : memref<1x80xi32, #tpu.memory_space<vmem>> -> memref<80xi32, #tpu.memory_space<vmem>>
      %dma_wait3A_160 = arith.constant 0 : i32
      %dma_wait3A_161 = arith.constant 0 : i32
      %dma_wait3A_162 = tpu.memref_slice %arg2[%dma_wait3A_160, %dma_wait3A_161] : memref<10000x64xf32, #tpu.memory_space<hbm>> -> memref<10000x64xf32, #tpu.memory_space<hbm>>
      %dma_wait3A_163 = tpu.memref_slice %arg12[%dma_wait3A_152] : memref<5x!tpu.dma_semaphore, #tpu.memory_space<semaphore_mem>> -> memref<1x!tpu.dma_semaphore, #tpu.memory_space<semaphore_mem>>
      %dma_wait3A_164 = tpu.memref_squeeze %dma_wait3A_163 : memref<1x!tpu.dma_semaphore, #tpu.memory_space<semaphore_mem>> -> memref<!tpu.dma_semaphore, #tpu.memory_space<semaphore_mem>>
      tpu.wait_indirect_dma semaphore(%dma_wait3A_164 : memref<!tpu.dma_semaphore, #tpu.memory_space<semaphore_mem>>) src(%dma_wait3A_162 : memref<10000x64xf32, #tpu.memory_space<hbm>>) dst(%dma_wait3A_156 : memref<80x64xf32, #tpu.memory_space<vmem>>)
      %parallel_loop3A_165 = arith.constant 0 : i32
      %parallel_loop3A_166 = arith.constant 80 : i32
      %parallel_loop3A_167 = arith.constant 1 : i32
      scf.for %parallel_loop3A_353 = %parallel_loop3A_165 to %parallel_loop3A_166 step %parallel_loop3A_167  : i32 {
        %parallel_loop3A_354 = arith.constant 1 : i32
        %parallel_loop3A_355 = arith.index_cast %parallel_loop3A_354 : i32 to index
        %parallel_loop3A_356 = arith.index_cast %parallel_loop3A_353 : i32 to index
        %parallel_loop3A_357 = arith.constant 0 : index
        %parallel_loop3A_358 = tpu.vector_load %arg9[%parallel_loop3A_355, %parallel_loop3A_356, %parallel_loop3A_357] {strides = array<i32>} : memref<5x80x64xf32, #tpu.memory_space<vmem>>, vector<1x1x16xf32>,
        %parallel_loop3A_359 = vector.shape_cast %parallel_loop3A_358 : vector<1x1x16xf32> to vector<16xf32>
        %parallel_loop3A_360 = arith.constant 80 : i32
        %parallel_loop3A_361 = arith.addi %parallel_loop3A_360, %parallel_loop3A_353 : i32
        %parallel_loop3A_362 = arith.index_cast %parallel_loop3A_361 : i32 to index
        %parallel_loop3A_363 = arith.constant 0 : index
        %parallel_loop3A_364 = tpu.vector_load %arg10[%parallel_loop3A_362, %parallel_loop3A_363] {strides = array<i32>} : memref<400x64xf32, #tpu.memory_space<vmem>>, vector<1x16xf32>,
        %parallel_loop3A_365 = vector.shape_cast %parallel_loop3A_364 : vector<1x16xf32> to vector<16xf32>
        %parallel_loop3A_366 = arith.mulf %parallel_loop3A_359, %parallel_loop3A_365 : vector<16xf32>
        %parallel_loop3A_367 = arith.constant 1 : i32
        %parallel_loop3A_368 = arith.index_cast %parallel_loop3A_367 : i32 to index
        %parallel_loop3A_369 = arith.index_cast %parallel_loop3A_353 : i32 to index
        %parallel_loop3A_370 = arith.constant 0 : index
        %parallel_loop3A_371 = tpu.vector_load %arg9[%parallel_loop3A_368, %parallel_loop3A_369, %parallel_loop3A_370] {strides = array<i32>} : memref<5x80x64xf32, #tpu.memory_space<vmem>>, vector<1x1x16xf32>,
        %parallel_loop3A_372 = vector.shape_cast %parallel_loop3A_371 : vector<1x1x16xf32> to vector<16xf32>
        %parallel_loop3A_373 = vector.shape_cast %parallel_loop3A_366 : vector<16xf32> to vector<1x1x16xf32>
        tpu.vector_store %arg9[%parallel_loop3A_368, %parallel_loop3A_369, %parallel_loop3A_370], %parallel_loop3A_373 {strides = array<i32>} : memref<5x80x64xf32, #tpu.memory_space<vmem>>, vector<1x1x16xf32>,
        %parallel_loop3A_374 = arith.constant 1 : i32
        %parallel_loop3A_375 = arith.index_cast %parallel_loop3A_374 : i32 to index
        %parallel_loop3A_376 = arith.index_cast %parallel_loop3A_353 : i32 to index
        %parallel_loop3A_377 = arith.constant 16 : index
        %parallel_loop3A_378 = tpu.vector_load %arg9[%parallel_loop3A_375, %parallel_loop3A_376, %parallel_loop3A_377] {strides = array<i32>} : memref<5x80x64xf32, #tpu.memory_space<vmem>>, vector<1x1x16xf32>,
        %parallel_loop3A_379 = vector.shape_cast %parallel_loop3A_378 : vector<1x1x16xf32> to vector<16xf32>
        %parallel_loop3A_380 = arith.constant 80 : i32
        %parallel_loop3A_381 = arith.addi %parallel_loop3A_380, %parallel_loop3A_353 : i32
        %parallel_loop3A_382 = arith.index_cast %parallel_loop3A_381 : i32 to index
        %parallel_loop3A_383 = arith.constant 16 : index
        %parallel_loop3A_384 = tpu.vector_load %arg10[%parallel_loop3A_382, %parallel_loop3A_383] {strides = array<i32>} : memref<400x64xf32, #tpu.memory_space<vmem>>, vector<1x16xf32>,
        %parallel_loop3A_385 = vector.shape_cast %parallel_loop3A_384 : vector<1x16xf32> to vector<16xf32>
        %parallel_loop3A_386 = arith.mulf %parallel_loop3A_379, %parallel_loop3A_385 : vector<16xf32>
        %parallel_loop3A_387 = arith.constant 1 : i32
        %parallel_loop3A_388 = arith.index_cast %parallel_loop3A_387 : i32 to index
        %parallel_loop3A_389 = arith.index_cast %parallel_loop3A_353 : i32 to index
        %parallel_loop3A_390 = arith.constant 16 : index
        %parallel_loop3A_391 = tpu.vector_load %arg9[%parallel_loop3A_388, %parallel_loop3A_389, %parallel_loop3A_390] {strides = array<i32>} : memref<5x80x64xf32, #tpu.memory_space<vmem>>, vector<1x1x16xf32>,
        %parallel_loop3A_392 = vector.shape_cast %parallel_loop3A_391 : vector<1x1x16xf32> to vector<16xf32>
        %parallel_loop3A_393 = vector.shape_cast %parallel_loop3A_386 : vector<16xf32> to vector<1x1x16xf32>
        tpu.vector_store %arg9[%parallel_loop3A_388, %parallel_loop3A_389, %parallel_loop3A_390], %parallel_loop3A_393 {strides = array<i32>} : memref<5x80x64xf32, #tpu.memory_space<vmem>>, vector<1x1x16xf32>,
        %parallel_loop3A_394 = arith.constant 1 : i32
        %parallel_loop3A_395 = arith.index_cast %parallel_loop3A_394 : i32 to index
        %parallel_loop3A_396 = arith.index_cast %parallel_loop3A_353 : i32 to index
        %parallel_loop3A_397 = arith.constant 32 : index
        %parallel_loop3A_398 = tpu.vector_load %arg9[%parallel_loop3A_395, %parallel_loop3A_396, %parallel_loop3A_397] {strides = array<i32>} : memref<5x80x64xf32, #tpu.memory_space<vmem>>, vector<1x1x16xf32>,
        %parallel_loop3A_399 = vector.shape_cast %parallel_loop3A_398 : vector<1x1x16xf32> to vector<16xf32>
        %parallel_loop3A_400 = arith.constant 80 : i32
        %parallel_loop3A_401 = arith.addi %parallel_loop3A_400, %parallel_loop3A_353 : i32
        %parallel_loop3A_402 = arith.index_cast %parallel_loop3A_401 : i32 to index
        %parallel_loop3A_403 = arith.constant 32 : index
        %parallel_loop3A_404 = tpu.vector_load %arg10[%parallel_loop3A_402, %parallel_loop3A_403] {strides = array<i32>} : memref<400x64xf32, #tpu.memory_space<vmem>>, vector<1x16xf32>,
        %parallel_loop3A_405 = vector.shape_cast %parallel_loop3A_404 : vector<1x16xf32> to vector<16xf32>
        %parallel_loop3A_406 = arith.mulf %parallel_loop3A_399, %parallel_loop3A_405 : vector<16xf32>
        %parallel_loop3A_407 = arith.constant 1 : i32
        %parallel_loop3A_408 = arith.index_cast %parallel_loop3A_407 : i32 to index
        %parallel_loop3A_409 = arith.index_cast %parallel_loop3A_353 : i32 to index
        %parallel_loop3A_410 = arith.constant 32 : index
        %parallel_loop3A_411 = tpu.vector_load %arg9[%parallel_loop3A_408, %parallel_loop3A_409, %parallel_loop3A_410] {strides = array<i32>} : memref<5x80x64xf32, #tpu.memory_space<vmem>>, vector<1x1x16xf32>,
        %parallel_loop3A_412 = vector.shape_cast %parallel_loop3A_411 : vector<1x1x16xf32> to vector<16xf32>
        %parallel_loop3A_413 = vector.shape_cast %parallel_loop3A_406 : vector<16xf32> to vector<1x1x16xf32>
        tpu.vector_store %arg9[%parallel_loop3A_408, %parallel_loop3A_409, %parallel_loop3A_410], %parallel_loop3A_413 {strides = array<i32>} : memref<5x80x64xf32, #tpu.memory_space<vmem>>, vector<1x1x16xf32>,
        %parallel_loop3A_414 = arith.constant 1 : i32
        %parallel_loop3A_415 = arith.index_cast %parallel_loop3A_414 : i32 to index
        %parallel_loop3A_416 = arith.index_cast %parallel_loop3A_353 : i32 to index
        %parallel_loop3A_417 = arith.constant 48 : index
        %parallel_loop3A_418 = tpu.vector_load %arg9[%parallel_loop3A_415, %parallel_loop3A_416, %parallel_loop3A_417] {strides = array<i32>} : memref<5x80x64xf32, #tpu.memory_space<vmem>>, vector<1x1x16xf32>,
        %parallel_loop3A_419 = vector.shape_cast %parallel_loop3A_418 : vector<1x1x16xf32> to vector<16xf32>
        %parallel_loop3A_420 = arith.constant 80 : i32
        %parallel_loop3A_421 = arith.addi %parallel_loop3A_420, %parallel_loop3A_353 : i32
        %parallel_loop3A_422 = arith.index_cast %parallel_loop3A_421 : i32 to index
        %parallel_loop3A_423 = arith.constant 48 : index
        %parallel_loop3A_424 = tpu.vector_load %arg10[%parallel_loop3A_422, %parallel_loop3A_423] {strides = array<i32>} : memref<400x64xf32, #tpu.memory_space<vmem>>, vector<1x16xf32>,
        %parallel_loop3A_425 = vector.shape_cast %parallel_loop3A_424 : vector<1x16xf32> to vector<16xf32>
        %parallel_loop3A_426 = arith.mulf %parallel_loop3A_419, %parallel_loop3A_425 : vector<16xf32>
        %parallel_loop3A_427 = arith.constant 1 : i32
        %parallel_loop3A_428 = arith.index_cast %parallel_loop3A_427 : i32 to index
        %parallel_loop3A_429 = arith.index_cast %parallel_loop3A_353 : i32 to index
        %parallel_loop3A_430 = arith.constant 48 : index
        %parallel_loop3A_431 = tpu.vector_load %arg9[%parallel_loop3A_428, %parallel_loop3A_429, %parallel_loop3A_430] {strides = array<i32>} : memref<5x80x64xf32, #tpu.memory_space<vmem>>, vector<1x1x16xf32>,
        %parallel_loop3A_432 = vector.shape_cast %parallel_loop3A_431 : vector<1x1x16xf32> to vector<16xf32>
        %parallel_loop3A_433 = vector.shape_cast %parallel_loop3A_426 : vector<16xf32> to vector<1x1x16xf32>
        tpu.vector_store %arg9[%parallel_loop3A_428, %parallel_loop3A_429, %parallel_loop3A_430], %parallel_loop3A_433 {strides = array<i32>} : memref<5x80x64xf32, #tpu.memory_space<vmem>>, vector<1x1x16xf32>,
      } {sc.loop_unroll_factor = 4 : i64, sc.parallel_access}
      %add3A_168 = arith.constant 1 : i32
      %add3A_169 = arith.addi %mul3A_26, %add3A_168 : i32
      %dma_start3A_170 = arith.constant 1 : i32
      %dma_start3A_171 = arith.constant 1 : i32
      %dma_start3A_172 = arith.constant 0 : i32
      %dma_start3A_173 = arith.constant 0 : i32
      %dma_start3A_174 = tpu.memref_slice %arg9[%dma_start3A_170, %dma_start3A_172, %dma_start3A_173] : memref<5x80x64xf32, #tpu.memory_space<vmem>> -> memref<1x80x64xf32, #tpu.memory_space<vmem>>
      %dma_start3A_175 = tpu.memref_squeeze %dma_start3A_174 : memref<1x80x64xf32, #tpu.memory_space<vmem>> -> memref<80x64xf32, #tpu.memory_space<vmem>>
      %dma_start3A_176 = arith.constant 0 : i32
      %dma_start3A_177 = tpu.memref_slice %arg8[%add3A_169, %dma_start3A_176] : memref<125x80xi32, #tpu.memory_space<vmem>> -> memref<1x80xi32, #tpu.memory_space<vmem>>
      %dma_start3A_178 = tpu.memref_squeeze %dma_start3A_177 : memref<1x80xi32, #tpu.memory_space<vmem>> -> memref<80xi32, #tpu.memory_space<vmem>>
      %dma_start3A_179 = arith.constant 0 : i32
      %dma_start3A_180 = arith.constant 0 : i32
      %dma_start3A_181 = tpu.memref_slice %arg11[%dma_start3A_179, %dma_start3A_180] : memref<10112x64xf32, #tpu.memory_space<vmem_shared>> -> memref<10112x64xf32, #tpu.memory_space<vmem_shared>>
      %dma_start3A_182 = tpu.memref_slice %arg14[%dma_start3A_171] : memref<5x!tpu.dma_semaphore, #tpu.memory_space<semaphore_mem>> -> memref<1x!tpu.dma_semaphore, #tpu.memory_space<semaphore_mem>>
      %dma_start3A_183 = tpu.memref_squeeze %dma_start3A_182 : memref<1x!tpu.dma_semaphore, #tpu.memory_space<semaphore_mem>> -> memref<!tpu.dma_semaphore, #tpu.memory_space<semaphore_mem>>
      tpu.enqueue_indirect_dma source(%dma_start3A_175 : memref<80x64xf32, #tpu.memory_space<vmem>>) target(%dma_start3A_181 : memref<10112x64xf32, #tpu.memory_space<vmem_shared>>) offsets(%dma_start3A_178 : memref<80xi32, #tpu.memory_space<vmem>>) semaphore(%dma_start3A_183 : memref<!tpu.dma_semaphore, #tpu.memory_space<semaphore_mem>>) {add = true}
      %dma_wait3A_184 = arith.constant 2 : i32
      %dma_wait3A_185 = arith.constant 2 : i32
      %dma_wait3A_186 = arith.constant 0 : i32
      %dma_wait3A_187 = arith.constant 0 : i32
      %dma_wait3A_188 = tpu.memref_slice %arg9[%dma_wait3A_184, %dma_wait3A_186, %dma_wait3A_187] : memref<5x80x64xf32, #tpu.memory_space<vmem>> -> memref<1x80x64xf32, #tpu.memory_space<vmem>>
      %dma_wait3A_189 = tpu.memref_squeeze %dma_wait3A_188 : memref<1x80x64xf32, #tpu.memory_space<vmem>> -> memref<80x64xf32, #tpu.memory_space<vmem>>
      %dma_wait3A_190 = arith.constant 0 : i32
      %dma_wait3A_191 = tpu.memref_slice %arg7[%add3A_68, %dma_wait3A_190] : memref<125x80xi32, #tpu.memory_space<vmem>> -> memref<1x80xi32, #tpu.memory_space<vmem>>
      %dma_wait3A_192 = tpu.memref_squeeze %dma_wait3A_191 : memref<1x80xi32, #tpu.memory_space<vmem>> -> memref<80xi32, #tpu.memory_space<vmem>>
      %dma_wait3A_193 = arith.constant 0 : i32
      %dma_wait3A_194 = arith.constant 0 : i32
      %dma_wait3A_195 = tpu.memref_slice %arg2[%dma_wait3A_193, %dma_wait3A_194] : memref<10000x64xf32, #tpu.memory_space<hbm>> -> memref<10000x64xf32, #tpu.memory_space<hbm>>
      %dma_wait3A_196 = tpu.memref_slice %arg12[%dma_wait3A_185] : memref<5x!tpu.dma_semaphore, #tpu.memory_space<semaphore_mem>> -> memref<1x!tpu.dma_semaphore, #tpu.memory_space<semaphore_mem>>
      %dma_wait3A_197 = tpu.memref_squeeze %dma_wait3A_196 : memref<1x!tpu.dma_semaphore, #tpu.memory_space<semaphore_mem>> -> memref<!tpu.dma_semaphore, #tpu.memory_space<semaphore_mem>>
      tpu.wait_indirect_dma semaphore(%dma_wait3A_197 : memref<!tpu.dma_semaphore, #tpu.memory_space<semaphore_mem>>) src(%dma_wait3A_195 : memref<10000x64xf32, #tpu.memory_space<hbm>>) dst(%dma_wait3A_189 : memref<80x64xf32, #tpu.memory_space<vmem>>)
      %parallel_loop3A_198 = arith.constant 0 : i32
      %parallel_loop3A_199 = arith.constant 80 : i32
      %parallel_loop3A_200 = arith.constant 1 : i32
      scf.for %parallel_loop3A_353 = %parallel_loop3A_198 to %parallel_loop3A_199 step %parallel_loop3A_200  : i32 {
        %parallel_loop3A_354 = arith.constant 2 : i32
        %parallel_loop3A_355 = arith.index_cast %parallel_loop3A_354 : i32 to index
        %parallel_loop3A_356 = arith.index_cast %parallel_loop3A_353 : i32 to index
        %parallel_loop3A_357 = arith.constant 0 : index
        %parallel_loop3A_358 = tpu.vector_load %arg9[%parallel_loop3A_355, %parallel_loop3A_356, %parallel_loop3A_357] {strides = array<i32>} : memref<5x80x64xf32, #tpu.memory_space<vmem>>, vector<1x1x16xf32>,
        %parallel_loop3A_359 = vector.shape_cast %parallel_loop3A_358 : vector<1x1x16xf32> to vector<16xf32>
        %parallel_loop3A_360 = arith.constant 160 : i32
        %parallel_loop3A_361 = arith.addi %parallel_loop3A_360, %parallel_loop3A_353 : i32
        %parallel_loop3A_362 = arith.index_cast %parallel_loop3A_361 : i32 to index
        %parallel_loop3A_363 = arith.constant 0 : index
        %parallel_loop3A_364 = tpu.vector_load %arg10[%parallel_loop3A_362, %parallel_loop3A_363] {strides = array<i32>} : memref<400x64xf32, #tpu.memory_space<vmem>>, vector<1x16xf32>,
        %parallel_loop3A_365 = vector.shape_cast %parallel_loop3A_364 : vector<1x16xf32> to vector<16xf32>
        %parallel_loop3A_366 = arith.mulf %parallel_loop3A_359, %parallel_loop3A_365 : vector<16xf32>
        %parallel_loop3A_367 = arith.constant 2 : i32
        %parallel_loop3A_368 = arith.index_cast %parallel_loop3A_367 : i32 to index
        %parallel_loop3A_369 = arith.index_cast %parallel_loop3A_353 : i32 to index
        %parallel_loop3A_370 = arith.constant 0 : index
        %parallel_loop3A_371 = tpu.vector_load %arg9[%parallel_loop3A_368, %parallel_loop3A_369, %parallel_loop3A_370] {strides = array<i32>} : memref<5x80x64xf32, #tpu.memory_space<vmem>>, vector<1x1x16xf32>,
        %parallel_loop3A_372 = vector.shape_cast %parallel_loop3A_371 : vector<1x1x16xf32> to vector<16xf32>
        %parallel_loop3A_373 = vector.shape_cast %parallel_loop3A_366 : vector<16xf32> to vector<1x1x16xf32>
        tpu.vector_store %arg9[%parallel_loop3A_368, %parallel_loop3A_369, %parallel_loop3A_370], %parallel_loop3A_373 {strides = array<i32>} : memref<5x80x64xf32, #tpu.memory_space<vmem>>, vector<1x1x16xf32>,
        %parallel_loop3A_374 = arith.constant 2 : i32
        %parallel_loop3A_375 = arith.index_cast %parallel_loop3A_374 : i32 to index
        %parallel_loop3A_376 = arith.index_cast %parallel_loop3A_353 : i32 to index
        %parallel_loop3A_377 = arith.constant 16 : index
        %parallel_loop3A_378 = tpu.vector_load %arg9[%parallel_loop3A_375, %parallel_loop3A_376, %parallel_loop3A_377] {strides = array<i32>} : memref<5x80x64xf32, #tpu.memory_space<vmem>>, vector<1x1x16xf32>,
        %parallel_loop3A_379 = vector.shape_cast %parallel_loop3A_378 : vector<1x1x16xf32> to vector<16xf32>
        %parallel_loop3A_380 = arith.constant 160 : i32
        %parallel_loop3A_381 = arith.addi %parallel_loop3A_380, %parallel_loop3A_353 : i32
        %parallel_loop3A_382 = arith.index_cast %parallel_loop3A_381 : i32 to index
        %parallel_loop3A_383 = arith.constant 16 : index
        %parallel_loop3A_384 = tpu.vector_load %arg10[%parallel_loop3A_382, %parallel_loop3A_383] {strides = array<i32>} : memref<400x64xf32, #tpu.memory_space<vmem>>, vector<1x16xf32>,
        %parallel_loop3A_385 = vector.shape_cast %parallel_loop3A_384 : vector<1x16xf32> to vector<16xf32>
        %parallel_loop3A_386 = arith.mulf %parallel_loop3A_379, %parallel_loop3A_385 : vector<16xf32>
        %parallel_loop3A_387 = arith.constant 2 : i32
        %parallel_loop3A_388 = arith.index_cast %parallel_loop3A_387 : i32 to index
        %parallel_loop3A_389 = arith.index_cast %parallel_loop3A_353 : i32 to index
        %parallel_loop3A_390 = arith.constant 16 : index
        %parallel_loop3A_391 = tpu.vector_load %arg9[%parallel_loop3A_388, %parallel_loop3A_389, %parallel_loop3A_390] {strides = array<i32>} : memref<5x80x64xf32, #tpu.memory_space<vmem>>, vector<1x1x16xf32>,
        %parallel_loop3A_392 = vector.shape_cast %parallel_loop3A_391 : vector<1x1x16xf32> to vector<16xf32>
        %parallel_loop3A_393 = vector.shape_cast %parallel_loop3A_386 : vector<16xf32> to vector<1x1x16xf32>
        tpu.vector_store %arg9[%parallel_loop3A_388, %parallel_loop3A_389, %parallel_loop3A_390], %parallel_loop3A_393 {strides = array<i32>} : memref<5x80x64xf32, #tpu.memory_space<vmem>>, vector<1x1x16xf32>,
        %parallel_loop3A_394 = arith.constant 2 : i32
        %parallel_loop3A_395 = arith.index_cast %parallel_loop3A_394 : i32 to index
        %parallel_loop3A_396 = arith.index_cast %parallel_loop3A_353 : i32 to index
        %parallel_loop3A_397 = arith.constant 32 : index
        %parallel_loop3A_398 = tpu.vector_load %arg9[%parallel_loop3A_395, %parallel_loop3A_396, %parallel_loop3A_397] {strides = array<i32>} : memref<5x80x64xf32, #tpu.memory_space<vmem>>, vector<1x1x16xf32>,
        %parallel_loop3A_399 = vector.shape_cast %parallel_loop3A_398 : vector<1x1x16xf32> to vector<16xf32>
        %parallel_loop3A_400 = arith.constant 160 : i32
        %parallel_loop3A_401 = arith.addi %parallel_loop3A_400, %parallel_loop3A_353 : i32
        %parallel_loop3A_402 = arith.index_cast %parallel_loop3A_401 : i32 to index
        %parallel_loop3A_403 = arith.constant 32 : index
        %parallel_loop3A_404 = tpu.vector_load %arg10[%parallel_loop3A_402, %parallel_loop3A_403] {strides = array<i32>} : memref<400x64xf32, #tpu.memory_space<vmem>>, vector<1x16xf32>,
        %parallel_loop3A_405 = vector.shape_cast %parallel_loop3A_404 : vector<1x16xf32> to vector<16xf32>
        %parallel_loop3A_406 = arith.mulf %parallel_loop3A_399, %parallel_loop3A_405 : vector<16xf32>
        %parallel_loop3A_407 = arith.constant 2 : i32
        %parallel_loop3A_408 = arith.index_cast %parallel_loop3A_407 : i32 to index
        %parallel_loop3A_409 = arith.index_cast %parallel_loop3A_353 : i32 to index
        %parallel_loop3A_410 = arith.constant 32 : index
        %parallel_loop3A_411 = tpu.vector_load %arg9[%parallel_loop3A_408, %parallel_loop3A_409, %parallel_loop3A_410] {strides = array<i32>} : memref<5x80x64xf32, #tpu.memory_space<vmem>>, vector<1x1x16xf32>,
        %parallel_loop3A_412 = vector.shape_cast %parallel_loop3A_411 : vector<1x1x16xf32> to vector<16xf32>
        %parallel_loop3A_413 = vector.shape_cast %parallel_loop3A_406 : vector<16xf32> to vector<1x1x16xf32>
        tpu.vector_store %arg9[%parallel_loop3A_408, %parallel_loop3A_409, %parallel_loop3A_410], %parallel_loop3A_413 {strides = array<i32>} : memref<5x80x64xf32, #tpu.memory_space<vmem>>, vector<1x1x16xf32>,
        %parallel_loop3A_414 = arith.constant 2 : i32
        %parallel_loop3A_415 = arith.index_cast %parallel_loop3A_414 : i32 to index
        %parallel_loop3A_416 = arith.index_cast %parallel_loop3A_353 : i32 to index
        %parallel_loop3A_417 = arith.constant 48 : index
        %parallel_loop3A_418 = tpu.vector_load %arg9[%parallel_loop3A_415, %parallel_loop3A_416, %parallel_loop3A_417] {strides = array<i32>} : memref<5x80x64xf32, #tpu.memory_space<vmem>>, vector<1x1x16xf32>,
        %parallel_loop3A_419 = vector.shape_cast %parallel_loop3A_418 : vector<1x1x16xf32> to vector<16xf32>
        %parallel_loop3A_420 = arith.constant 160 : i32
        %parallel_loop3A_421 = arith.addi %parallel_loop3A_420, %parallel_loop3A_353 : i32
        %parallel_loop3A_422 = arith.index_cast %parallel_loop3A_421 : i32 to index
        %parallel_loop3A_423 = arith.constant 48 : index
        %parallel_loop3A_424 = tpu.vector_load %arg10[%parallel_loop3A_422, %parallel_loop3A_423] {strides = array<i32>} : memref<400x64xf32, #tpu.memory_space<vmem>>, vector<1x16xf32>,
        %parallel_loop3A_425 = vector.shape_cast %parallel_loop3A_424 : vector<1x16xf32> to vector<16xf32>
        %parallel_loop3A_426 = arith.mulf %parallel_loop3A_419, %parallel_loop3A_425 : vector<16xf32>
        %parallel_loop3A_427 = arith.constant 2 : i32
        %parallel_loop3A_428 = arith.index_cast %parallel_loop3A_427 : i32 to index
        %parallel_loop3A_429 = arith.index_cast %parallel_loop3A_353 : i32 to index
        %parallel_loop3A_430 = arith.constant 48 : index
        %parallel_loop3A_431 = tpu.vector_load %arg9[%parallel_loop3A_428, %parallel_loop3A_429, %parallel_loop3A_430] {strides = array<i32>} : memref<5x80x64xf32, #tpu.memory_space<vmem>>, vector<1x1x16xf32>,
        %parallel_loop3A_432 = vector.shape_cast %parallel_loop3A_431 : vector<1x1x16xf32> to vector<16xf32>
        %parallel_loop3A_433 = vector.shape_cast %parallel_loop3A_426 : vector<16xf32> to vector<1x1x16xf32>
        tpu.vector_store %arg9[%parallel_loop3A_428, %parallel_loop3A_429, %parallel_loop3A_430], %parallel_loop3A_433 {strides = array<i32>} : memref<5x80x64xf32, #tpu.memory_space<vmem>>, vector<1x1x16xf32>,
      } {sc.loop_unroll_factor = 4 : i64, sc.parallel_access}
      %add3A_201 = arith.constant 2 : i32
      %add3A_202 = arith.addi %mul3A_26, %add3A_201 : i32
      %dma_start3A_203 = arith.constant 2 : i32
      %dma_start3A_204 = arith.constant 2 : i32
      %dma_start3A_205 = arith.constant 0 : i32
      %dma_start3A_206 = arith.constant 0 : i32
      %dma_start3A_207 = tpu.memref_slice %arg9[%dma_start3A_203, %dma_start3A_205, %dma_start3A_206] : memref<5x80x64xf32, #tpu.memory_space<vmem>> -> memref<1x80x64xf32, #tpu.memory_space<vmem>>
      %dma_start3A_208 = tpu.memref_squeeze %dma_start3A_207 : memref<1x80x64xf32, #tpu.memory_space<vmem>> -> memref<80x64xf32, #tpu.memory_space<vmem>>
      %dma_start3A_209 = arith.constant 0 : i32
      %dma_start3A_210 = tpu.memref_slice %arg8[%add3A_202, %dma_start3A_209] : memref<125x80xi32, #tpu.memory_space<vmem>> -> memref<1x80xi32, #tpu.memory_space<vmem>>
      %dma_start3A_211 = tpu.memref_squeeze %dma_start3A_210 : memref<1x80xi32, #tpu.memory_space<vmem>> -> memref<80xi32, #tpu.memory_space<vmem>>
      %dma_start3A_212 = arith.constant 0 : i32
      %dma_start3A_213 = arith.constant 0 : i32
      %dma_start3A_214 = tpu.memref_slice %arg11[%dma_start3A_212, %dma_start3A_213] : memref<10112x64xf32, #tpu.memory_space<vmem_shared>> -> memref<10112x64xf32, #tpu.memory_space<vmem_shared>>
      %dma_start3A_215 = tpu.memref_slice %arg14[%dma_start3A_204] : memref<5x!tpu.dma_semaphore, #tpu.memory_space<semaphore_mem>> -> memref<1x!tpu.dma_semaphore, #tpu.memory_space<semaphore_mem>>
      %dma_start3A_216 = tpu.memref_squeeze %dma_start3A_215 : memref<1x!tpu.dma_semaphore, #tpu.memory_space<semaphore_mem>> -> memref<!tpu.dma_semaphore, #tpu.memory_space<semaphore_mem>>
      tpu.enqueue_indirect_dma source(%dma_start3A_208 : memref<80x64xf32, #tpu.memory_space<vmem>>) target(%dma_start3A_214 : memref<10112x64xf32, #tpu.memory_space<vmem_shared>>) offsets(%dma_start3A_211 : memref<80xi32, #tpu.memory_space<vmem>>) semaphore(%dma_start3A_216 : memref<!tpu.dma_semaphore, #tpu.memory_space<semaphore_mem>>) {add = true}
      %dma_wait3A_217 = arith.constant 3 : i32
      %dma_wait3A_218 = arith.constant 3 : i32
      %dma_wait3A_219 = arith.constant 0 : i32
      %dma_wait3A_220 = arith.constant 0 : i32
      %dma_wait3A_221 = tpu.memref_slice %arg9[%dma_wait3A_217, %dma_wait3A_219, %dma_wait3A_220] : memref<5x80x64xf32, #tpu.memory_space<vmem>> -> memref<1x80x64xf32, #tpu.memory_space<vmem>>
      %dma_wait3A_222 = tpu.memref_squeeze %dma_wait3A_221 : memref<1x80x64xf32, #tpu.memory_space<vmem>> -> memref<80x64xf32, #tpu.memory_space<vmem>>
      %dma_wait3A_223 = arith.constant 0 : i32
      %dma_wait3A_224 = tpu.memref_slice %arg7[%add3A_84, %dma_wait3A_223] : memref<125x80xi32, #tpu.memory_space<vmem>> -> memref<1x80xi32, #tpu.memory_space<vmem>>
      %dma_wait3A_225 = tpu.memref_squeeze %dma_wait3A_224 : memref<1x80xi32, #tpu.memory_space<vmem>> -> memref<80xi32, #tpu.memory_space<vmem>>
      %dma_wait3A_226 = arith.constant 0 : i32
      %dma_wait3A_227 = arith.constant 0 : i32
      %dma_wait3A_228 = tpu.memref_slice %arg2[%dma_wait3A_226, %dma_wait3A_227] : memref<10000x64xf32, #tpu.memory_space<hbm>> -> memref<10000x64xf32, #tpu.memory_space<hbm>>
      %dma_wait3A_229 = tpu.memref_slice %arg12[%dma_wait3A_218] : memref<5x!tpu.dma_semaphore, #tpu.memory_space<semaphore_mem>> -> memref<1x!tpu.dma_semaphore, #tpu.memory_space<semaphore_mem>>
      %dma_wait3A_230 = tpu.memref_squeeze %dma_wait3A_229 : memref<1x!tpu.dma_semaphore, #tpu.memory_space<semaphore_mem>> -> memref<!tpu.dma_semaphore, #tpu.memory_space<semaphore_mem>>
      tpu.wait_indirect_dma semaphore(%dma_wait3A_230 : memref<!tpu.dma_semaphore, #tpu.memory_space<semaphore_mem>>) src(%dma_wait3A_228 : memref<10000x64xf32, #tpu.memory_space<hbm>>) dst(%dma_wait3A_222 : memref<80x64xf32, #tpu.memory_space<vmem>>)
      %parallel_loop3A_231 = arith.constant 0 : i32
      %parallel_loop3A_232 = arith.constant 80 : i32
      %parallel_loop3A_233 = arith.constant 1 : i32
      scf.for %parallel_loop3A_353 = %parallel_loop3A_231 to %parallel_loop3A_232 step %parallel_loop3A_233  : i32 {
        %parallel_loop3A_354 = arith.constant 3 : i32
        %parallel_loop3A_355 = arith.index_cast %parallel_loop3A_354 : i32 to index
        %parallel_loop3A_356 = arith.index_cast %parallel_loop3A_353 : i32 to index
        %parallel_loop3A_357 = arith.constant 0 : index
        %parallel_loop3A_358 = tpu.vector_load %arg9[%parallel_loop3A_355, %parallel_loop3A_356, %parallel_loop3A_357] {strides = array<i32>} : memref<5x80x64xf32, #tpu.memory_space<vmem>>, vector<1x1x16xf32>,
        %parallel_loop3A_359 = vector.shape_cast %parallel_loop3A_358 : vector<1x1x16xf32> to vector<16xf32>
        %parallel_loop3A_360 = arith.constant 240 : i32
        %parallel_loop3A_361 = arith.addi %parallel_loop3A_360, %parallel_loop3A_353 : i32
        %parallel_loop3A_362 = arith.index_cast %parallel_loop3A_361 : i32 to index
        %parallel_loop3A_363 = arith.constant 0 : index
        %parallel_loop3A_364 = tpu.vector_load %arg10[%parallel_loop3A_362, %parallel_loop3A_363] {strides = array<i32>} : memref<400x64xf32, #tpu.memory_space<vmem>>, vector<1x16xf32>,
        %parallel_loop3A_365 = vector.shape_cast %parallel_loop3A_364 : vector<1x16xf32> to vector<16xf32>
        %parallel_loop3A_366 = arith.mulf %parallel_loop3A_359, %parallel_loop3A_365 : vector<16xf32>
        %parallel_loop3A_367 = arith.constant 3 : i32
        %parallel_loop3A_368 = arith.index_cast %parallel_loop3A_367 : i32 to index
        %parallel_loop3A_369 = arith.index_cast %parallel_loop3A_353 : i32 to index
        %parallel_loop3A_370 = arith.constant 0 : index
        %parallel_loop3A_371 = tpu.vector_load %arg9[%parallel_loop3A_368, %parallel_loop3A_369, %parallel_loop3A_370] {strides = array<i32>} : memref<5x80x64xf32, #tpu.memory_space<vmem>>, vector<1x1x16xf32>,
        %parallel_loop3A_372 = vector.shape_cast %parallel_loop3A_371 : vector<1x1x16xf32> to vector<16xf32>
        %parallel_loop3A_373 = vector.shape_cast %parallel_loop3A_366 : vector<16xf32> to vector<1x1x16xf32>
        tpu.vector_store %arg9[%parallel_loop3A_368, %parallel_loop3A_369, %parallel_loop3A_370], %parallel_loop3A_373 {strides = array<i32>} : memref<5x80x64xf32, #tpu.memory_space<vmem>>, vector<1x1x16xf32>,
        %parallel_loop3A_374 = arith.constant 3 : i32
        %parallel_loop3A_375 = arith.index_cast %parallel_loop3A_374 : i32 to index
        %parallel_loop3A_376 = arith.index_cast %parallel_loop3A_353 : i32 to index
        %parallel_loop3A_377 = arith.constant 16 : index
        %parallel_loop3A_378 = tpu.vector_load %arg9[%parallel_loop3A_375, %parallel_loop3A_376, %parallel_loop3A_377] {strides = array<i32>} : memref<5x80x64xf32, #tpu.memory_space<vmem>>, vector<1x1x16xf32>,
        %parallel_loop3A_379 = vector.shape_cast %parallel_loop3A_378 : vector<1x1x16xf32> to vector<16xf32>
        %parallel_loop3A_380 = arith.constant 240 : i32
        %parallel_loop3A_381 = arith.addi %parallel_loop3A_380, %parallel_loop3A_353 : i32
        %parallel_loop3A_382 = arith.index_cast %parallel_loop3A_381 : i32 to index
        %parallel_loop3A_383 = arith.constant 16 : index
        %parallel_loop3A_384 = tpu.vector_load %arg10[%parallel_loop3A_382, %parallel_loop3A_383] {strides = array<i32>} : memref<400x64xf32, #tpu.memory_space<vmem>>, vector<1x16xf32>,
        %parallel_loop3A_385 = vector.shape_cast %parallel_loop3A_384 : vector<1x16xf32> to vector<16xf32>
        %parallel_loop3A_386 = arith.mulf %parallel_loop3A_379, %parallel_loop3A_385 : vector<16xf32>
        %parallel_loop3A_387 = arith.constant 3 : i32
        %parallel_loop3A_388 = arith.index_cast %parallel_loop3A_387 : i32 to index
        %parallel_loop3A_389 = arith.index_cast %parallel_loop3A_353 : i32 to index
        %parallel_loop3A_390 = arith.constant 16 : index
        %parallel_loop3A_391 = tpu.vector_load %arg9[%parallel_loop3A_388, %parallel_loop3A_389, %parallel_loop3A_390] {strides = array<i32>} : memref<5x80x64xf32, #tpu.memory_space<vmem>>, vector<1x1x16xf32>,
        %parallel_loop3A_392 = vector.shape_cast %parallel_loop3A_391 : vector<1x1x16xf32> to vector<16xf32>
        %parallel_loop3A_393 = vector.shape_cast %parallel_loop3A_386 : vector<16xf32> to vector<1x1x16xf32>
        tpu.vector_store %arg9[%parallel_loop3A_388, %parallel_loop3A_389, %parallel_loop3A_390], %parallel_loop3A_393 {strides = array<i32>} : memref<5x80x64xf32, #tpu.memory_space<vmem>>, vector<1x1x16xf32>,
        %parallel_loop3A_394 = arith.constant 3 : i32
        %parallel_loop3A_395 = arith.index_cast %parallel_loop3A_394 : i32 to index
        %parallel_loop3A_396 = arith.index_cast %parallel_loop3A_353 : i32 to index
        %parallel_loop3A_397 = arith.constant 32 : index
        %parallel_loop3A_398 = tpu.vector_load %arg9[%parallel_loop3A_395, %parallel_loop3A_396, %parallel_loop3A_397] {strides = array<i32>} : memref<5x80x64xf32, #tpu.memory_space<vmem>>, vector<1x1x16xf32>,
        %parallel_loop3A_399 = vector.shape_cast %parallel_loop3A_398 : vector<1x1x16xf32> to vector<16xf32>
        %parallel_loop3A_400 = arith.constant 240 : i32
        %parallel_loop3A_401 = arith.addi %parallel_loop3A_400, %parallel_loop3A_353 : i32
        %parallel_loop3A_402 = arith.index_cast %parallel_loop3A_401 : i32 to index
        %parallel_loop3A_403 = arith.constant 32 : index
        %parallel_loop3A_404 = tpu.vector_load %arg10[%parallel_loop3A_402, %parallel_loop3A_403] {strides = array<i32>} : memref<400x64xf32, #tpu.memory_space<vmem>>, vector<1x16xf32>,
        %parallel_loop3A_405 = vector.shape_cast %parallel_loop3A_404 : vector<1x16xf32> to vector<16xf32>
        %parallel_loop3A_406 = arith.mulf %parallel_loop3A_399, %parallel_loop3A_405 : vector<16xf32>
        %parallel_loop3A_407 = arith.constant 3 : i32
        %parallel_loop3A_408 = arith.index_cast %parallel_loop3A_407 : i32 to index
        %parallel_loop3A_409 = arith.index_cast %parallel_loop3A_353 : i32 to index
        %parallel_loop3A_410 = arith.constant 32 : index
        %parallel_loop3A_411 = tpu.vector_load %arg9[%parallel_loop3A_408, %parallel_loop3A_409, %parallel_loop3A_410] {strides = array<i32>} : memref<5x80x64xf32, #tpu.memory_space<vmem>>, vector<1x1x16xf32>,
        %parallel_loop3A_412 = vector.shape_cast %parallel_loop3A_411 : vector<1x1x16xf32> to vector<16xf32>
        %parallel_loop3A_413 = vector.shape_cast %parallel_loop3A_406 : vector<16xf32> to vector<1x1x16xf32>
        tpu.vector_store %arg9[%parallel_loop3A_408, %parallel_loop3A_409, %parallel_loop3A_410], %parallel_loop3A_413 {strides = array<i32>} : memref<5x80x64xf32, #tpu.memory_space<vmem>>, vector<1x1x16xf32>,
        %parallel_loop3A_414 = arith.constant 3 : i32
        %parallel_loop3A_415 = arith.index_cast %parallel_loop3A_414 : i32 to index
        %parallel_loop3A_416 = arith.index_cast %parallel_loop3A_353 : i32 to index
        %parallel_loop3A_417 = arith.constant 48 : index
        %parallel_loop3A_418 = tpu.vector_load %arg9[%parallel_loop3A_415, %parallel_loop3A_416, %parallel_loop3A_417] {strides = array<i32>} : memref<5x80x64xf32, #tpu.memory_space<vmem>>, vector<1x1x16xf32>,
        %parallel_loop3A_419 = vector.shape_cast %parallel_loop3A_418 : vector<1x1x16xf32> to vector<16xf32>
        %parallel_loop3A_420 = arith.constant 240 : i32
        %parallel_loop3A_421 = arith.addi %parallel_loop3A_420, %parallel_loop3A_353 : i32
        %parallel_loop3A_422 = arith.index_cast %parallel_loop3A_421 : i32 to index
        %parallel_loop3A_423 = arith.constant 48 : index
        %parallel_loop3A_424 = tpu.vector_load %arg10[%parallel_loop3A_422, %parallel_loop3A_423] {strides = array<i32>} : memref<400x64xf32, #tpu.memory_space<vmem>>, vector<1x16xf32>,
        %parallel_loop3A_425 = vector.shape_cast %parallel_loop3A_424 : vector<1x16xf32> to vector<16xf32>
        %parallel_loop3A_426 = arith.mulf %parallel_loop3A_419, %parallel_loop3A_425 : vector<16xf32>
        %parallel_loop3A_427 = arith.constant 3 : i32
        %parallel_loop3A_428 = arith.index_cast %parallel_loop3A_427 : i32 to index
        %parallel_loop3A_429 = arith.index_cast %parallel_loop3A_353 : i32 to index
        %parallel_loop3A_430 = arith.constant 48 : index
        %parallel_loop3A_431 = tpu.vector_load %arg9[%parallel_loop3A_428, %parallel_loop3A_429, %parallel_loop3A_430] {strides = array<i32>} : memref<5x80x64xf32, #tpu.memory_space<vmem>>, vector<1x1x16xf32>,
        %parallel_loop3A_432 = vector.shape_cast %parallel_loop3A_431 : vector<1x1x16xf32> to vector<16xf32>
        %parallel_loop3A_433 = vector.shape_cast %parallel_loop3A_426 : vector<16xf32> to vector<1x1x16xf32>
        tpu.vector_store %arg9[%parallel_loop3A_428, %parallel_loop3A_429, %parallel_loop3A_430], %parallel_loop3A_433 {strides = array<i32>} : memref<5x80x64xf32, #tpu.memory_space<vmem>>, vector<1x1x16xf32>,
      } {sc.loop_unroll_factor = 4 : i64, sc.parallel_access}
      %add3A_234 = arith.constant 3 : i32
      %add3A_235 = arith.addi %mul3A_26, %add3A_234 : i32
      %dma_start3A_236 = arith.constant 3 : i32
      %dma_start3A_237 = arith.constant 3 : i32
      %dma_start3A_238 = arith.constant 0 : i32
      %dma_start3A_239 = arith.constant 0 : i32
      %dma_start3A_240 = tpu.memref_slice %arg9[%dma_start3A_236, %dma_start3A_238, %dma_start3A_239] : memref<5x80x64xf32, #tpu.memory_space<vmem>> -> memref<1x80x64xf32, #tpu.memory_space<vmem>>
      %dma_start3A_241 = tpu.memref_squeeze %dma_start3A_240 : memref<1x80x64xf32, #tpu.memory_space<vmem>> -> memref<80x64xf32, #tpu.memory_space<vmem>>
      %dma_start3A_242 = arith.constant 0 : i32
      %dma_start3A_243 = tpu.memref_slice %arg8[%add3A_235, %dma_start3A_242] : memref<125x80xi32, #tpu.memory_space<vmem>> -> memref<1x80xi32, #tpu.memory_space<vmem>>
      %dma_start3A_244 = tpu.memref_squeeze %dma_start3A_243 : memref<1x80xi32, #tpu.memory_space<vmem>> -> memref<80xi32, #tpu.memory_space<vmem>>
      %dma_start3A_245 = arith.constant 0 : i32
      %dma_start3A_246 = arith.constant 0 : i32
      %dma_start3A_247 = tpu.memref_slice %arg11[%dma_start3A_245, %dma_start3A_246] : memref<10112x64xf32, #tpu.memory_space<vmem_shared>> -> memref<10112x64xf32, #tpu.memory_space<vmem_shared>>
      %dma_start3A_248 = tpu.memref_slice %arg14[%dma_start3A_237] : memref<5x!tpu.dma_semaphore, #tpu.memory_space<semaphore_mem>> -> memref<1x!tpu.dma_semaphore, #tpu.memory_space<semaphore_mem>>
      %dma_start3A_249 = tpu.memref_squeeze %dma_start3A_248 : memref<1x!tpu.dma_semaphore, #tpu.memory_space<semaphore_mem>> -> memref<!tpu.dma_semaphore, #tpu.memory_space<semaphore_mem>>
      tpu.enqueue_indirect_dma source(%dma_start3A_241 : memref<80x64xf32, #tpu.memory_space<vmem>>) target(%dma_start3A_247 : memref<10112x64xf32, #tpu.memory_space<vmem_shared>>) offsets(%dma_start3A_244 : memref<80xi32, #tpu.memory_space<vmem>>) semaphore(%dma_start3A_249 : memref<!tpu.dma_semaphore, #tpu.memory_space<semaphore_mem>>) {add = true}
      %dma_wait3A_250 = arith.constant 4 : i32
      %dma_wait3A_251 = arith.constant 4 : i32
      %dma_wait3A_252 = arith.constant 0 : i32
      %dma_wait3A_253 = arith.constant 0 : i32
      %dma_wait3A_254 = tpu.memref_slice %arg9[%dma_wait3A_250, %dma_wait3A_252, %dma_wait3A_253] : memref<5x80x64xf32, #tpu.memory_space<vmem>> -> memref<1x80x64xf32, #tpu.memory_space<vmem>>
      %dma_wait3A_255 = tpu.memref_squeeze %dma_wait3A_254 : memref<1x80x64xf32, #tpu.memory_space<vmem>> -> memref<80x64xf32, #tpu.memory_space<vmem>>
      %dma_wait3A_256 = arith.constant 0 : i32
      %dma_wait3A_257 = tpu.memref_slice %arg7[%add3A_100, %dma_wait3A_256] : memref<125x80xi32, #tpu.memory_space<vmem>> -> memref<1x80xi32, #tpu.memory_space<vmem>>
      %dma_wait3A_258 = tpu.memref_squeeze %dma_wait3A_257 : memref<1x80xi32, #tpu.memory_space<vmem>> -> memref<80xi32, #tpu.memory_space<vmem>>
      %dma_wait3A_259 = arith.constant 0 : i32
      %dma_wait3A_260 = arith.constant 0 : i32
      %dma_wait3A_261 = tpu.memref_slice %arg2[%dma_wait3A_259, %dma_wait3A_260] : memref<10000x64xf32, #tpu.memory_space<hbm>> -> memref<10000x64xf32, #tpu.memory_space<hbm>>
      %dma_wait3A_262 = tpu.memref_slice %arg12[%dma_wait3A_251] : memref<5x!tpu.dma_semaphore, #tpu.memory_space<semaphore_mem>> -> memref<1x!tpu.dma_semaphore, #tpu.memory_space<semaphore_mem>>
      %dma_wait3A_263 = tpu.memref_squeeze %dma_wait3A_262 : memref<1x!tpu.dma_semaphore, #tpu.memory_space<semaphore_mem>> -> memref<!tpu.dma_semaphore, #tpu.memory_space<semaphore_mem>>
      tpu.wait_indirect_dma semaphore(%dma_wait3A_263 : memref<!tpu.dma_semaphore, #tpu.memory_space<semaphore_mem>>) src(%dma_wait3A_261 : memref<10000x64xf32, #tpu.memory_space<hbm>>) dst(%dma_wait3A_255 : memref<80x64xf32, #tpu.memory_space<vmem>>)
      %parallel_loop3A_264 = arith.constant 0 : i32
      %parallel_loop3A_265 = arith.constant 80 : i32
      %parallel_loop3A_266 = arith.constant 1 : i32
      scf.for %parallel_loop3A_353 = %parallel_loop3A_264 to %parallel_loop3A_265 step %parallel_loop3A_266  : i32 {
        %parallel_loop3A_354 = arith.constant 4 : i32
        %parallel_loop3A_355 = arith.index_cast %parallel_loop3A_354 : i32 to index
        %parallel_loop3A_356 = arith.index_cast %parallel_loop3A_353 : i32 to index
        %parallel_loop3A_357 = arith.constant 0 : index
        %parallel_loop3A_358 = tpu.vector_load %arg9[%parallel_loop3A_355, %parallel_loop3A_356, %parallel_loop3A_357] {strides = array<i32>} : memref<5x80x64xf32, #tpu.memory_space<vmem>>, vector<1x1x16xf32>,
        %parallel_loop3A_359 = vector.shape_cast %parallel_loop3A_358 : vector<1x1x16xf32> to vector<16xf32>
        %parallel_loop3A_360 = arith.constant 320 : i32
        %parallel_loop3A_361 = arith.addi %parallel_loop3A_360, %parallel_loop3A_353 : i32
        %parallel_loop3A_362 = arith.index_cast %parallel_loop3A_361 : i32 to index
        %parallel_loop3A_363 = arith.constant 0 : index
        %parallel_loop3A_364 = tpu.vector_load %arg10[%parallel_loop3A_362, %parallel_loop3A_363] {strides = array<i32>} : memref<400x64xf32, #tpu.memory_space<vmem>>, vector<1x16xf32>,
        %parallel_loop3A_365 = vector.shape_cast %parallel_loop3A_364 : vector<1x16xf32> to vector<16xf32>
        %parallel_loop3A_366 = arith.mulf %parallel_loop3A_359, %parallel_loop3A_365 : vector<16xf32>
        %parallel_loop3A_367 = arith.constant 4 : i32
        %parallel_loop3A_368 = arith.index_cast %parallel_loop3A_367 : i32 to index
        %parallel_loop3A_369 = arith.index_cast %parallel_loop3A_353 : i32 to index
        %parallel_loop3A_370 = arith.constant 0 : index
        %parallel_loop3A_371 = tpu.vector_load %arg9[%parallel_loop3A_368, %parallel_loop3A_369, %parallel_loop3A_370] {strides = array<i32>} : memref<5x80x64xf32, #tpu.memory_space<vmem>>, vector<1x1x16xf32>,
        %parallel_loop3A_372 = vector.shape_cast %parallel_loop3A_371 : vector<1x1x16xf32> to vector<16xf32>
        %parallel_loop3A_373 = vector.shape_cast %parallel_loop3A_366 : vector<16xf32> to vector<1x1x16xf32>
        tpu.vector_store %arg9[%parallel_loop3A_368, %parallel_loop3A_369, %parallel_loop3A_370], %parallel_loop3A_373 {strides = array<i32>} : memref<5x80x64xf32, #tpu.memory_space<vmem>>, vector<1x1x16xf32>,
        %parallel_loop3A_374 = arith.constant 4 : i32
        %parallel_loop3A_375 = arith.index_cast %parallel_loop3A_374 : i32 to index
        %parallel_loop3A_376 = arith.index_cast %parallel_loop3A_353 : i32 to index
        %parallel_loop3A_377 = arith.constant 16 : index
        %parallel_loop3A_378 = tpu.vector_load %arg9[%parallel_loop3A_375, %parallel_loop3A_376, %parallel_loop3A_377] {strides = array<i32>} : memref<5x80x64xf32, #tpu.memory_space<vmem>>, vector<1x1x16xf32>,
        %parallel_loop3A_379 = vector.shape_cast %parallel_loop3A_378 : vector<1x1x16xf32> to vector<16xf32>
        %parallel_loop3A_380 = arith.constant 320 : i32
        %parallel_loop3A_381 = arith.addi %parallel_loop3A_380, %parallel_loop3A_353 : i32
        %parallel_loop3A_382 = arith.index_cast %parallel_loop3A_381 : i32 to index
        %parallel_loop3A_383 = arith.constant 16 : index
        %parallel_loop3A_384 = tpu.vector_load %arg10[%parallel_loop3A_382, %parallel_loop3A_383] {strides = array<i32>} : memref<400x64xf32, #tpu.memory_space<vmem>>, vector<1x16xf32>,
        %parallel_loop3A_385 = vector.shape_cast %parallel_loop3A_384 : vector<1x16xf32> to vector<16xf32>
        %parallel_loop3A_386 = arith.mulf %parallel_loop3A_379, %parallel_loop3A_385 : vector<16xf32>
        %parallel_loop3A_387 = arith.constant 4 : i32
        %parallel_loop3A_388 = arith.index_cast %parallel_loop3A_387 : i32 to index
        %parallel_loop3A_389 = arith.index_cast %parallel_loop3A_353 : i32 to index
        %parallel_loop3A_390 = arith.constant 16 : index
        %parallel_loop3A_391 = tpu.vector_load %arg9[%parallel_loop3A_388, %parallel_loop3A_389, %parallel_loop3A_390] {strides = array<i32>} : memref<5x80x64xf32, #tpu.memory_space<vmem>>, vector<1x1x16xf32>,
        %parallel_loop3A_392 = vector.shape_cast %parallel_loop3A_391 : vector<1x1x16xf32> to vector<16xf32>
        %parallel_loop3A_393 = vector.shape_cast %parallel_loop3A_386 : vector<16xf32> to vector<1x1x16xf32>
        tpu.vector_store %arg9[%parallel_loop3A_388, %parallel_loop3A_389, %parallel_loop3A_390], %parallel_loop3A_393 {strides = array<i32>} : memref<5x80x64xf32, #tpu.memory_space<vmem>>, vector<1x1x16xf32>,
        %parallel_loop3A_394 = arith.constant 4 : i32
        %parallel_loop3A_395 = arith.index_cast %parallel_loop3A_394 : i32 to index
        %parallel_loop3A_396 = arith.index_cast %parallel_loop3A_353 : i32 to index
        %parallel_loop3A_397 = arith.constant 32 : index
        %parallel_loop3A_398 = tpu.vector_load %arg9[%parallel_loop3A_395, %parallel_loop3A_396, %parallel_loop3A_397] {strides = array<i32>} : memref<5x80x64xf32, #tpu.memory_space<vmem>>, vector<1x1x16xf32>,
        %parallel_loop3A_399 = vector.shape_cast %parallel_loop3A_398 : vector<1x1x16xf32> to vector<16xf32>
        %parallel_loop3A_400 = arith.constant 320 : i32
        %parallel_loop3A_401 = arith.addi %parallel_loop3A_400, %parallel_loop3A_353 : i32
        %parallel_loop3A_402 = arith.index_cast %parallel_loop3A_401 : i32 to index
        %parallel_loop3A_403 = arith.constant 32 : index
        %parallel_loop3A_404 = tpu.vector_load %arg10[%parallel_loop3A_402, %parallel_loop3A_403] {strides = array<i32>} : memref<400x64xf32, #tpu.memory_space<vmem>>, vector<1x16xf32>,
        %parallel_loop3A_405 = vector.shape_cast %parallel_loop3A_404 : vector<1x16xf32> to vector<16xf32>
        %parallel_loop3A_406 = arith.mulf %parallel_loop3A_399, %parallel_loop3A_405 : vector<16xf32>
        %parallel_loop3A_407 = arith.constant 4 : i32
        %parallel_loop3A_408 = arith.index_cast %parallel_loop3A_407 : i32 to index
        %parallel_loop3A_409 = arith.index_cast %parallel_loop3A_353 : i32 to index
        %parallel_loop3A_410 = arith.constant 32 : index
        %parallel_loop3A_411 = tpu.vector_load %arg9[%parallel_loop3A_408, %parallel_loop3A_409, %parallel_loop3A_410] {strides = array<i32>} : memref<5x80x64xf32, #tpu.memory_space<vmem>>, vector<1x1x16xf32>,
        %parallel_loop3A_412 = vector.shape_cast %parallel_loop3A_411 : vector<1x1x16xf32> to vector<16xf32>
        %parallel_loop3A_413 = vector.shape_cast %parallel_loop3A_406 : vector<16xf32> to vector<1x1x16xf32>
        tpu.vector_store %arg9[%parallel_loop3A_408, %parallel_loop3A_409, %parallel_loop3A_410], %parallel_loop3A_413 {strides = array<i32>} : memref<5x80x64xf32, #tpu.memory_space<vmem>>, vector<1x1x16xf32>,
        %parallel_loop3A_414 = arith.constant 4 : i32
        %parallel_loop3A_415 = arith.index_cast %parallel_loop3A_414 : i32 to index
        %parallel_loop3A_416 = arith.index_cast %parallel_loop3A_353 : i32 to index
        %parallel_loop3A_417 = arith.constant 48 : index
        %parallel_loop3A_418 = tpu.vector_load %arg9[%parallel_loop3A_415, %parallel_loop3A_416, %parallel_loop3A_417] {strides = array<i32>} : memref<5x80x64xf32, #tpu.memory_space<vmem>>, vector<1x1x16xf32>,
        %parallel_loop3A_419 = vector.shape_cast %parallel_loop3A_418 : vector<1x1x16xf32> to vector<16xf32>
        %parallel_loop3A_420 = arith.constant 320 : i32
        %parallel_loop3A_421 = arith.addi %parallel_loop3A_420, %parallel_loop3A_353 : i32
        %parallel_loop3A_422 = arith.index_cast %parallel_loop3A_421 : i32 to index
        %parallel_loop3A_423 = arith.constant 48 : index
        %parallel_loop3A_424 = tpu.vector_load %arg10[%parallel_loop3A_422, %parallel_loop3A_423] {strides = array<i32>} : memref<400x64xf32, #tpu.memory_space<vmem>>, vector<1x16xf32>,
        %parallel_loop3A_425 = vector.shape_cast %parallel_loop3A_424 : vector<1x16xf32> to vector<16xf32>
        %parallel_loop3A_426 = arith.mulf %parallel_loop3A_419, %parallel_loop3A_425 : vector<16xf32>
        %parallel_loop3A_427 = arith.constant 4 : i32
        %parallel_loop3A_428 = arith.index_cast %parallel_loop3A_427 : i32 to index
        %parallel_loop3A_429 = arith.index_cast %parallel_loop3A_353 : i32 to index
        %parallel_loop3A_430 = arith.constant 48 : index
        %parallel_loop3A_431 = tpu.vector_load %arg9[%parallel_loop3A_428, %parallel_loop3A_429, %parallel_loop3A_430] {strides = array<i32>} : memref<5x80x64xf32, #tpu.memory_space<vmem>>, vector<1x1x16xf32>,
        %parallel_loop3A_432 = vector.shape_cast %parallel_loop3A_431 : vector<1x1x16xf32> to vector<16xf32>
        %parallel_loop3A_433 = vector.shape_cast %parallel_loop3A_426 : vector<16xf32> to vector<1x1x16xf32>
        tpu.vector_store %arg9[%parallel_loop3A_428, %parallel_loop3A_429, %parallel_loop3A_430], %parallel_loop3A_433 {strides = array<i32>} : memref<5x80x64xf32, #tpu.memory_space<vmem>>, vector<1x1x16xf32>,
      } {sc.loop_unroll_factor = 4 : i64, sc.parallel_access}
      %add3A_267 = arith.constant 4 : i32
      %add3A_268 = arith.addi %mul3A_26, %add3A_267 : i32
      %dma_start3A_269 = arith.constant 4 : i32
      %dma_start3A_270 = arith.constant 4 : i32
      %dma_start3A_271 = arith.constant 0 : i32
      %dma_start3A_272 = arith.constant 0 : i32
      %dma_start3A_273 = tpu.memref_slice %arg9[%dma_start3A_269, %dma_start3A_271, %dma_start3A_272] : memref<5x80x64xf32, #tpu.memory_space<vmem>> -> memref<1x80x64xf32, #tpu.memory_space<vmem>>
      %dma_start3A_274 = tpu.memref_squeeze %dma_start3A_273 : memref<1x80x64xf32, #tpu.memory_space<vmem>> -> memref<80x64xf32, #tpu.memory_space<vmem>>
      %dma_start3A_275 = arith.constant 0 : i32
      %dma_start3A_276 = tpu.memref_slice %arg8[%add3A_268, %dma_start3A_275] : memref<125x80xi32, #tpu.memory_space<vmem>> -> memref<1x80xi32, #tpu.memory_space<vmem>>
      %dma_start3A_277 = tpu.memref_squeeze %dma_start3A_276 : memref<1x80xi32, #tpu.memory_space<vmem>> -> memref<80xi32, #tpu.memory_space<vmem>>
      %dma_start3A_278 = arith.constant 0 : i32
      %dma_start3A_279 = arith.constant 0 : i32
      %dma_start3A_280 = tpu.memref_slice %arg11[%dma_start3A_278, %dma_start3A_279] : memref<10112x64xf32, #tpu.memory_space<vmem_shared>> -> memref<10112x64xf32, #tpu.memory_space<vmem_shared>>
      %dma_start3A_281 = tpu.memref_slice %arg14[%dma_start3A_270] : memref<5x!tpu.dma_semaphore, #tpu.memory_space<semaphore_mem>> -> memref<1x!tpu.dma_semaphore, #tpu.memory_space<semaphore_mem>>
      %dma_start3A_282 = tpu.memref_squeeze %dma_start3A_281 : memref<1x!tpu.dma_semaphore, #tpu.memory_space<semaphore_mem>> -> memref<!tpu.dma_semaphore, #tpu.memory_space<semaphore_mem>>
      tpu.enqueue_indirect_dma source(%dma_start3A_274 : memref<80x64xf32, #tpu.memory_space<vmem>>) target(%dma_start3A_280 : memref<10112x64xf32, #tpu.memory_space<vmem_shared>>) offsets(%dma_start3A_277 : memref<80xi32, #tpu.memory_space<vmem>>) semaphore(%dma_start3A_282 : memref<!tpu.dma_semaphore, #tpu.memory_space<semaphore_mem>>) {add = true}
      %dma_wait3A_283 = arith.constant 0 : i32
      %dma_wait3A_284 = arith.constant 0 : i32
      %dma_wait3A_285 = arith.constant 0 : i32
      %dma_wait3A_286 = arith.constant 0 : i32
      %dma_wait3A_287 = tpu.memref_slice %arg9[%dma_wait3A_283, %dma_wait3A_285, %dma_wait3A_286] : memref<5x80x64xf32, #tpu.memory_space<vmem>> -> memref<1x80x64xf32, #tpu.memory_space<vmem>>
      %dma_wait3A_288 = tpu.memref_squeeze %dma_wait3A_287 : memref<1x80x64xf32, #tpu.memory_space<vmem>> -> memref<80x64xf32, #tpu.memory_space<vmem>>
      %dma_wait3A_289 = arith.constant 0 : i32
      %dma_wait3A_290 = tpu.memref_slice %arg8[%add3A_136, %dma_wait3A_289] : memref<125x80xi32, #tpu.memory_space<vmem>> -> memref<1x80xi32, #tpu.memory_space<vmem>>
      %dma_wait3A_291 = tpu.memref_squeeze %dma_wait3A_290 : memref<1x80xi32, #tpu.memory_space<vmem>> -> memref<80xi32, #tpu.memory_space<vmem>>
      %dma_wait3A_292 = arith.constant 0 : i32
      %dma_wait3A_293 = arith.constant 0 : i32
      %dma_wait3A_294 = tpu.memref_slice %arg11[%dma_wait3A_292, %dma_wait3A_293] : memref<10112x64xf32, #tpu.memory_space<vmem_shared>> -> memref<10112x64xf32, #tpu.memory_space<vmem_shared>>
      %dma_wait3A_295 = tpu.memref_slice %arg14[%dma_wait3A_284] : memref<5x!tpu.dma_semaphore, #tpu.memory_space<semaphore_mem>> -> memref<1x!tpu.dma_semaphore, #tpu.memory_space<semaphore_mem>>
      %dma_wait3A_296 = tpu.memref_squeeze %dma_wait3A_295 : memref<1x!tpu.dma_semaphore, #tpu.memory_space<semaphore_mem>> -> memref<!tpu.dma_semaphore, #tpu.memory_space<semaphore_mem>>
      tpu.wait_indirect_dma semaphore(%dma_wait3A_296 : memref<!tpu.dma_semaphore, #tpu.memory_space<semaphore_mem>>) src(%dma_wait3A_288 : memref<80x64xf32, #tpu.memory_space<vmem>>) dst(%dma_wait3A_294 : memref<10112x64xf32, #tpu.memory_space<vmem_shared>>)
      %dma_wait3A_297 = arith.constant 1 : i32
      %dma_wait3A_298 = arith.constant 1 : i32
      %dma_wait3A_299 = arith.constant 0 : i32
      %dma_wait3A_300 = arith.constant 0 : i32
      %dma_wait3A_301 = tpu.memref_slice %arg9[%dma_wait3A_297, %dma_wait3A_299, %dma_wait3A_300] : memref<5x80x64xf32, #tpu.memory_space<vmem>> -> memref<1x80x64xf32, #tpu.memory_space<vmem>>
      %dma_wait3A_302 = tpu.memref_squeeze %dma_wait3A_301 : memref<1x80x64xf32, #tpu.memory_space<vmem>> -> memref<80x64xf32, #tpu.memory_space<vmem>>
      %dma_wait3A_303 = arith.constant 0 : i32
      %dma_wait3A_304 = tpu.memref_slice %arg8[%add3A_169, %dma_wait3A_303] : memref<125x80xi32, #tpu.memory_space<vmem>> -> memref<1x80xi32, #tpu.memory_space<vmem>>
      %dma_wait3A_305 = tpu.memref_squeeze %dma_wait3A_304 : memref<1x80xi32, #tpu.memory_space<vmem>> -> memref<80xi32, #tpu.memory_space<vmem>>
      %dma_wait3A_306 = arith.constant 0 : i32
      %dma_wait3A_307 = arith.constant 0 : i32
      %dma_wait3A_308 = tpu.memref_slice %arg11[%dma_wait3A_306, %dma_wait3A_307] : memref<10112x64xf32, #tpu.memory_space<vmem_shared>> -> memref<10112x64xf32, #tpu.memory_space<vmem_shared>>
      %dma_wait3A_309 = tpu.memref_slice %arg14[%dma_wait3A_298] : memref<5x!tpu.dma_semaphore, #tpu.memory_space<semaphore_mem>> -> memref<1x!tpu.dma_semaphore, #tpu.memory_space<semaphore_mem>>
      %dma_wait3A_310 = tpu.memref_squeeze %dma_wait3A_309 : memref<1x!tpu.dma_semaphore, #tpu.memory_space<semaphore_mem>> -> memref<!tpu.dma_semaphore, #tpu.memory_space<semaphore_mem>>
      tpu.wait_indirect_dma semaphore(%dma_wait3A_310 : memref<!tpu.dma_semaphore, #tpu.memory_space<semaphore_mem>>) src(%dma_wait3A_302 : memref<80x64xf32, #tpu.memory_space<vmem>>) dst(%dma_wait3A_308 : memref<10112x64xf32, #tpu.memory_space<vmem_shared>>)
      %dma_wait3A_311 = arith.constant 2 : i32
      %dma_wait3A_312 = arith.constant 2 : i32
      %dma_wait3A_313 = arith.constant 0 : i32
      %dma_wait3A_314 = arith.constant 0 : i32
      %dma_wait3A_315 = tpu.memref_slice %arg9[%dma_wait3A_311, %dma_wait3A_313, %dma_wait3A_314] : memref<5x80x64xf32, #tpu.memory_space<vmem>> -> memref<1x80x64xf32, #tpu.memory_space<vmem>>
      %dma_wait3A_316 = tpu.memref_squeeze %dma_wait3A_315 : memref<1x80x64xf32, #tpu.memory_space<vmem>> -> memref<80x64xf32, #tpu.memory_space<vmem>>
      %dma_wait3A_317 = arith.constant 0 : i32
      %dma_wait3A_318 = tpu.memref_slice %arg8[%add3A_202, %dma_wait3A_317] : memref<125x80xi32, #tpu.memory_space<vmem>> -> memref<1x80xi32, #tpu.memory_space<vmem>>
      %dma_wait3A_319 = tpu.memref_squeeze %dma_wait3A_318 : memref<1x80xi32, #tpu.memory_space<vmem>> -> memref<80xi32, #tpu.memory_space<vmem>>
      %dma_wait3A_320 = arith.constant 0 : i32
      %dma_wait3A_321 = arith.constant 0 : i32
      %dma_wait3A_322 = tpu.memref_slice %arg11[%dma_wait3A_320, %dma_wait3A_321] : memref<10112x64xf32, #tpu.memory_space<vmem_shared>> -> memref<10112x64xf32, #tpu.memory_space<vmem_shared>>
      %dma_wait3A_323 = tpu.memref_slice %arg14[%dma_wait3A_312] : memref<5x!tpu.dma_semaphore, #tpu.memory_space<semaphore_mem>> -> memref<1x!tpu.dma_semaphore, #tpu.memory_space<semaphore_mem>>
      %dma_wait3A_324 = tpu.memref_squeeze %dma_wait3A_323 : memref<1x!tpu.dma_semaphore, #tpu.memory_space<semaphore_mem>> -> memref<!tpu.dma_semaphore, #tpu.memory_space<semaphore_mem>>
      tpu.wait_indirect_dma semaphore(%dma_wait3A_324 : memref<!tpu.dma_semaphore, #tpu.memory_space<semaphore_mem>>) src(%dma_wait3A_316 : memref<80x64xf32, #tpu.memory_space<vmem>>) dst(%dma_wait3A_322 : memref<10112x64xf32, #tpu.memory_space<vmem_shared>>)
      %dma_wait3A_325 = arith.constant 3 : i32
      %dma_wait3A_326 = arith.constant 3 : i32
      %dma_wait3A_327 = arith.constant 0 : i32
      %dma_wait3A_328 = arith.constant 0 : i32
      %dma_wait3A_329 = tpu.memref_slice %arg9[%dma_wait3A_325, %dma_wait3A_327, %dma_wait3A_328] : memref<5x80x64xf32, #tpu.memory_space<vmem>> -> memref<1x80x64xf32, #tpu.memory_space<vmem>>
      %dma_wait3A_330 = tpu.memref_squeeze %dma_wait3A_329 : memref<1x80x64xf32, #tpu.memory_space<vmem>> -> memref<80x64xf32, #tpu.memory_space<vmem>>
      %dma_wait3A_331 = arith.constant 0 : i32
      %dma_wait3A_332 = tpu.memref_slice %arg8[%add3A_235, %dma_wait3A_331] : memref<125x80xi32, #tpu.memory_space<vmem>> -> memref<1x80xi32, #tpu.memory_space<vmem>>
      %dma_wait3A_333 = tpu.memref_squeeze %dma_wait3A_332 : memref<1x80xi32, #tpu.memory_space<vmem>> -> memref<80xi32, #tpu.memory_space<vmem>>
      %dma_wait3A_334 = arith.constant 0 : i32
      %dma_wait3A_335 = arith.constant 0 : i32
      %dma_wait3A_336 = tpu.memref_slice %arg11[%dma_wait3A_334, %dma_wait3A_335] : memref<10112x64xf32, #tpu.memory_space<vmem_shared>> -> memref<10112x64xf32, #tpu.memory_space<vmem_shared>>
      %dma_wait3A_337 = tpu.memref_slice %arg14[%dma_wait3A_326] : memref<5x!tpu.dma_semaphore, #tpu.memory_space<semaphore_mem>> -> memref<1x!tpu.dma_semaphore, #tpu.memory_space<semaphore_mem>>
      %dma_wait3A_338 = tpu.memref_squeeze %dma_wait3A_337 : memref<1x!tpu.dma_semaphore, #tpu.memory_space<semaphore_mem>> -> memref<!tpu.dma_semaphore, #tpu.memory_space<semaphore_mem>>
      tpu.wait_indirect_dma semaphore(%dma_wait3A_338 : memref<!tpu.dma_semaphore, #tpu.memory_space<semaphore_mem>>) src(%dma_wait3A_330 : memref<80x64xf32, #tpu.memory_space<vmem>>) dst(%dma_wait3A_336 : memref<10112x64xf32, #tpu.memory_space<vmem_shared>>)
      %dma_wait3A_339 = arith.constant 4 : i32
      %dma_wait3A_340 = arith.constant 4 : i32
      %dma_wait3A_341 = arith.constant 0 : i32
      %dma_wait3A_342 = arith.constant 0 : i32
      %dma_wait3A_343 = tpu.memref_slice %arg9[%dma_wait3A_339, %dma_wait3A_341, %dma_wait3A_342] : memref<5x80x64xf32, #tpu.memory_space<vmem>> -> memref<1x80x64xf32, #tpu.memory_space<vmem>>
      %dma_wait3A_344 = tpu.memref_squeeze %dma_wait3A_343 : memref<1x80x64xf32, #tpu.memory_space<vmem>> -> memref<80x64xf32, #tpu.memory_space<vmem>>
      %dma_wait3A_345 = arith.constant 0 : i32
      %dma_wait3A_346 = tpu.memref_slice %arg8[%add3A_268, %dma_wait3A_345] : memref<125x80xi32, #tpu.memory_space<vmem>> -> memref<1x80xi32, #tpu.memory_space<vmem>>
      %dma_wait3A_347 = tpu.memref_squeeze %dma_wait3A_346 : memref<1x80xi32, #tpu.memory_space<vmem>> -> memref<80xi32, #tpu.memory_space<vmem>>
      %dma_wait3A_348 = arith.constant 0 : i32
      %dma_wait3A_349 = arith.constant 0 : i32
      %dma_wait3A_350 = tpu.memref_slice %arg11[%dma_wait3A_348, %dma_wait3A_349] : memref<10112x64xf32, #tpu.memory_space<vmem_shared>> -> memref<10112x64xf32, #tpu.memory_space<vmem_shared>>
      %dma_wait3A_351 = tpu.memref_slice %arg14[%dma_wait3A_340] : memref<5x!tpu.dma_semaphore, #tpu.memory_space<semaphore_mem>> -> memref<1x!tpu.dma_semaphore, #tpu.memory_space<semaphore_mem>>
      %dma_wait3A_352 = tpu.memref_squeeze %dma_wait3A_351 : memref<1x!tpu.dma_semaphore, #tpu.memory_space<semaphore_mem>> -> memref<!tpu.dma_semaphore, #tpu.memory_space<semaphore_mem>>
      tpu.wait_indirect_dma semaphore(%dma_wait3A_352 : memref<!tpu.dma_semaphore, #tpu.memory_space<semaphore_mem>>) src(%dma_wait3A_344 : memref<80x64xf32, #tpu.memory_space<vmem>>) dst(%dma_wait3A_350 : memref<10112x64xf32, #tpu.memory_space<vmem_shared>>)
    }
    %scan3A_15 = arith.constant 25 : i32
    %barrier3A_16 = arith.constant 0 : index
    tpu.barrier barrier_id(%barrier3A_16)
    %mul3A_17 = arith.constant 632 : i32
    %mul3A_18 = arith.muli %arg1, %mul3A_17 : i32
    %mul3A_19 = arith.constant 10112 : i32
    %mul3A_20 = arith.muli %arg0, %mul3A_19 : i32
    %mul3A_21 = arith.constant 632 : i32
    %mul3A_22 = arith.muli %arg1, %mul3A_21 : i32
    %add3A_23 = arith.addi %mul3A_20, %mul3A_22 : i32
    "tpu.region"() ({
      %run_scoped3A = tpu.sem_alloc : memref<!tpu.dma_semaphore, #tpu.memory_space<semaphore_mem>>
      %dma_start3A = arith.constant 0 : i32
      %dma_start3A_24 = tpu.memref_slice %arg6[%add3A_23, %dma_start3A] : memref<20224x64xf32, #tpu.memory_space<hbm>> -> memref<632x64xf32, #tpu.memory_space<hbm>>
      %dma_start3A_25 = arith.constant 0 : i32
      %dma_start3A_26 = tpu.memref_slice %arg11[%mul3A_18, %dma_start3A_25] : memref<10112x64xf32, #tpu.memory_space<vmem_shared>> -> memref<632x64xf32, #tpu.memory_space<vmem_shared>>
      tpu.enqueue_dma source(%dma_start3A_26 : memref<632x64xf32, #tpu.memory_space<vmem_shared>>) target(%dma_start3A_24 : memref<632x64xf32, #tpu.memory_space<hbm>>) target_semaphore(%run_scoped3A : memref<!tpu.dma_semaphore, #tpu.memory_space<semaphore_mem>>)
      %dma_wait3A = arith.constant 0 : i32
      %dma_wait3A_27 = tpu.memref_slice %arg6[%add3A_23, %dma_wait3A] : memref<20224x64xf32, #tpu.memory_space<hbm>> -> memref<632x64xf32, #tpu.memory_space<hbm>>
      %dma_wait3A_28 = arith.constant 0 : i32
      %dma_wait3A_29 = tpu.memref_slice %arg11[%mul3A_18, %dma_wait3A_28] : memref<10112x64xf32, #tpu.memory_space<vmem_shared>> -> memref<632x64xf32, #tpu.memory_space<vmem_shared>>
      tpu.wait_dma2 semaphore(%run_scoped3A : memref<!tpu.dma_semaphore, #tpu.memory_space<semaphore_mem>>) src(%dma_wait3A_29 : memref<632x64xf32, #tpu.memory_space<vmem_shared>>) dst(%dma_wait3A_27 : memref<632x64xf32, #tpu.memory_space<hbm>>)
      tpu.yield
    }) : () -> ()
    return
  }
}

module attributes {stable_mosaic.version = 14 : i64} {
  func.func @_node0_body(%arg0: i32, %arg1: memref<2000x1xi32, #tpu.memory_space<vmem>>, %arg2: memref<16x16xf32, #tpu.memory_space<vmem>>, %arg3: memref<16x64xf32, #tpu.memory_space<vmem>>, %arg4: memref<2000x16xf32, #tpu.memory_space<vmem>>, %arg5: memref<2000x16xf32, #tpu.memory_space<vmem>>, %arg6: memref<2000x64xf32, #tpu.memory_space<vmem>>) attributes {dimension_semantics = [#tpu.dimension_semantics<parallel>], iteration_bounds = array<i64: 5>, scalar_prefetch = 0 : i64, scratch_operands = 0 : i64, tpu.core_type = #tpu.core_type<tc>, window_params = [{transform_indices = @transform_0, window_bounds = array<i64: 2000, 1>}, {pipeline_mode = #tpu.pipeline_mode<synchronous>, transform_indices = @transform_1, window_bounds = array<i64: 16, 16>}, {pipeline_mode = #tpu.pipeline_mode<synchronous>, transform_indices = @transform_2, window_bounds = array<i64: 16, 64>}, {transform_indices = @transform_3, window_bounds = array<i64: 2000, 16>}, {transform_indices = @transform_4, window_bounds = array<i64: 2000, 16>}, {transform_indices = @transform_5, window_bounds = array<i64: 2000, 64>}]} {
    %get3A = arith.constant 0 : index
    %get3A_0 = arith.constant 0 : index
    %get3A_1 = vector.load %arg1[%get3A, %get3A_0] : memref<2000x1xi32, #tpu.memory_space<vmem>>, vector<2000x1xi32>
    %iota3A = tpu.iota {dimensions = array<i32: 1>} : vector<2000x16xi32>
    %eq3A = vector.broadcast %get3A_1 : vector<2000x1xi32> to vector<2000x16xi32>
    %eq3A_2 = arith.cmpi eq, %iota3A, %eq3A : vector<2000x16xi32>
    %jit3A = arith.constant 1.000000e+00 : f32
    %jit3A_3 = arith.constant 0.000000e+00 : f32
    %broadcast_in_dim3A = vector.broadcast %jit3A : f32 to vector<2000x16xf32>
    %broadcast_in_dim3A_4 = vector.broadcast %jit3A_3 : f32 to vector<2000x16xf32>
    %select_n3A = arith.select %eq3A_2, %broadcast_in_dim3A, %broadcast_in_dim3A_4 : vector<2000x16xi1>, vector<2000x16xf32>
    %swap3A = arith.constant 0 : index
    %swap3A_5 = arith.constant 0 : index
    %swap3A_6 = vector.load %arg4[%swap3A, %swap3A_5] : memref<2000x16xf32, #tpu.memory_space<vmem>>, vector<2000x16xf32>
    tpu.vector_store %arg4[%swap3A, %swap3A_5], %select_n3A {strides = array<i32>} : memref<2000x16xf32, #tpu.memory_space<vmem>>, vector<2000x16xf32>,
    %get3A_7 = arith.constant 0 : index
    %get3A_8 = arith.constant 0 : index
    %get3A_9 = vector.load %arg2[%get3A_7, %get3A_8] : memref<16x16xf32, #tpu.memory_space<vmem>>, vector<16x16xf32>
    %dot_general3A = arith.constant dense<0.000000e+00> : vector<2000x16xf32>
    %dot_general3A_10 = tpu.matmul %select_n3A, %get3A_9, %dot_general3A {dimension_numbers = #tpu.dot_dimension_numbers<[1], [0], [0], [1], [0, 0, 1, 1], [], []>, transpose_lhs_hint = false} : vector<2000x16xf32>, vector<16x16xf32>, vector<2000x16xf32> -> vector<2000x16xf32>
    %swap3A_11 = arith.constant 0 : index
    %swap3A_12 = arith.constant 0 : index
    %swap3A_13 = vector.load %arg5[%swap3A_11, %swap3A_12] : memref<2000x16xf32, #tpu.memory_space<vmem>>, vector<2000x16xf32>
    tpu.vector_store %arg5[%swap3A_11, %swap3A_12], %dot_general3A_10 {strides = array<i32>} : memref<2000x16xf32, #tpu.memory_space<vmem>>, vector<2000x16xf32>,
    %get3A_14 = arith.constant 0 : index
    %get3A_15 = arith.constant 0 : index
    %get3A_16 = vector.load %arg3[%get3A_14, %get3A_15] : memref<16x64xf32, #tpu.memory_space<vmem>>, vector<16x64xf32>
    %dot_general3A_17 = arith.constant dense<0.000000e+00> : vector<2000x64xf32>
    %dot_general3A_18 = tpu.matmul %select_n3A, %get3A_16, %dot_general3A_17 {dimension_numbers = #tpu.dot_dimension_numbers<[1], [0], [0], [1], [0, 0, 1, 1], [], []>, transpose_lhs_hint = false} : vector<2000x16xf32>, vector<16x64xf32>, vector<2000x64xf32> -> vector<2000x64xf32>
    %swap3A_19 = arith.constant 0 : index
    %swap3A_20 = arith.constant 0 : index
    %swap3A_21 = vector.load %arg6[%swap3A_19, %swap3A_20] : memref<2000x64xf32, #tpu.memory_space<vmem>>, vector<2000x64xf32>
    tpu.vector_store %arg6[%swap3A_19, %swap3A_20], %dot_general3A_18 {strides = array<i32>} : memref<2000x64xf32, #tpu.memory_space<vmem>>, vector<2000x64xf32>,
    return
  }
  func.func @transform_0(%arg0: i32) -> (i32, i32) {
    %c0_i32 = arith.constant 0 : i32
    %c0_i32_0 = arith.constant 0 : i32
    return %arg0, %c0_i32 : i32, i32
  }
  func.func @transform_1(%arg0: i32) -> (i32, i32) {
    %c0_i32 = arith.constant 0 : i32
    %c0_i32_0 = arith.constant 0 : i32
    %c0_i32_1 = arith.constant 0 : i32
    return %c0_i32, %c0_i32_0 : i32, i32
  }
  func.func @transform_2(%arg0: i32) -> (i32, i32) {
    %c0_i32 = arith.constant 0 : i32
    %c0_i32_0 = arith.constant 0 : i32
    %c0_i32_1 = arith.constant 0 : i32
    return %c0_i32, %c0_i32_0 : i32, i32
  }
  func.func @transform_3(%arg0: i32) -> (i32, i32) {
    %c0_i32 = arith.constant 0 : i32
    %c0_i32_0 = arith.constant 0 : i32
    return %arg0, %c0_i32 : i32, i32
  }
  func.func @transform_4(%arg0: i32) -> (i32, i32) {
    %c0_i32 = arith.constant 0 : i32
    %c0_i32_0 = arith.constant 0 : i32
    return %arg0, %c0_i32 : i32, i32
  }
  func.func @transform_5(%arg0: i32) -> (i32, i32) {
    %c0_i32 = arith.constant 0 : i32
    %c0_i32_0 = arith.constant 0 : i32
    return %arg0, %c0_i32 : i32, i32
  }
}

module attributes {stable_mosaic.version = 14 : i64} {
  func.func @_edge_body(%arg0: i32, %arg1: memref<3x6400xf32, #tpu.memory_space<vmem>>, %arg2: memref<8x128xbf16, #tpu.memory_space<vmem>>, %arg3: memref<128x128xbf16, #tpu.memory_space<vmem>>, %arg4: memref<128x128xbf16, #tpu.memory_space<vmem>>, %arg5: memref<6400x128xf32, #tpu.memory_space<vmem>>) attributes {dimension_semantics = [#tpu.dimension_semantics<parallel>], iteration_bounds = array<i64: 50>, scalar_prefetch = 0 : i64, scratch_operands = 0 : i64, tpu.core_type = #tpu.core_type<tc>, window_params = [{transform_indices = @transform_0, window_bounds = array<i64: 3, 6400>}, {pipeline_mode = #tpu.pipeline_mode<synchronous>, transform_indices = @transform_1, window_bounds = array<i64: 8, 128>}, {pipeline_mode = #tpu.pipeline_mode<synchronous>, transform_indices = @transform_2, window_bounds = array<i64: 128, 128>}, {pipeline_mode = #tpu.pipeline_mode<synchronous>, transform_indices = @transform_3, window_bounds = array<i64: 128, 128>}, {transform_indices = @transform_4, window_bounds = array<i64: 6400, 128>}]} {
    %get3A = arith.constant 0 : index
    %get3A_0 = arith.constant 0 : index
    %get3A_1 = vector.load %arg1[%get3A, %get3A_0] : memref<3x6400xf32, #tpu.memory_space<vmem>>, vector<3x6400xf32>
    %slice3A = vector.extract_strided_slice %get3A_1 {offsets = [0, 0], sizes = [1, 6400], strides = [1, 1]} : vector<3x6400xf32> to vector<1x6400xf32>
    %slice3A_2 = vector.extract_strided_slice %get3A_1 {offsets = [0, 0], sizes = [1, 6400], strides = [1, 1]} : vector<3x6400xf32> to vector<1x6400xf32>
    %mul3A = arith.mulf %slice3A, %slice3A_2 : vector<1x6400xf32>
    %slice3A_3 = vector.extract_strided_slice %get3A_1 {offsets = [1, 0], sizes = [1, 6400], strides = [1, 1]} : vector<3x6400xf32> to vector<1x6400xf32>
    %slice3A_4 = vector.extract_strided_slice %get3A_1 {offsets = [1, 0], sizes = [1, 6400], strides = [1, 1]} : vector<3x6400xf32> to vector<1x6400xf32>
    %mul3A_5 = arith.mulf %slice3A_3, %slice3A_4 : vector<1x6400xf32>
    %add3A = arith.addf %mul3A, %mul3A_5 : vector<1x6400xf32>
    %slice3A_6 = vector.extract_strided_slice %get3A_1 {offsets = [2, 0], sizes = [1, 6400], strides = [1, 1]} : vector<3x6400xf32> to vector<1x6400xf32>
    %slice3A_7 = vector.extract_strided_slice %get3A_1 {offsets = [2, 0], sizes = [1, 6400], strides = [1, 1]} : vector<3x6400xf32> to vector<1x6400xf32>
    %mul3A_8 = arith.mulf %slice3A_6, %slice3A_7 : vector<1x6400xf32>
    %add3A_9 = arith.addf %add3A, %mul3A_8 : vector<1x6400xf32>
    %eq3A = arith.constant 0.000000e+00 : f32
    %eq3A_10 = vector.broadcast %eq3A : f32 to vector<1x6400xf32>
    %eq3A_11 = arith.cmpf oeq, %add3A_9, %eq3A_10 : vector<1x6400xf32>
    %sqrt3A = math.sqrt %add3A_9 : vector<1x6400xf32>
    %jit3A = arith.constant 0.000000e+00 : f32
    %broadcast_in_dim3A = vector.broadcast %jit3A : f32 to vector<1x6400xf32>
    %select_n3A = arith.select %eq3A_11, %broadcast_in_dim3A, %sqrt3A : vector<1x6400xi1>, vector<1x6400xf32>
    %broadcast_in_dim3A_12 = vector.shape_cast %select_n3A : vector<1x6400xf32> to vector<1x6400xf32>
    %broadcast_in_dim3A_13 = vector.broadcast %broadcast_in_dim3A_12 : vector<1x6400xf32> to vector<8x6400xf32>
    %iota3A = tpu.iota {dimensions = array<i32: 0>} : vector<8x1xi32>
    %convert_element_type3A = arith.sitofp %iota3A : vector<8x1xi32> to vector<8x1xf32>
    %add3A_14 = arith.constant 1.000000e+00 : f32
    %add3A_15 = vector.broadcast %add3A_14 : f32 to vector<8x1xf32>
    %add3A_16 = arith.addf %convert_element_type3A, %add3A_15 : vector<8x1xf32>
    %mul3A_17 = arith.constant 3.14159274 : f32
    %mul3A_18 = vector.broadcast %mul3A_17 : f32 to vector<8x1xf32>
    %mul3A_19 = arith.mulf %add3A_16, %mul3A_18 : vector<8x1xf32>
    %eq3A_20 = arith.constant 0.000000e+00 : f32
    %eq3A_21 = vector.broadcast %eq3A_20 : f32 to vector<8x6400xf32>
    %eq3A_22 = arith.cmpf oeq, %broadcast_in_dim3A_13, %eq3A_21 : vector<8x6400xf32>
    %div3A = arith.constant 5.000000e+00 : f32
    %div3A_23 = vector.broadcast %div3A : f32 to vector<8x1xf32>
    %div3A_24 = arith.divf %mul3A_19, %div3A_23 : vector<8x1xf32>
    %mul3A_25 = vector.broadcast %mul3A_19 : vector<8x1xf32> to vector<8x6400xf32>
    %mul3A_26 = arith.mulf %mul3A_25, %broadcast_in_dim3A_13 : vector<8x6400xf32>
    %div3A_27 = arith.constant 5.000000e+00 : f32
    %div3A_28 = vector.broadcast %div3A_27 : f32 to vector<8x6400xf32>
    %div3A_29 = arith.divf %mul3A_26, %div3A_28 : vector<8x6400xf32>
    %sin3A = math.sin %div3A_29 : vector<8x6400xf32>
    %div3A_30 = arith.divf %sin3A, %broadcast_in_dim3A_13 : vector<8x6400xf32>
    %broadcast_in_dim3A_31 = vector.shape_cast %div3A_24 : vector<8x1xf32> to vector<8x1xf32>
    %broadcast_in_dim3A_32 = vector.broadcast %broadcast_in_dim3A_31 : vector<8x1xf32> to vector<8x6400xf32>
    %select_n3A_33 = arith.select %eq3A_22, %broadcast_in_dim3A_32, %div3A_30 : vector<8x6400xi1>, vector<8x6400xf32>
    %mul3A_34 = arith.constant 4.000000e-01 : f32
    %mul3A_35 = vector.broadcast %mul3A_34 : f32 to vector<8x6400xf32>
    %mul3A_36 = arith.mulf %mul3A_35, %select_n3A_33 : vector<8x6400xf32>
    %div3A_37 = arith.constant 5.000000e+00 : f32
    %div3A_38 = vector.broadcast %div3A_37 : f32 to vector<1x6400xf32>
    %div3A_39 = arith.divf %select_n3A, %div3A_38 : vector<1x6400xf32>
    %mul3A_40 = arith.mulf %div3A_39, %div3A_39 : vector<1x6400xf32>
    %mul3A_41 = arith.constant 6.000000e+00 : f32
    %mul3A_42 = vector.broadcast %mul3A_41 : f32 to vector<1x6400xf32>
    %mul3A_43 = arith.mulf %mul3A_42, %mul3A_40 : vector<1x6400xf32>
    %sub3A = arith.constant 1.000000e+00 : f32
    %sub3A_44 = vector.broadcast %sub3A : f32 to vector<1x6400xf32>
    %sub3A_45 = arith.subf %sub3A_44, %mul3A_43 : vector<1x6400xf32>
    %mul3A_46 = arith.constant 8.000000e+00 : f32
    %mul3A_47 = vector.broadcast %mul3A_46 : f32 to vector<1x6400xf32>
    %mul3A_48 = arith.mulf %mul3A_47, %mul3A_40 : vector<1x6400xf32>
    %mul3A_49 = arith.mulf %mul3A_48, %div3A_39 : vector<1x6400xf32>
    %add3A_50 = arith.addf %sub3A_45, %mul3A_49 : vector<1x6400xf32>
    %mul3A_51 = arith.constant 3.000000e+00 : f32
    %mul3A_52 = vector.broadcast %mul3A_51 : f32 to vector<1x6400xf32>
    %mul3A_53 = arith.mulf %mul3A_52, %mul3A_40 : vector<1x6400xf32>
    %mul3A_54 = arith.mulf %mul3A_53, %mul3A_40 : vector<1x6400xf32>
    %sub3A_55 = arith.subf %add3A_50, %mul3A_54 : vector<1x6400xf32>
    %lt3A = arith.constant 1.000000e+00 : f32
    %lt3A_56 = vector.broadcast %lt3A : f32 to vector<1x6400xf32>
    %lt3A_57 = arith.cmpf olt, %div3A_39, %lt3A_56 : vector<1x6400xf32>
    %jit3A_58 = arith.constant 1.000000e+00 : f32
    %jit3A_59 = arith.constant 0.000000e+00 : f32
    %broadcast_in_dim3A_60 = vector.broadcast %jit3A_58 : f32 to vector<1x6400xf32>
    %broadcast_in_dim3A_61 = vector.broadcast %jit3A_59 : f32 to vector<1x6400xf32>
    %select_n3A_62 = arith.select %lt3A_57, %broadcast_in_dim3A_60, %broadcast_in_dim3A_61 : vector<1x6400xi1>, vector<1x6400xf32>
    %mul3A_63 = arith.mulf %sub3A_55, %select_n3A_62 : vector<1x6400xf32>
    %mul3A_64 = vector.broadcast %mul3A_63 : vector<1x6400xf32> to vector<8x6400xf32>
    %mul3A_65 = arith.mulf %mul3A_36, %mul3A_64 : vector<8x6400xf32>
    %convert_element_type3A_66 = arith.truncf %mul3A_65 : vector<8x6400xf32> to vector<8x6400xbf16>
    %get3A_67 = arith.constant 0 : index
    %get3A_68 = arith.constant 0 : index
    %get3A_69 = vector.load %arg2[%get3A_67, %get3A_68] : memref<8x128xbf16, #tpu.memory_space<vmem>>, vector<8x128xbf16>
    %dot_general3A = arith.constant dense<0.000000e+00> : vector<6400x128xf32>
    %dot_general3A_70 = tpu.matmul %convert_element_type3A_66, %get3A_69, %dot_general3A {dimension_numbers = #tpu.dot_dimension_numbers<[0], [0], [1], [1], [0, 1, 1, 1], [], []>, transpose_lhs_hint = false} : vector<8x6400xbf16>, vector<8x128xbf16>, vector<6400x128xf32> -> vector<6400x128xf32>
    %logistic3A = arith.negf %dot_general3A_70 : vector<6400x128xf32>
    %logistic3A_71 = math.exp %logistic3A : vector<6400x128xf32>
    %logistic3A_72 = arith.constant 1.000000e+00 : f32
    %logistic3A_73 = vector.broadcast %logistic3A_72 : f32 to vector<6400x128xf32>
    %logistic3A_74 = arith.addf %logistic3A_73, %logistic3A_71 : vector<6400x128xf32>
    %logistic3A_75 = arith.divf %logistic3A_73, %logistic3A_74 : vector<6400x128xf32>
    %mul3A_76 = arith.mulf %dot_general3A_70, %logistic3A_75 : vector<6400x128xf32>
    %convert_element_type3A_77 = arith.truncf %mul3A_76 : vector<6400x128xf32> to vector<6400x128xbf16>
    %get3A_78 = arith.constant 0 : index
    %get3A_79 = arith.constant 0 : index
    %get3A_80 = vector.load %arg3[%get3A_78, %get3A_79] : memref<128x128xbf16, #tpu.memory_space<vmem>>, vector<128x128xbf16>
    %dot_general3A_81 = arith.constant dense<0.000000e+00> : vector<6400x128xf32>
    %dot_general3A_82 = tpu.matmul %convert_element_type3A_77, %get3A_80, %dot_general3A_81 {dimension_numbers = #tpu.dot_dimension_numbers<[1], [0], [0], [1], [0, 0, 1, 1], [], []>, transpose_lhs_hint = false} : vector<6400x128xbf16>, vector<128x128xbf16>, vector<6400x128xf32> -> vector<6400x128xf32>
    %logistic3A_83 = arith.negf %dot_general3A_82 : vector<6400x128xf32>
    %logistic3A_84 = math.exp %logistic3A_83 : vector<6400x128xf32>
    %logistic3A_85 = arith.constant 1.000000e+00 : f32
    %logistic3A_86 = vector.broadcast %logistic3A_85 : f32 to vector<6400x128xf32>
    %logistic3A_87 = arith.addf %logistic3A_86, %logistic3A_84 : vector<6400x128xf32>
    %logistic3A_88 = arith.divf %logistic3A_86, %logistic3A_87 : vector<6400x128xf32>
    %mul3A_89 = arith.mulf %dot_general3A_82, %logistic3A_88 : vector<6400x128xf32>
    %convert_element_type3A_90 = arith.truncf %mul3A_89 : vector<6400x128xf32> to vector<6400x128xbf16>
    %get3A_91 = arith.constant 0 : index
    %get3A_92 = arith.constant 0 : index
    %get3A_93 = vector.load %arg4[%get3A_91, %get3A_92] : memref<128x128xbf16, #tpu.memory_space<vmem>>, vector<128x128xbf16>
    %dot_general3A_94 = arith.constant dense<0.000000e+00> : vector<6400x128xf32>
    %dot_general3A_95 = tpu.matmul %convert_element_type3A_90, %get3A_93, %dot_general3A_94 {dimension_numbers = #tpu.dot_dimension_numbers<[1], [0], [0], [1], [0, 0, 1, 1], [], []>, transpose_lhs_hint = false} : vector<6400x128xbf16>, vector<128x128xbf16>, vector<6400x128xf32> -> vector<6400x128xf32>
    %swap3A = arith.constant 0 : index
    %swap3A_96 = arith.constant 0 : index
    %swap3A_97 = vector.load %arg5[%swap3A, %swap3A_96] : memref<6400x128xf32, #tpu.memory_space<vmem>>, vector<6400x128xf32>
    tpu.vector_store %arg5[%swap3A, %swap3A_96], %dot_general3A_95 {strides = array<i32>} : memref<6400x128xf32, #tpu.memory_space<vmem>>, vector<6400x128xf32>,
    return
  }
  func.func @transform_0(%arg0: i32) -> (i32, i32) {
    %c0_i32 = arith.constant 0 : i32
    %c0_i32_0 = arith.constant 0 : i32
    return %c0_i32, %arg0 : i32, i32
  }
  func.func @transform_1(%arg0: i32) -> (i32, i32) {
    %c0_i32 = arith.constant 0 : i32
    %c0_i32_0 = arith.constant 0 : i32
    %c0_i32_1 = arith.constant 0 : i32
    return %c0_i32, %c0_i32_0 : i32, i32
  }
  func.func @transform_2(%arg0: i32) -> (i32, i32) {
    %c0_i32 = arith.constant 0 : i32
    %c0_i32_0 = arith.constant 0 : i32
    %c0_i32_1 = arith.constant 0 : i32
    return %c0_i32, %c0_i32_0 : i32, i32
  }
  func.func @transform_3(%arg0: i32) -> (i32, i32) {
    %c0_i32 = arith.constant 0 : i32
    %c0_i32_0 = arith.constant 0 : i32
    %c0_i32_1 = arith.constant 0 : i32
    return %c0_i32, %c0_i32_0 : i32, i32
  }
  func.func @transform_4(%arg0: i32) -> (i32, i32) {
    %c0_i32 = arith.constant 0 : i32
    %c0_i32_0 = arith.constant 0 : i32
    return %arg0, %c0_i32 : i32, i32
  }
}

module attributes {stable_mosaic.version = 14 : i64} {
  func.func @_node1_body(%arg0: i32, %arg1: memref<2000x16xf32, #tpu.memory_space<vmem>>, %arg2: memref<2000x16xf32, #tpu.memory_space<vmem>>, %arg3: memref<2000x64xf32, #tpu.memory_space<vmem>>, %arg4: memref<2000x16xf32, #tpu.memory_space<vmem>>, %arg5: memref<16x64xf32, #tpu.memory_space<vmem>>, %arg6: memref<64x64xf32, #tpu.memory_space<vmem>>, %arg7: memref<10x64x64xf32, #tpu.memory_space<vmem>>, %arg8: memref<2000x64xf32, #tpu.memory_space<vmem>>, %arg9: memref<2000x64xf32, #tpu.memory_space<vmem>>) attributes {dimension_semantics = [#tpu.dimension_semantics<parallel>], iteration_bounds = array<i64: 5>, scalar_prefetch = 0 : i64, scratch_operands = 0 : i64, tpu.core_type = #tpu.core_type<tc>, window_params = [{transform_indices = @transform_0, window_bounds = array<i64: 2000, 16>}, {transform_indices = @transform_1, window_bounds = array<i64: 2000, 16>}, {transform_indices = @transform_2, window_bounds = array<i64: 2000, 64>}, {transform_indices = @transform_3, window_bounds = array<i64: 2000, 16>}, {pipeline_mode = #tpu.pipeline_mode<synchronous>, transform_indices = @transform_4, window_bounds = array<i64: 16, 64>}, {pipeline_mode = #tpu.pipeline_mode<synchronous>, transform_indices = @transform_5, window_bounds = array<i64: 64, 64>}, {pipeline_mode = #tpu.pipeline_mode<synchronous>, transform_indices = @transform_6, window_bounds = array<i64: 10, 64, 64>}, {transform_indices = @transform_7, window_bounds = array<i64: 2000, 64>}, {transform_indices = @transform_8, window_bounds = array<i64: 2000, 64>}]} {
    %get3A = arith.constant 0 : index
    %get3A_0 = arith.constant 0 : index
    %get3A_1 = vector.load %arg1[%get3A, %get3A_0] : memref<2000x16xf32, #tpu.memory_space<vmem>>, vector<2000x16xf32>
    %get3A_2 = arith.constant 0 : index
    %get3A_3 = arith.constant 0 : index
    %get3A_4 = vector.load %arg2[%get3A_2, %get3A_3] : memref<2000x16xf32, #tpu.memory_space<vmem>>, vector<2000x16xf32>
    %add3A = arith.addf %get3A_1, %get3A_4 : vector<2000x16xf32>
    %mul3A = arith.constant 0.176776692 : f32
    %mul3A_5 = vector.broadcast %mul3A : f32 to vector<2000x16xf32>
    %mul3A_6 = arith.mulf %add3A, %mul3A_5 : vector<2000x16xf32>
    %get3A_7 = arith.constant 0 : index
    %get3A_8 = arith.constant 0 : index
    %get3A_9 = vector.load %arg5[%get3A_7, %get3A_8] : memref<16x64xf32, #tpu.memory_space<vmem>>, vector<16x64xf32>
    %dot_general3A = arith.constant dense<0.000000e+00> : vector<2000x64xf32>
    %dot_general3A_10 = tpu.matmul %mul3A_6, %get3A_9, %dot_general3A {dimension_numbers = #tpu.dot_dimension_numbers<[1], [0], [0], [1], [0, 0, 1, 1], [], []>, transpose_lhs_hint = false} : vector<2000x16xf32>, vector<16x64xf32>, vector<2000x64xf32> -> vector<2000x64xf32>
    %get3A_11 = arith.constant 0 : index
    %get3A_12 = arith.constant 0 : index
    %get3A_13 = vector.load %arg3[%get3A_11, %get3A_12] : memref<2000x64xf32, #tpu.memory_space<vmem>>, vector<2000x64xf32>
    %add3A_14 = arith.addf %dot_general3A_10, %get3A_13 : vector<2000x64xf32>
    %logistic3A = arith.negf %add3A_14 : vector<2000x64xf32>
    %logistic3A_15 = math.exp %logistic3A : vector<2000x64xf32>
    %logistic3A_16 = arith.constant 1.000000e+00 : f32
    %logistic3A_17 = vector.broadcast %logistic3A_16 : f32 to vector<2000x64xf32>
    %logistic3A_18 = arith.addf %logistic3A_17, %logistic3A_15 : vector<2000x64xf32>
    %logistic3A_19 = arith.divf %logistic3A_17, %logistic3A_18 : vector<2000x64xf32>
    %mul3A_20 = arith.mulf %add3A_14, %logistic3A_19 : vector<2000x64xf32>
    %get3A_21 = arith.constant 0 : index
    %get3A_22 = arith.constant 0 : index
    %get3A_23 = vector.load %arg6[%get3A_21, %get3A_22] : memref<64x64xf32, #tpu.memory_space<vmem>>, vector<64x64xf32>
    %dot_general3A_24 = arith.constant dense<0.000000e+00> : vector<2000x64xf32>
    %dot_general3A_25 = tpu.matmul %mul3A_20, %get3A_23, %dot_general3A_24 {dimension_numbers = #tpu.dot_dimension_numbers<[1], [0], [0], [1], [0, 0, 1, 1], [], []>, transpose_lhs_hint = false} : vector<2000x64xf32>, vector<64x64xf32>, vector<2000x64xf32> -> vector<2000x64xf32>
    %swap3A = arith.constant 0 : index
    %swap3A_26 = arith.constant 0 : index
    %swap3A_27 = vector.load %arg8[%swap3A, %swap3A_26] : memref<2000x64xf32, #tpu.memory_space<vmem>>, vector<2000x64xf32>
    tpu.vector_store %arg8[%swap3A, %swap3A_26], %dot_general3A_25 {strides = array<i32>} : memref<2000x64xf32, #tpu.memory_space<vmem>>, vector<2000x64xf32>,
    %broadcast_in_dim3A = arith.constant 0.000000e+00 : f32
    %broadcast_in_dim3A_28 = vector.broadcast %broadcast_in_dim3A : f32 to vector<2000x64xf32>
    %get3A_29 = arith.constant 0 : index
    %get3A_30 = arith.constant 0 : index
    %get3A_31 = vector.load %arg4[%get3A_29, %get3A_30] : memref<2000x16xf32, #tpu.memory_space<vmem>>, vector<2000x1xf32>
    %mul3A_32 = vector.broadcast %get3A_31 : vector<2000x1xf32> to vector<2000x64xf32>
    %mul3A_33 = arith.mulf %mul3A_20, %mul3A_32 : vector<2000x64xf32>
    %get3A_34 = arith.constant 0 : index
    %get3A_35 = arith.constant 0 : index
    %get3A_36 = arith.constant 0 : index
    %get3A_37 = vector.load %arg7[%get3A_34, %get3A_35, %get3A_36] : memref<10x64x64xf32, #tpu.memory_space<vmem>>, vector<1x64x64xf32>
    %get3A_38 = vector.shape_cast %get3A_37 : vector<1x64x64xf32> to vector<64x64xf32>
    %dot_general3A_39 = arith.constant dense<0.000000e+00> : vector<2000x64xf32>
    %dot_general3A_40 = tpu.matmul %mul3A_33, %get3A_38, %dot_general3A_39 {dimension_numbers = #tpu.dot_dimension_numbers<[1], [0], [0], [1], [0, 0, 1, 1], [], []>, transpose_lhs_hint = false} : vector<2000x64xf32>, vector<64x64xf32>, vector<2000x64xf32> -> vector<2000x64xf32>
    %add3A_41 = arith.addf %broadcast_in_dim3A_28, %dot_general3A_40 : vector<2000x64xf32>
    %get3A_42 = arith.constant 0 : index
    %get3A_43 = arith.constant 1 : index
    %get3A_44 = vector.load %arg4[%get3A_42, %get3A_43] : memref<2000x16xf32, #tpu.memory_space<vmem>>, vector<2000x1xf32>
    %mul3A_45 = vector.broadcast %get3A_44 : vector<2000x1xf32> to vector<2000x64xf32>
    %mul3A_46 = arith.mulf %mul3A_20, %mul3A_45 : vector<2000x64xf32>
    %get3A_47 = arith.constant 1 : index
    %get3A_48 = arith.constant 0 : index
    %get3A_49 = arith.constant 0 : index
    %get3A_50 = vector.load %arg7[%get3A_47, %get3A_48, %get3A_49] : memref<10x64x64xf32, #tpu.memory_space<vmem>>, vector<1x64x64xf32>
    %get3A_51 = vector.shape_cast %get3A_50 : vector<1x64x64xf32> to vector<64x64xf32>
    %dot_general3A_52 = arith.constant dense<0.000000e+00> : vector<2000x64xf32>
    %dot_general3A_53 = tpu.matmul %mul3A_46, %get3A_51, %dot_general3A_52 {dimension_numbers = #tpu.dot_dimension_numbers<[1], [0], [0], [1], [0, 0, 1, 1], [], []>, transpose_lhs_hint = false} : vector<2000x64xf32>, vector<64x64xf32>, vector<2000x64xf32> -> vector<2000x64xf32>
    %add3A_54 = arith.addf %add3A_41, %dot_general3A_53 : vector<2000x64xf32>
    %get3A_55 = arith.constant 0 : index
    %get3A_56 = arith.constant 2 : index
    %get3A_57 = vector.load %arg4[%get3A_55, %get3A_56] : memref<2000x16xf32, #tpu.memory_space<vmem>>, vector<2000x1xf32>
    %mul3A_58 = vector.broadcast %get3A_57 : vector<2000x1xf32> to vector<2000x64xf32>
    %mul3A_59 = arith.mulf %mul3A_20, %mul3A_58 : vector<2000x64xf32>
    %get3A_60 = arith.constant 2 : index
    %get3A_61 = arith.constant 0 : index
    %get3A_62 = arith.constant 0 : index
    %get3A_63 = vector.load %arg7[%get3A_60, %get3A_61, %get3A_62] : memref<10x64x64xf32, #tpu.memory_space<vmem>>, vector<1x64x64xf32>
    %get3A_64 = vector.shape_cast %get3A_63 : vector<1x64x64xf32> to vector<64x64xf32>
    %dot_general3A_65 = arith.constant dense<0.000000e+00> : vector<2000x64xf32>
    %dot_general3A_66 = tpu.matmul %mul3A_59, %get3A_64, %dot_general3A_65 {dimension_numbers = #tpu.dot_dimension_numbers<[1], [0], [0], [1], [0, 0, 1, 1], [], []>, transpose_lhs_hint = false} : vector<2000x64xf32>, vector<64x64xf32>, vector<2000x64xf32> -> vector<2000x64xf32>
    %add3A_67 = arith.addf %add3A_54, %dot_general3A_66 : vector<2000x64xf32>
    %get3A_68 = arith.constant 0 : index
    %get3A_69 = arith.constant 3 : index
    %get3A_70 = vector.load %arg4[%get3A_68, %get3A_69] : memref<2000x16xf32, #tpu.memory_space<vmem>>, vector<2000x1xf32>
    %mul3A_71 = vector.broadcast %get3A_70 : vector<2000x1xf32> to vector<2000x64xf32>
    %mul3A_72 = arith.mulf %mul3A_20, %mul3A_71 : vector<2000x64xf32>
    %get3A_73 = arith.constant 3 : index
    %get3A_74 = arith.constant 0 : index
    %get3A_75 = arith.constant 0 : index
    %get3A_76 = vector.load %arg7[%get3A_73, %get3A_74, %get3A_75] : memref<10x64x64xf32, #tpu.memory_space<vmem>>, vector<1x64x64xf32>
    %get3A_77 = vector.shape_cast %get3A_76 : vector<1x64x64xf32> to vector<64x64xf32>
    %dot_general3A_78 = arith.constant dense<0.000000e+00> : vector<2000x64xf32>
    %dot_general3A_79 = tpu.matmul %mul3A_72, %get3A_77, %dot_general3A_78 {dimension_numbers = #tpu.dot_dimension_numbers<[1], [0], [0], [1], [0, 0, 1, 1], [], []>, transpose_lhs_hint = false} : vector<2000x64xf32>, vector<64x64xf32>, vector<2000x64xf32> -> vector<2000x64xf32>
    %add3A_80 = arith.addf %add3A_67, %dot_general3A_79 : vector<2000x64xf32>
    %get3A_81 = arith.constant 0 : index
    %get3A_82 = arith.constant 4 : index
    %get3A_83 = vector.load %arg4[%get3A_81, %get3A_82] : memref<2000x16xf32, #tpu.memory_space<vmem>>, vector<2000x1xf32>
    %mul3A_84 = vector.broadcast %get3A_83 : vector<2000x1xf32> to vector<2000x64xf32>
    %mul3A_85 = arith.mulf %mul3A_20, %mul3A_84 : vector<2000x64xf32>
    %get3A_86 = arith.constant 4 : index
    %get3A_87 = arith.constant 0 : index
    %get3A_88 = arith.constant 0 : index
    %get3A_89 = vector.load %arg7[%get3A_86, %get3A_87, %get3A_88] : memref<10x64x64xf32, #tpu.memory_space<vmem>>, vector<1x64x64xf32>
    %get3A_90 = vector.shape_cast %get3A_89 : vector<1x64x64xf32> to vector<64x64xf32>
    %dot_general3A_91 = arith.constant dense<0.000000e+00> : vector<2000x64xf32>
    %dot_general3A_92 = tpu.matmul %mul3A_85, %get3A_90, %dot_general3A_91 {dimension_numbers = #tpu.dot_dimension_numbers<[1], [0], [0], [1], [0, 0, 1, 1], [], []>, transpose_lhs_hint = false} : vector<2000x64xf32>, vector<64x64xf32>, vector<2000x64xf32> -> vector<2000x64xf32>
    %add3A_93 = arith.addf %add3A_80, %dot_general3A_92 : vector<2000x64xf32>
    %get3A_94 = arith.constant 0 : index
    %get3A_95 = arith.constant 5 : index
    %get3A_96 = vector.load %arg4[%get3A_94, %get3A_95] : memref<2000x16xf32, #tpu.memory_space<vmem>>, vector<2000x1xf32>
    %mul3A_97 = vector.broadcast %get3A_96 : vector<2000x1xf32> to vector<2000x64xf32>
    %mul3A_98 = arith.mulf %mul3A_20, %mul3A_97 : vector<2000x64xf32>
    %get3A_99 = arith.constant 5 : index
    %get3A_100 = arith.constant 0 : index
    %get3A_101 = arith.constant 0 : index
    %get3A_102 = vector.load %arg7[%get3A_99, %get3A_100, %get3A_101] : memref<10x64x64xf32, #tpu.memory_space<vmem>>, vector<1x64x64xf32>
    %get3A_103 = vector.shape_cast %get3A_102 : vector<1x64x64xf32> to vector<64x64xf32>
    %dot_general3A_104 = arith.constant dense<0.000000e+00> : vector<2000x64xf32>
    %dot_general3A_105 = tpu.matmul %mul3A_98, %get3A_103, %dot_general3A_104 {dimension_numbers = #tpu.dot_dimension_numbers<[1], [0], [0], [1], [0, 0, 1, 1], [], []>, transpose_lhs_hint = false} : vector<2000x64xf32>, vector<64x64xf32>, vector<2000x64xf32> -> vector<2000x64xf32>
    %add3A_106 = arith.addf %add3A_93, %dot_general3A_105 : vector<2000x64xf32>
    %get3A_107 = arith.constant 0 : index
    %get3A_108 = arith.constant 6 : index
    %get3A_109 = vector.load %arg4[%get3A_107, %get3A_108] : memref<2000x16xf32, #tpu.memory_space<vmem>>, vector<2000x1xf32>
    %mul3A_110 = vector.broadcast %get3A_109 : vector<2000x1xf32> to vector<2000x64xf32>
    %mul3A_111 = arith.mulf %mul3A_20, %mul3A_110 : vector<2000x64xf32>
    %get3A_112 = arith.constant 6 : index
    %get3A_113 = arith.constant 0 : index
    %get3A_114 = arith.constant 0 : index
    %get3A_115 = vector.load %arg7[%get3A_112, %get3A_113, %get3A_114] : memref<10x64x64xf32, #tpu.memory_space<vmem>>, vector<1x64x64xf32>
    %get3A_116 = vector.shape_cast %get3A_115 : vector<1x64x64xf32> to vector<64x64xf32>
    %dot_general3A_117 = arith.constant dense<0.000000e+00> : vector<2000x64xf32>
    %dot_general3A_118 = tpu.matmul %mul3A_111, %get3A_116, %dot_general3A_117 {dimension_numbers = #tpu.dot_dimension_numbers<[1], [0], [0], [1], [0, 0, 1, 1], [], []>, transpose_lhs_hint = false} : vector<2000x64xf32>, vector<64x64xf32>, vector<2000x64xf32> -> vector<2000x64xf32>
    %add3A_119 = arith.addf %add3A_106, %dot_general3A_118 : vector<2000x64xf32>
    %get3A_120 = arith.constant 0 : index
    %get3A_121 = arith.constant 7 : index
    %get3A_122 = vector.load %arg4[%get3A_120, %get3A_121] : memref<2000x16xf32, #tpu.memory_space<vmem>>, vector<2000x1xf32>
    %mul3A_123 = vector.broadcast %get3A_122 : vector<2000x1xf32> to vector<2000x64xf32>
    %mul3A_124 = arith.mulf %mul3A_20, %mul3A_123 : vector<2000x64xf32>
    %get3A_125 = arith.constant 7 : index
    %get3A_126 = arith.constant 0 : index
    %get3A_127 = arith.constant 0 : index
    %get3A_128 = vector.load %arg7[%get3A_125, %get3A_126, %get3A_127] : memref<10x64x64xf32, #tpu.memory_space<vmem>>, vector<1x64x64xf32>
    %get3A_129 = vector.shape_cast %get3A_128 : vector<1x64x64xf32> to vector<64x64xf32>
    %dot_general3A_130 = arith.constant dense<0.000000e+00> : vector<2000x64xf32>
    %dot_general3A_131 = tpu.matmul %mul3A_124, %get3A_129, %dot_general3A_130 {dimension_numbers = #tpu.dot_dimension_numbers<[1], [0], [0], [1], [0, 0, 1, 1], [], []>, transpose_lhs_hint = false} : vector<2000x64xf32>, vector<64x64xf32>, vector<2000x64xf32> -> vector<2000x64xf32>
    %add3A_132 = arith.addf %add3A_119, %dot_general3A_131 : vector<2000x64xf32>
    %get3A_133 = arith.constant 0 : index
    %get3A_134 = arith.constant 8 : index
    %get3A_135 = vector.load %arg4[%get3A_133, %get3A_134] : memref<2000x16xf32, #tpu.memory_space<vmem>>, vector<2000x1xf32>
    %mul3A_136 = vector.broadcast %get3A_135 : vector<2000x1xf32> to vector<2000x64xf32>
    %mul3A_137 = arith.mulf %mul3A_20, %mul3A_136 : vector<2000x64xf32>
    %get3A_138 = arith.constant 8 : index
    %get3A_139 = arith.constant 0 : index
    %get3A_140 = arith.constant 0 : index
    %get3A_141 = vector.load %arg7[%get3A_138, %get3A_139, %get3A_140] : memref<10x64x64xf32, #tpu.memory_space<vmem>>, vector<1x64x64xf32>
    %get3A_142 = vector.shape_cast %get3A_141 : vector<1x64x64xf32> to vector<64x64xf32>
    %dot_general3A_143 = arith.constant dense<0.000000e+00> : vector<2000x64xf32>
    %dot_general3A_144 = tpu.matmul %mul3A_137, %get3A_142, %dot_general3A_143 {dimension_numbers = #tpu.dot_dimension_numbers<[1], [0], [0], [1], [0, 0, 1, 1], [], []>, transpose_lhs_hint = false} : vector<2000x64xf32>, vector<64x64xf32>, vector<2000x64xf32> -> vector<2000x64xf32>
    %add3A_145 = arith.addf %add3A_132, %dot_general3A_144 : vector<2000x64xf32>
    %get3A_146 = arith.constant 0 : index
    %get3A_147 = arith.constant 9 : index
    %get3A_148 = vector.load %arg4[%get3A_146, %get3A_147] : memref<2000x16xf32, #tpu.memory_space<vmem>>, vector<2000x1xf32>
    %mul3A_149 = vector.broadcast %get3A_148 : vector<2000x1xf32> to vector<2000x64xf32>
    %mul3A_150 = arith.mulf %mul3A_20, %mul3A_149 : vector<2000x64xf32>
    %get3A_151 = arith.constant 9 : index
    %get3A_152 = arith.constant 0 : index
    %get3A_153 = arith.constant 0 : index
    %get3A_154 = vector.load %arg7[%get3A_151, %get3A_152, %get3A_153] : memref<10x64x64xf32, #tpu.memory_space<vmem>>, vector<1x64x64xf32>
    %get3A_155 = vector.shape_cast %get3A_154 : vector<1x64x64xf32> to vector<64x64xf32>
    %dot_general3A_156 = arith.constant dense<0.000000e+00> : vector<2000x64xf32>
    %dot_general3A_157 = tpu.matmul %mul3A_150, %get3A_155, %dot_general3A_156 {dimension_numbers = #tpu.dot_dimension_numbers<[1], [0], [0], [1], [0, 0, 1, 1], [], []>, transpose_lhs_hint = false} : vector<2000x64xf32>, vector<64x64xf32>, vector<2000x64xf32> -> vector<2000x64xf32>
    %add3A_158 = arith.addf %add3A_145, %dot_general3A_157 : vector<2000x64xf32>
    %swap3A_159 = arith.constant 0 : index
    %swap3A_160 = arith.constant 0 : index
    %swap3A_161 = vector.load %arg9[%swap3A_159, %swap3A_160] : memref<2000x64xf32, #tpu.memory_space<vmem>>, vector<2000x64xf32>
    tpu.vector_store %arg9[%swap3A_159, %swap3A_160], %add3A_158 {strides = array<i32>} : memref<2000x64xf32, #tpu.memory_space<vmem>>, vector<2000x64xf32>,
    return
  }
  func.func @transform_0(%arg0: i32) -> (i32, i32) {
    %c0_i32 = arith.constant 0 : i32
    %c0_i32_0 = arith.constant 0 : i32
    return %arg0, %c0_i32 : i32, i32
  }
  func.func @transform_1(%arg0: i32) -> (i32, i32) {
    %c0_i32 = arith.constant 0 : i32
    %c0_i32_0 = arith.constant 0 : i32
    return %arg0, %c0_i32 : i32, i32
  }
  func.func @transform_2(%arg0: i32) -> (i32, i32) {
    %c0_i32 = arith.constant 0 : i32
    %c0_i32_0 = arith.constant 0 : i32
    return %arg0, %c0_i32 : i32, i32
  }
  func.func @transform_3(%arg0: i32) -> (i32, i32) {
    %c0_i32 = arith.constant 0 : i32
    %c0_i32_0 = arith.constant 0 : i32
    return %arg0, %c0_i32 : i32, i32
  }
  func.func @transform_4(%arg0: i32) -> (i32, i32) {
    %c0_i32 = arith.constant 0 : i32
    %c0_i32_0 = arith.constant 0 : i32
    %c0_i32_1 = arith.constant 0 : i32
    return %c0_i32, %c0_i32_0 : i32, i32
  }
  func.func @transform_5(%arg0: i32) -> (i32, i32) {
    %c0_i32 = arith.constant 0 : i32
    %c0_i32_0 = arith.constant 0 : i32
    %c0_i32_1 = arith.constant 0 : i32
    return %c0_i32, %c0_i32_0 : i32, i32
  }
  func.func @transform_6(%arg0: i32) -> (i32, i32, i32) {
    %c0_i32 = arith.constant 0 : i32
    %c0_i32_0 = arith.constant 0 : i32
    %c0_i32_1 = arith.constant 0 : i32
    %c0_i32_2 = arith.constant 0 : i32
    return %c0_i32, %c0_i32_0, %c0_i32_1 : i32, i32, i32
  }
  func.func @transform_7(%arg0: i32) -> (i32, i32) {
    %c0_i32 = arith.constant 0 : i32
    %c0_i32_0 = arith.constant 0 : i32
    return %arg0, %c0_i32 : i32, i32
  }
  func.func @transform_8(%arg0: i32) -> (i32, i32) {
    %c0_i32 = arith.constant 0 : i32
    %c0_i32_0 = arith.constant 0 : i32
    return %arg0, %c0_i32 : i32, i32
  }
}

module attributes {stable_mosaic.version = 14 : i64} {
  func.func @_node2_body(%arg0: i32, %arg1: memref<2000x64xf32, #tpu.memory_space<vmem>>, %arg2: memref<2000x64xf32, #tpu.memory_space<vmem>>, %arg3: memref<2000x64xf32, #tpu.memory_space<vmem>>, %arg4: memref<2000x16xf32, #tpu.memory_space<vmem>>, %arg5: memref<64x64xf32, #tpu.memory_space<vmem>>, %arg6: memref<64x1xf32, #tpu.memory_space<vmem>>, %arg7: memref<16x1xf32, #tpu.memory_space<vmem>>, %arg8: memref<2000x1xf32, #tpu.memory_space<vmem>>) attributes {dimension_semantics = [#tpu.dimension_semantics<parallel>], iteration_bounds = array<i64: 5>, scalar_prefetch = 0 : i64, scratch_operands = 0 : i64, tpu.core_type = #tpu.core_type<tc>, window_params = [{transform_indices = @transform_0, window_bounds = array<i64: 2000, 64>}, {transform_indices = @transform_1, window_bounds = array<i64: 2000, 64>}, {transform_indices = @transform_2, window_bounds = array<i64: 2000, 64>}, {transform_indices = @transform_3, window_bounds = array<i64: 2000, 16>}, {pipeline_mode = #tpu.pipeline_mode<synchronous>, transform_indices = @transform_4, window_bounds = array<i64: 64, 64>}, {pipeline_mode = #tpu.pipeline_mode<synchronous>, transform_indices = @transform_5, window_bounds = array<i64: 64, 1>}, {pipeline_mode = #tpu.pipeline_mode<synchronous>, transform_indices = @transform_6, window_bounds = array<i64: 16, 1>}, {transform_indices = @transform_7, window_bounds = array<i64: 2000, 1>}]} {
    %get3A = arith.constant 0 : index
    %get3A_0 = arith.constant 0 : index
    %get3A_1 = vector.load %arg1[%get3A, %get3A_0] : memref<2000x64xf32, #tpu.memory_space<vmem>>, vector<2000x64xf32>
    %get3A_2 = arith.constant 0 : index
    %get3A_3 = arith.constant 0 : index
    %get3A_4 = vector.load %arg2[%get3A_2, %get3A_3] : memref<2000x64xf32, #tpu.memory_space<vmem>>, vector<2000x64xf32>
    %add3A = arith.addf %get3A_1, %get3A_4 : vector<2000x64xf32>
    %mul3A = arith.constant 0.176776692 : f32
    %mul3A_5 = vector.broadcast %mul3A : f32 to vector<2000x64xf32>
    %mul3A_6 = arith.mulf %add3A, %mul3A_5 : vector<2000x64xf32>
    %get3A_7 = arith.constant 0 : index
    %get3A_8 = arith.constant 0 : index
    %get3A_9 = vector.load %arg5[%get3A_7, %get3A_8] : memref<64x64xf32, #tpu.memory_space<vmem>>, vector<64x64xf32>
    %dot_general3A = arith.constant dense<0.000000e+00> : vector<2000x64xf32>
    %dot_general3A_10 = tpu.matmul %mul3A_6, %get3A_9, %dot_general3A {dimension_numbers = #tpu.dot_dimension_numbers<[1], [0], [0], [1], [0, 0, 1, 1], [], []>, transpose_lhs_hint = false} : vector<2000x64xf32>, vector<64x64xf32>, vector<2000x64xf32> -> vector<2000x64xf32>
    %get3A_11 = arith.constant 0 : index
    %get3A_12 = arith.constant 0 : index
    %get3A_13 = vector.load %arg3[%get3A_11, %get3A_12] : memref<2000x64xf32, #tpu.memory_space<vmem>>, vector<2000x64xf32>
    %add3A_14 = arith.addf %dot_general3A_10, %get3A_13 : vector<2000x64xf32>
    %logistic3A = arith.negf %add3A_14 : vector<2000x64xf32>
    %logistic3A_15 = math.exp %logistic3A : vector<2000x64xf32>
    %logistic3A_16 = arith.constant 1.000000e+00 : f32
    %logistic3A_17 = vector.broadcast %logistic3A_16 : f32 to vector<2000x64xf32>
    %logistic3A_18 = arith.addf %logistic3A_17, %logistic3A_15 : vector<2000x64xf32>
    %logistic3A_19 = arith.divf %logistic3A_17, %logistic3A_18 : vector<2000x64xf32>
    %mul3A_20 = arith.mulf %add3A_14, %logistic3A_19 : vector<2000x64xf32>
    %get3A_21 = arith.constant 0 : index
    %get3A_22 = arith.constant 0 : index
    %get3A_23 = vector.load %arg6[%get3A_21, %get3A_22] : memref<64x1xf32, #tpu.memory_space<vmem>>, vector<64x1xf32>
    %dot_general3A_24 = arith.constant dense<0.000000e+00> : vector<2000x1xf32>
    %dot_general3A_25 = tpu.matmul %mul3A_20, %get3A_23, %dot_general3A_24 {dimension_numbers = #tpu.dot_dimension_numbers<[1], [0], [0], [1], [0, 0, 1, 1], [], []>, transpose_lhs_hint = false} : vector<2000x64xf32>, vector<64x1xf32>, vector<2000x1xf32> -> vector<2000x1xf32>
    %get3A_26 = arith.constant 0 : index
    %get3A_27 = arith.constant 0 : index
    %get3A_28 = vector.load %arg4[%get3A_26, %get3A_27] : memref<2000x16xf32, #tpu.memory_space<vmem>>, vector<2000x16xf32>
    %get3A_29 = arith.constant 0 : index
    %get3A_30 = arith.constant 0 : index
    %get3A_31 = vector.load %arg7[%get3A_29, %get3A_30] : memref<16x1xf32, #tpu.memory_space<vmem>>, vector<16x1xf32>
    %dot_general3A_32 = arith.constant dense<0.000000e+00> : vector<2000x1xf32>
    %dot_general3A_33 = tpu.matmul %get3A_28, %get3A_31, %dot_general3A_32 {dimension_numbers = #tpu.dot_dimension_numbers<[1], [0], [0], [1], [0, 0, 1, 1], [], []>, transpose_lhs_hint = false} : vector<2000x16xf32>, vector<16x1xf32>, vector<2000x1xf32> -> vector<2000x1xf32>
    %add3A_34 = arith.addf %dot_general3A_25, %dot_general3A_33 : vector<2000x1xf32>
    %swap3A = arith.constant 0 : index
    %swap3A_35 = arith.constant 0 : index
    %swap3A_36 = vector.load %arg8[%swap3A, %swap3A_35] : memref<2000x1xf32, #tpu.memory_space<vmem>>, vector<2000x1xf32>
    tpu.vector_store %arg8[%swap3A, %swap3A_35], %add3A_34 {strides = array<i32>} : memref<2000x1xf32, #tpu.memory_space<vmem>>, vector<2000x1xf32>,
    return
  }
  func.func @transform_0(%arg0: i32) -> (i32, i32) {
    %c0_i32 = arith.constant 0 : i32
    %c0_i32_0 = arith.constant 0 : i32
    return %arg0, %c0_i32 : i32, i32
  }
  func.func @transform_1(%arg0: i32) -> (i32, i32) {
    %c0_i32 = arith.constant 0 : i32
    %c0_i32_0 = arith.constant 0 : i32
    return %arg0, %c0_i32 : i32, i32
  }
  func.func @transform_2(%arg0: i32) -> (i32, i32) {
    %c0_i32 = arith.constant 0 : i32
    %c0_i32_0 = arith.constant 0 : i32
    return %arg0, %c0_i32 : i32, i32
  }
  func.func @transform_3(%arg0: i32) -> (i32, i32) {
    %c0_i32 = arith.constant 0 : i32
    %c0_i32_0 = arith.constant 0 : i32
    return %arg0, %c0_i32 : i32, i32
  }
  func.func @transform_4(%arg0: i32) -> (i32, i32) {
    %c0_i32 = arith.constant 0 : i32
    %c0_i32_0 = arith.constant 0 : i32
    %c0_i32_1 = arith.constant 0 : i32
    return %c0_i32, %c0_i32_0 : i32, i32
  }
  func.func @transform_5(%arg0: i32) -> (i32, i32) {
    %c0_i32 = arith.constant 0 : i32
    %c0_i32_0 = arith.constant 0 : i32
    %c0_i32_1 = arith.constant 0 : i32
    return %c0_i32, %c0_i32_0 : i32, i32
  }
  func.func @transform_6(%arg0: i32) -> (i32, i32) {
    %c0_i32 = arith.constant 0 : i32
    %c0_i32_0 = arith.constant 0 : i32
    %c0_i32_1 = arith.constant 0 : i32
    return %c0_i32, %c0_i32_0 : i32, i32
  }
  func.func @transform_7(%arg0: i32) -> (i32, i32) {
    %c0_i32 = arith.constant 0 : i32
    %c0_i32_0 = arith.constant 0 : i32
    return %arg0, %c0_i32 : i32, i32
  }
}

</mosaic_0001>

<sc_bundles>
// kernel: kernel.11.cloned.1.call-start
scs
__scs_entry_jumppad:
0x0: {  	(pc) =	sbr.rel $0x88, $3  }
0x1: {  	(tag) =	ssettag $0x0;
	lr =	simm.s32 $0x1  }
0x2: {  	[smem:$0x3F8F] =	sst lr;
	_ =	strace $0xD0000000  }
0x3: {  	_ = 	snop  }
0x4: {  	_ = 	snop  }
0x5: {  	_ = 	snop  }
0x6: {  	_ = 	snop  }
0x7: {  	_ = 	snop  }
__scs_overlays_trampoline_lowered:
0x8: {  	[smem:$0x3F9E] =	sst s0  }
0x9: {  	[smem:$0x3F9F] =	sst s1  }
0xa: {  	[smem:$0x3FA0] =	sst s2  }
0xb: {  	[smem:$0x3FA1] =	sst s3  }
0xc: {  	[smem:$0x3FA2] =	sst s4  }
0xd: {  	[smem:$0x3FA3] =	sst s5  }
0xe: {  	[smem:$0x3FA4] =	sst s6  }
0xf: {  	[smem:$0x3FA5] =	sst s7  }
0x10: {  	[smem:$0x3FA6] =	sst s8  }
0x11: {  	[smem:$0x3FA7] =	sst s9;
	s0 =	simm.s32 @!p0 $0x0  }
0x12: {  	s1 =	sld [smem:$0x3F8D];
	s0 =	simm.s32 @p0 $0x1  }
0x13: {  	[smem:$0x3FA8] =	sst s0;
	s0 =	simm.s32 @!p1 $0x0  }
0x14: {  	s2 =	sld [smem:$0x3F8C];
	s0 =	simm.s32 @p1 $0x1  }
0x15: {  	[smem:$0x3FA9] =	sst s0;
	s0 =	simm.s32 @!p2 $0x0  }
0x16: {  	s3 =	sld [smem:$0x3FDB];
	s0 =	simm.s32 @p2 $0x1  }
0x17: {  	s4 =	simm.s32 $0x1BF5;
	[smem:$0x3FAB] =	sst s0  }
0x18: {  	s0 =	sld [smem:$0x3F8E];
	_ =	swait.ge [sflag:s4], $0x0  }
0x19: {  	s7 =	sld [smem:$0x3F8F]  }
0x1a: {  	s8 =	sadd.s32 $0xFFFFE003, lr  }
0x1b: {  	s9 =	sadd.s32 $0xFFFFFEF7, lr;
	s5 =	simm.s32 $0xFFFFFFFF;
	p2 =	slt.u32 s8, $0xFFFFF086  }
0x1c: {  	p1 =	slt.u32 s9, $0xF7A;
	s5 =	simm.s32 @!p2 $0x0  }
0x1d: {  	s5 =	simm.s32 @p1 $0x1;
	p0 =	seq.s32 s7, s2  }
0x1e: {  	s7 =	smul.u32 @!p0 $0xF7A, s2;
	p2 =	seq.s32 @!p0 s5, $0x0  }
0x1f: {  	s9 =	smul.u32 $0xF7A, s1;
	s8 =	simm.s32 @!p0 $0x1BF5;
	p2 =	por !p2, p0  }
0x20: {  	[sflag:s8] =	ssyncset.s32 @!p0 $0xFFFFF086;
	s6 =	sadd.s32 @!p0 s3, s7;
	s7 =	simm.s32 @!p0 $0x108  }
0x21: {  	s3 =	sadd.s32 s3, s9;
	s6 =	sadd.s32 @!p0 $0x88, s6;
	s7 =	simm.s32 @p2 $0x1082  }
0x22: {  	[simem:s7], [sflag:s8] =	dma.local @!p0 [hbm:s6], $0xF7A  }
0x23: {  	s9 =	sor.u32 $0xD0000000, s2;
	s6 =	simm.s32 $0x108;
	_ =	swait.ge @!p0 [sflag:s8], $0x0  }
0x24: {  	s3 =	sadd.s32 $0x88, s3;
	s6 =	simm.s32 @!p1 $0x1082;
	[sflag:s4] =	ssyncset.s32 $0xFFFFF086  }
0x25: {  	[simem:s6], [sflag:s4] =	dma.local [hbm:s3], $0xF7A  }
0x26: {  	[smem:$0x3F8F] =	sst s1;
	(tag) =	ssettag s2;
	_ =	strace s9  }
0x27: {  	s1 =	sld [smem:$0x3F9F]  }
0x28: {  	s2 =	sld [smem:$0x3FA0]  }
0x29: {  	s4 =	sld [smem:$0x3FA2]  }
0x2a: {  	p0 =	seq.s32 s5, $0x0;
	s5 =	sld [smem:$0x3FA3]  }
0x2b: {  	s6 =	sld [smem:$0x3FA4]  }
0x2c: {  	s7 =	sld [smem:$0x3FA5]  }
0x2d: {  	s3 =	simm.s32 $0x108;
	s8 =	sld [smem:$0x3FA6]  }
0x2e: {  	s3 =	simm.s32 @!p0 $0x1082;
	s9 =	sld [smem:$0x3FA7]  }
0x2f: {  	lr =	sadd.s32 s0, s3;
	s0 =	sld [smem:$0x3F9E]  }
0x30: {  	s3 =	sld [smem:$0x3FA1]  }
0x31: {  	[smem:$0x3FAA] =	sst s10  }
0x32: {  	s10 =	sld [smem:$0x3FA8];
	_ =	sdelay $0x3  }
0x33: {  	p0 =	seq.s32 s10, $0x1;
	s10 =	sld [smem:$0x3FAA];
	_ =	sdelay $0x3  }
0x34: {  	[smem:$0x3FAA] =	sst s10  }
0x35: {  	s10 =	sld [smem:$0x3FA9];
	_ =	sdelay $0x3  }
0x36: {  	p1 =	seq.s32 s10, $0x1;
	s10 =	sld [smem:$0x3FAA];
	_ =	sdelay $0x3  }
0x37: {  	[smem:$0x3FAA] =	sst s10  }
0x38: {  	s10 =	sld [smem:$0x3FAB]  }
0x39: {  	_ = 	snop;
	(pc) =	sbr.ind lr, $3  }
0x3a: {  	_ = 	snop  }
0x3b: {  	_ = 	snop  }
0x3c: {  	p2 =	seq.s32 s10, $0x1;
	s10 =	sld [smem:$0x3FAA]  }
0x3d: {  	_ =	shalt  }
0x3e: {  	_ =	shalt  }
0x3f: {  	_ =	shalt  }
0x40: {  	_ =	shalt  }
0x41: {  	_ =	shalt  }
0x42: {  	_ =	shalt  }
0x43: {  	_ =	shalt  }
0x44: {  	_ =	shalt  }
0x45: {  	_ =	shalt  }
0x46: {  	_ =	shalt  }
0x47: {  	_ =	shalt  }
0x48: {  	_ =	shalt  }
0x49: {  	_ =	shalt  }
0x4a: {  	_ =	shalt  }
0x4b: {  	_ =	shalt  }
0x4c: {  	_ =	shalt  }
0x4d: {  	_ =	shalt  }
0x4e: {  	_ =	shalt  }
0x4f: {  	_ =	shalt  }
0x50: {  	_ =	shalt  }
0x51: {  	_ =	shalt  }
0x52: {  	_ =	shalt  }
0x53: {  	_ =	shalt  }
0x54: {  	_ =	shalt  }
0x55: {  	_ =	shalt  }
0x56: {  	_ =	shalt  }
0x57: {  	_ =	shalt  }
0x58: {  	_ =	shalt  }
0x59: {  	_ =	shalt  }
0x5a: {  	_ =	shalt  }
0x5b: {  	_ =	shalt  }
0x5c: {  	_ =	shalt  }
0x5d: {  	_ =	shalt  }
0x5e: {  	_ =	shalt  }
0x5f: {  	_ =	shalt  }
0x60: {  	_ =	shalt  }
0x61: {  	_ =	shalt  }
0x62: {  	_ =	shalt  }
0x63: {  	_ =	shalt  }
0x64: {  	_ =	shalt  }
0x65: {  	_ =	shalt  }
0x66: {  	_ =	shalt  }
0x67: {  	_ =	shalt  }
0x68: {  	_ =	shalt  }
0x69: {  	_ =	shalt  }
0x6a: {  	_ =	shalt  }
0x6b: {  	_ =	shalt  }
0x6c: {  	_ =	shalt  }
0x6d: {  	_ =	shalt  }
0x6e: {  	_ =	shalt  }
0x6f: {  	_ =	shalt  }
0x70: {  	_ =	shalt  }
0x71: {  	_ =	shalt  }
0x72: {  	_ =	shalt  }
0x73: {  	_ =	shalt  }
0x74: {  	_ =	shalt  }
0x75: {  	_ =	shalt  }
0x76: {  	_ =	shalt  }
0x77: {  	_ =	shalt  }
0x78: {  	_ =	shalt  }
0x79: {  	_ =	shalt  }
0x7a: {  	_ =	shalt  }
0x7b: {  	_ =	shalt  }
0x7c: {  	_ =	shalt  }
0x7d: {  	_ =	shalt  }
0x7e: {  	_ =	shalt  }
0x7f: {  	_ =	shalt  }
0x80: {  	_ =	shalt  }
0x81: {  	_ =	shalt  }
0x82: {  	_ =	shalt  }
0x83: {  	_ =	shalt  }
0x84: {  	_ =	shalt  }
0x85: {  	_ =	shalt  }
0x86: {  	_ =	shalt  }
0x87: {  	_ =	shalt  }
.Lfunc_end0:
.L_simem_size_0:
called_computation.1_lowered:
.L_overlay_start_0:
0x88: {  	s2 =	sld [smem:$0x3FD9]  }
0x89: {  	s3 =	sld [smem:$0x3FFE];
	_ =	sdelay $0x1  }
0x8a: {  	s1 =	srdreg.scid  }
0x8b: {  	s0 =	sand.u32 $0x1, s1  }
0x8c: {  	s17 =	sshll.u32 s0, $0xA;
	s2 =	sadd.s32 s3, s2  }
0x8d: {  	s2 =	sadd.s32 s2, s17  }
0x8e: {  	[smem:$0x3FB6] =	sst s2  }
0x8f: {  	_ = 	snop  }
0x90: {  	s2 =	sld [smem:$0x3FC7]  }
0x91: {  	s18 =	sld [smem:$0x3FC6];
	(tm) =	ssettm $0x1  }
0x92: {  	s4 =	sld [smem:$0x3FFB];
	_ =	sdelay $0x3  }
0x93: {  	_ =	strace s4  }
0x94: {  	s4 =	sld [smem:$0x3FFC];
	_ =	sdelay $0x3  }
0x95: {  	_ =	strace s4  }
0x96: {  	s4 =	sld [smem:$0x3FFD];
	_ =	sdelay $0x3  }
0x97: {  	_ =	strace s4  }
0x98: {  	_ =	strace $0x8FFFFFFF  }
0x99: {  	s19 =	sld [smem:$0x3FDB];
	_ =	sdelay $0x1  }
0x9a: {  	s5 =	simm.s32 $_scs_section_size  }
0x9b: {  	s6 =	simm.s32 $_size__tile_overlayer_lowered;
	s7 =	simm.s32 $_tile_overlayer_lowered  }
0x9c: {  	s22 =	simm.s32 $0x1BFF;
	s21 =	sshll.u32 s7, $0x1;
	s4 =	sadd.s32 s5, s19  }
0x9d: {  	s8 =	simm.s32 $0x0;
	s20 =	sshll.u32 s6, $0x1;
	s6 =	sadd.s32 s21, s4  }
0x9e: {  	[timem:s8], [sflag:s22] =	dma.local [hbm:s6], s20  }
0x9f: {  	_ =	swait.ge [sflag:s22], s20  }
0xa0: {  	s5 =	ssub.s32 $0x0, s20;
	[sflag:s22] =	ssyncset.done $0x0  }
0xa1: {  	[sflag:s22] =	ssyncadd.s32 s5;
	_ =	sdelay $0x1  }
0xa2: {  	s23 =	simm.s32 $0x1B8B  }
0xa3: {  	_ =	swait.ge [sflag:s23], $0x1  }
0xa4: {  	[sflag:s23] =	ssyncset.done $0x0  }
0xa5: {  	s25 =	simm.s32 $0x1B8E;
	s24 =	sld [smem:$0x3FFE];
	[sflag:s23] =	ssyncadd.s32 $0xFFFFFFFF  }
0xa6: {  	s26 =	simm.s32 $execute0_lowered;
	[smem:$0x3FD2] =	sst s25  }
0xa7: {  	s6 =	sshll.u32 s26, $0x1;
	_ =	strace $0x80000049;
	[dreg:$0x1] =	wrdreg $0xFFFFFFFF  }
0xa8: {  	s28 =	simm.s32 $_size_execute0_lowered;
	s4 =	sadd.s32 s4, s6;
	[dreg:$0x0] =	wrdreg $0x0  }
0xa9: {  	s6 =	sshll.u32 s28, $0x1;
	[dreg:$0x2] =	wrdreg s4  }
0xaa: {  	[dreg:$0x3] =	wrdreg s6  }
0xab: {  	[dreg:$0x4] =	wrdreg $0xC0  }
0xac: {  	_ =	task [dreg:s8], $0x5FFFF  }
0xad: {  	[dreg:$0x1] =	wrdreg $0xFFFFFFFF  }
0xae: {  	[dreg:$0x0] =	wrdreg $0x60  }
0xaf: {  	[dreg:$0x2] =	wrdreg s24  }
0xb0: {  	[dreg:$0x3] =	wrdreg s2  }
0xb1: {  	[dreg:$0x4] =	wrdreg s18  }
0xb2: {  	[dreg:$0x5] =	wrdreg $0x116200  }
0xb3: {  	[dreg:$0x6] =	wrdreg $0x9  }
0xb4: {  	_ =	task.clear_ibuf [dreg:s8], $0x7FFFF;
	_ =	strace $0x90000049  }
0xb5: {  	s29 =	simm.s32 $0x9;
	_ =	strace $0x8000004B  }
0xb6: {  	_ =	swait.ge [sflag:s29], $0x1  }
0xb7: {  	[sflag:s29] =	ssyncadd.s32 $0xFFFFFFFF  }
0xb8: {  	_ =	strace $0x9000004B  }
0xb9: {  	_ =	sfence  }
0xba: {  	s30 =	sld [smem:$0x0];
	_ =	sdelay $0x2  }
0xbb: {  	s31 =	sshll.u32 s1, $0xD;
	s1 =	sshrl.u32 s1, $0x2  }
0xbc: {  	s3 =	sand.u32 $0x4000, s31;
	s1 =	sadd.s32 s1, s30  }
0xbd: {  	s0 =	sor.u32 s3, s0;
	s1 =	sshll.u32 s1, $0x11  }
0xbe: {  	s0 =	sor.u32 s1, s0  }
0xbf: {  	s0 =	sadd.s32 $0x8F2B, s0  }
0xc0: {  	[sflag:s0] =	ssyncadd.remote.s32 $0x1  }
0xc1: {  	_ =	sfence.sel $0xFFFF  }
0xc2: {  	[dreg:$0x0] =	wrdreg $0xFFFFFFFF;
	(pc) =	sbr.abs _section_cstart, $3  }
0xc3: {  	[dreg:$0x1] =	wrdreg $0xFFFFFFFF  }
0xc4: {  	_ =	task.clear_ibuf [dreg:s8], $0x2FFFF;
	_ =	strace $0x9FFFFFFF  }
0xc5: {  	(tm) =	ssettm $0x7FFFFFFF  }
tec
execute0_lowered:
.L_overlay_start_1:
0x0: {  	(tag) =	ssettag $0x1  }
0x1: {  	s0 =	rddreg [dreg:$0x0]  }
0x2: {  	s1 =	rddreg [dreg:$0x1]  }
0x3: {  	s3 =	rddreg [dreg:$0x2]  }
0x4: {  	s2 =	rddreg [dreg:$0x3];
	s4 =	srdreg.scid  }
0x5: {  	s8 =	stileid.u32;
	s7 =	simm.s32 $0x0;
	s18 =	simm.s32 $0x50  }
0x6: {  	s19 =	simm.s32 $0x4E20;
	s28 =	simm.s32 $0x3;
	s29 =	simm.s32 $0x4  }
0x7: {  	s30 =	simm.s32 $0x5;
	s31 =	simm.s32 $0x7;
	s14 =	simm.s32 $0x9  }
0x8: {  	s5 =	sand.u32 $0x1, s4;
	s6 =	smul.u32 $0x13C0, s8;
	[smem:$0x7FF] =	sst s7  }
0x9: {  	s10 =	sadd.s32 $0x56A02, s0;
	s4 =	sshll.u32 s5, $0x4;
	s20 =	smul.u32 $0x13C00, s5  }
0xa: {  	_ =	strace $0x8000004A;
	s21 =	ssub.s32 $0x2, s5;
	s5 =	sadd.s32 $0x538A00, s0  }
0xb: {  	s4 =	sor.u32 s8, s4;
	s8 =	smul.u32 $0x27800, s8;
	s9 =	sshrl.u32 s21, $0x1  }
0xc: {  	s4 =	smul.u32 $0x2710, s4;
	s6 =	sadd.s32 s6, s20;
	s7 =	ssub.s32 s21, s9  }
0xd: {  	s9 =	simm.s32 $0xC;
	s20 =	simm.s32 $0x6220;
	s21 =	simm.s32 $0x7620  }
0xe: {  	s6 =	sadd.s32 s6, s0;
	s8 =	sshrl.u32 s8, $0x2;
	s26 =	smax.u32 s7, $0x1  }
0xf: {  	s0 =	simm.s32 $0x8;
	s25 =	sadd.s32 $0x54C400, s6;
	[dreg:$0xa] =	wrdreg s26  }
0x10: {  	s22 =	sshrl.u32 s4, $0x3;
	s8 =	sadd.s32 s8, s2;
	[dreg:$0x9] =	wrdreg s25  }
0x11: {  	s7 =	simm.s32 $0x0;
	s1 =	sadd.s32 s1, s22;
	[dreg:$0x7] =	wrdreg s8  }
0x12: {  	s26 =	simm.s32 $0x2;
	s23 =	sadd.s32 s3, s22;
	[dreg:$0x5] =	wrdreg s1  }
0x13: {  	s24 =	sadd.s32 $0x6400, s8;
	s22 =	simm.s32 $0x8A20;
	[dreg:$0x6] =	wrdreg s23  }
0x14: {  	s25 =	simm.s32 $0x1;
	s3 =	simm.s32 $0xB;
	[dreg:$0x8] =	wrdreg s24  }
0x15: {  	v0 =	vimm.f32 $0.0e+00;
	s23 =	simm.s32 $0x9E20;
	s24 =	simm.s32 $0x6;
	s1 =	simm.s32 $0xA  }
.LBB2_1:
0x16: {  	[dreg:$0xb] =	wrdreg s7  }
0x17: {  	s6 =	simm.s32 $0x0;
	s16 =	rddreg [dreg:$0x5]  }
0x18: {  	[tilespmem:s6], [sflag:$0xC] =	stream.linear.gather [hbm4b:s16+s6], $0x2710, $0x38;
	[tilespmem:$0x1B420] =	vst v63  }
0x19: {  	_ =	swait.ge [sflag:s9], $0x2710  }
0x1a: {  	[sflag:s9] =	ssyncset.done $0x0  }
0x1b: {  	s11 =	simm.s32 $0x2710;
	s17 =	rddreg [dreg:$0x6];
	[sflag:s9] =	ssyncadd.s32 $0xFFFFD8F0  }
0x1c: {  	[tilespmem:s11], [sflag:$0xC] =	stream.linear.gather [hbm4b:s17+s6], $0x2710, $0x38;
	[tilespmem:$0x1B420] =	vst v63  }
0x1d: {  	_ =	swait.ge [sflag:s9], $0x2710  }
0x1e: {  	[sflag:s9] =	ssyncset.done $0x0  }
0x1f: {  	s6 =	simm.s32 $0xB320;
	[sflag:s9] =	ssyncadd.s32 $0xFFFFD8F0  }
0x20: {  	[tilespmem:s6+$0xFFFFFF00] =	vst v0  }
0x21: {  	[tilespmem:s6+$0xF0] =	vst v0  }
0x22: {  	[tilespmem:s6+$0xE0] =	vst v0  }
0x23: {  	[tilespmem:s6+$0xD0] =	vst v0  }
0x24: {  	[tilespmem:s6+$0xC0] =	vst v0  }
0x25: {  	[tilespmem:s6+$0xB0] =	vst v0  }
0x26: {  	[tilespmem:s6+$0xA0] =	vst v0  }
0x27: {  	[tilespmem:s6+$0x90] =	vst v0  }
0x28: {  	[tilespmem:s6+$0x80] =	vst v0  }
0x29: {  	[tilespmem:s6+$0x70] =	vst v0  }
0x2a: {  	[tilespmem:s6+$0x60] =	vst v0  }
0x2b: {  	[tilespmem:s6+$0x50] =	vst v0  }
0x2c: {  	[tilespmem:s6+$0x40] =	vst v0  }
0x2d: {  	[tilespmem:s6+$0x30] =	vst v0  }
0x2e: {  	[tilespmem:s6+$0x20] =	vst v0  }
0x2f: {  	[tilespmem:s6+$0x10] =	vst v0  }
0x30: {  	[tilespmem:s6+$0x0] =	vst v0  }
0x31: {  	[tilespmem:s6+$0xFFFFFFF0] =	vst v0  }
0x32: {  	[tilespmem:s6+$0xFFFFFFE0] =	vst v0  }
0x33: {  	[tilespmem:s6+$0xFFFFFFD0] =	vst v0  }
0x34: {  	[tilespmem:s6+$0xFFFFFFC0] =	vst v0  }
0x35: {  	[tilespmem:s6+$0xFFFFFFB0] =	vst v0  }
0x36: {  	[tilespmem:s6+$0xFFFFFFA0] =	vst v0  }
0x37: {  	[tilespmem:s6+$0xFFFFFF90] =	vst v0  }
0x38: {  	[tilespmem:s6+$0xFFFFFF80] =	vst v0  }
0x39: {  	[tilespmem:s6+$0xFFFFFF70] =	vst v0  }
0x3a: {  	[tilespmem:s6+$0xFFFFFF60] =	vst v0  }
0x3b: {  	[tilespmem:s6+$0xFFFFFF50] =	vst v0  }
0x3c: {  	[tilespmem:s6+$0xFFFFFF40] =	vst v0  }
0x3d: {  	[tilespmem:s6+$0xFFFFFF30] =	vst v0  }
0x3e: {  	s7 =	simm.s32 $0x0;
	[tilespmem:s6+$0xFFFFFF20] =	vst v0  }
.LBB2_2:
0x3f: {  	s7 =	sadd.s32 $0x8, s7;
	[tilespmem:s6+$0xFFFFFF10] =	vst v0;
	s6 =	sadd.s32 $0x200, s6  }
0x40: {  	[tilespmem:s6+$0xFFFFFF00] =	vst v0;
	p0 =	slt.u32 s7, $0x188  }
0x41: {  	[tilespmem:s6+$0xF0] =	vst v0  }
0x42: {  	[tilespmem:s6+$0xE0] =	vst v0  }
0x43: {  	[tilespmem:s6+$0xD0] =	vst v0  }
0x44: {  	[tilespmem:s6+$0xC0] =	vst v0  }
0x45: {  	[tilespmem:s6+$0xB0] =	vst v0  }
0x46: {  	[tilespmem:s6+$0xA0] =	vst v0  }
0x47: {  	[tilespmem:s6+$0x90] =	vst v0  }
0x48: {  	[tilespmem:s6+$0x80] =	vst v0  }
0x49: {  	[tilespmem:s6+$0x70] =	vst v0  }
0x4a: {  	[tilespmem:s6+$0x60] =	vst v0  }
0x4b: {  	[tilespmem:s6+$0x50] =	vst v0  }
0x4c: {  	[tilespmem:s6+$0x40] =	vst v0  }
0x4d: {  	[tilespmem:s6+$0x30] =	vst v0  }
0x4e: {  	[tilespmem:s6+$0x20] =	vst v0  }
0x4f: {  	[tilespmem:s6+$0x10] =	vst v0  }
0x50: {  	[tilespmem:s6+$0x0] =	vst v0  }
0x51: {  	[tilespmem:s6+$0xFFFFFFF0] =	vst v0  }
0x52: {  	[tilespmem:s6+$0xFFFFFFE0] =	vst v0  }
0x53: {  	[tilespmem:s6+$0xFFFFFFD0] =	vst v0  }
0x54: {  	[tilespmem:s6+$0xFFFFFFC0] =	vst v0  }
0x55: {  	[tilespmem:s6+$0xFFFFFFB0] =	vst v0  }
0x56: {  	[tilespmem:s6+$0xFFFFFFA0] =	vst v0  }
0x57: {  	[tilespmem:s6+$0xFFFFFF90] =	vst v0  }
0x58: {  	[tilespmem:s6+$0xFFFFFF80] =	vst v0  }
0x59: {  	[tilespmem:s6+$0xFFFFFF70] =	vst v0  }
.Ltmp0:
0x5a: {  	[tilespmem:s6+$0xFFFFFF60] =	vst v0;
	(pc) =	sbr.rel @p0 .LBB2_2-.Ltmp0, $4  }
0x5b: {  	[tilespmem:s6+$0xFFFFFF50] =	vst v0  }
0x5c: {  	[tilespmem:s6+$0xFFFFFF40] =	vst v0  }
0x5d: {  	[tilespmem:s6+$0xFFFFFF30] =	vst v0  }
0x5e: {  	[tilespmem:s6+$0xFFFFFF20] =	vst v0  }
0x5f: {  	[tilespmem:s6+$0xFFFFFF10] =	vst v0;
	s7 =	simm.s32 $0xB220  }
0x60: {  	[spmem:s8] =	stream.linear.scatter [tilespmem:s7], [sflag:$0xC], $0x6400, $0x38;
	[tilespmem:$0x1B420] =	vst v63  }
0x61: {  	_ =	swait.ge [sflag:s9], $0x6400  }
0x62: {  	[sflag:s9] =	ssyncset.done $0x0  }
0x63: {  	s17 =	rddreg [dreg:$0x8];
	[sflag:s9] =	ssyncadd.s32 $0xFFFF9C00  }
0x64: {  	[spmem:s17] =	stream.linear.scatter [tilespmem:s7], [sflag:$0xC], $0x3A00, $0x38;
	[tilespmem:$0x1B420] =	vst v63  }
0x65: {  	_ =	swait.ge [sflag:s9], $0x3A00  }
0x66: {  	[sflag:s9] =	ssyncset.done $0x0  }
0x67: {  	[sflag:s9] =	ssyncadd.s32 $0xFFFFC600  }
0x68: {  	s7 =	simm.s32 $0x0;
	[bflag:$0x0] =	sbarrier.arrive $0xFFFF  }
.LBB2_4:
0x69: {  	s6 =	smul.u32 $0x190, s7;
	_ =	sdelay $0x1  }
0x6a: {  	s8 =	sadd.s32 s4, s6  }
0x6b: {  	s9 =	simm.s32 $0xB220;
	s8 =	sshll.u32 s8, $0x4  }
0x6c: {  	s11 =	simm.s32 $0x40;
	s12 =	simm.s32 $0x80;
	s8 =	sadd.s32 s8, s10  }
0x6d: {  	[tilespmem:s9], [sflag:$0x6] =	stream.strided.gather [hbm4b:s8+s11], $0x6400, s12, s11, $0x38;
	[tilespmem:$0x1B420] =	vst v63  }
0x6e: {  	_ = 	snop  }
0x6f: {  	[tilespmem:s19], [sflag:$0x1] =	stream.indirect.gather [hbm4b:s5+s18], $0x40, s6, s18, $0xb8;
	[tilespmem:$0x1B420] =	vst v63  }
0x70: {  	s8 =	sadd.s32 $0x50, s6  }
0x71: {  	[tilespmem:s20], [sflag:$0x2] =	stream.indirect.gather [hbm4b:s5+s18], $0x40, s8, s18, $0xb8;
	[tilespmem:$0x1B420] =	vst v63  }
0x72: {  	s12 =	sadd.s32 $0xA0, s6  }
0x73: {  	[tilespmem:s21], [sflag:$0x3] =	stream.indirect.gather [hbm4b:s5+s18], $0x40, s12, s18, $0xb8;
	[tilespmem:$0x1B420] =	vst v63  }
0x74: {  	s11 =	sadd.s32 $0xF0, s6  }
0x75: {  	[tilespmem:s22], [sflag:$0x4] =	stream.indirect.gather [hbm4b:s5+s18], $0x40, s11, s18, $0xb8;
	[tilespmem:$0x1B420] =	vst v63  }
0x76: {  	s9 =	sadd.s32 $0x140, s6  }
0x77: {  	[tilespmem:s23], [sflag:$0x5] =	stream.indirect.gather [hbm4b:s5+s18], $0x40, s9, s18, $0xb8;
	[tilespmem:$0x1B420] =	vst v63  }
0x78: {  	_ =	swait.ge [sflag:s24], $0x6400  }
0x79: {  	[sflag:s24] =	ssyncset.done $0x0  }
0x7a: {  	[sflag:s24] =	ssyncadd.s32 $0xFFFF9C00  }
0x7b: {  	_ =	swait.ge [sflag:s25], $0x1400  }
0x7c: {  	[sflag:s25] =	ssyncset.done $0x0  }
0x7d: {  	s13 =	simm.s32 $0x4EA0;
	[sflag:s25] =	ssyncadd.s32 $0xFFFFEC00  }
0x7e: {  	s16 =	simm.s32 $0xB2A0;
	v1 =	vld [tilespmem:s13+$0x40]  }
0x7f: {  	v2 =	vld [tilespmem:s16+$0x40]  }
0x80: {  	v3 =	vld [tilespmem:s13+$0xFFFFFFC0]  }
0x81: {  	v4 =	vld [tilespmem:s16+$0xFFFFFFC0]  }
0x82: {  	v5 =	vld [tilespmem:s13+$0x0]  }
0x83: {  	v6 =	vld [tilespmem:s16+$0x0]  }
0x84: {  	v7 =	vld [tilespmem:s13+$0xFFFFFF80];
	v1 =	vmul.f32 v2, v1  }
0x85: {  	v2 =	vld [tilespmem:s16+$0xFFFFFF80]  }
0x86: {  	[tilespmem:s13+$0x40] =	vst v1;
	v1 =	vld [tilespmem:s13+$0x50]  }
0x87: {  	v3 =	vmul.f32 v4, v3;
	v4 =	vld [tilespmem:s16+$0x50]  }
0x88: {  	v8 =	vld [tilespmem:s13+$0xFFFFFF90]  }
0x89: {  	[tilespmem:s13+$0xFFFFFFC0] =	vst v3;
	v3 =	vmul.f32 v6, v5;
	v5 =	vld [tilespmem:s13+$0xFFFFFFD0]  }
0x8a: {  	v6 =	vld [tilespmem:s16+$0xFFFFFFD0];
	v2 =	vmul.f32 v2, v7  }
0x8b: {  	[tilespmem:s13+$0x0] =	vst v3;
	v3 =	vld [tilespmem:s13+$0x10]  }
0x8c: {  	v7 =	vld [tilespmem:s16+$0x10];
	[tilespmem:s13+$0xFFFFFF80] =	vst v2;
	v1 =	vmul.f32 v4, v1  }
0x8d: {  	v2 =	vld [tilespmem:s16+$0xFFFFFF90]  }
0x8e: {  	[tilespmem:s13+$0x50] =	vst v1;
	v1 =	vld [tilespmem:s13+$0x60]  }
0x8f: {  	v4 =	vmul.f32 v6, v5;
	v5 =	vld [tilespmem:s16+$0x60]  }
0x90: {  	v6 =	vld [tilespmem:s13+$0xFFFFFFA0]  }
0x91: {  	[tilespmem:s13+$0xFFFFFFD0] =	vst v4;
	v3 =	vmul.f32 v7, v3;
	v4 =	vld [tilespmem:s13+$0xFFFFFFE0]  }
0x92: {  	v7 =	vld [tilespmem:s16+$0xFFFFFFE0];
	v2 =	vmul.f32 v2, v8  }
0x93: {  	[tilespmem:s13+$0x10] =	vst v3;
	v3 =	vld [tilespmem:s13+$0x20]  }
0x94: {  	v8 =	vld [tilespmem:s16+$0x20];
	[tilespmem:s13+$0xFFFFFF90] =	vst v2;
	v1 =	vmul.f32 v5, v1  }
0x95: {  	v5 =	vld [tilespmem:s16+$0xFFFFFFA0]  }
0x96: {  	v9 =	vld [tilespmem:s13+$0x70];
	[tilespmem:s13+$0x60] =	vst v1  }
0x97: {  	v2 =	vmul.f32 v7, v4;
	v7 =	vld [tilespmem:s16+$0x70]  }
0x98: {  	v1 =	vld [tilespmem:s13+$0xFFFFFFB0]  }
0x99: {  	[tilespmem:s13+$0xFFFFFFE0] =	vst v2;
	v3 =	vmul.f32 v8, v3;
	v2 =	vld [tilespmem:s13+$0xFFFFFFF0]  }
0x9a: {  	v4 =	vld [tilespmem:s16+$0xFFFFFFF0];
	v5 =	vmul.f32 v5, v6  }
0x9b: {  	[tilespmem:s13+$0x20] =	vst v3;
	v3 =	vld [tilespmem:s13+$0x30]  }
0x9c: {  	[tilespmem:s13+$0xFFFFFFA0] =	vst v5;
	v5 =	vld [tilespmem:s16+$0x30];
	v7 =	vmul.f32 v7, v9  }
0x9d: {  	s17 =	simm.s32 $0x0;
	s15 =	simm.s32 $0x4FA0;
	v6 =	vld [tilespmem:s16+$0xFFFFFFB0]  }
.LBB2_5:
0x9e: {  	v8 =	vld [tilespmem:s15+$0x40];
	[tilespmem:s13+$0x70] =	vst v7;
	s16 =	sadd.s32 $0x100, s16  }
0x9f: {  	s17 =	sadd.s32 $0x4, s17;
	v7 =	vld [tilespmem:s16+$0x40];
	v2 =	vmul.f32 v4, v2  }
0xa0: {  	p0 =	slt.u32 s17, $0x4C;
	v4 =	vld [tilespmem:s16+$0xFFFFFF80]  }
0xa1: {  	v9 =	vld [tilespmem:s15+$0xFFFFFFC0];
	[tilespmem:s13+$0xFFFFFFF0] =	vst v2;
	v2 =	vmul.f32 v5, v3  }
0xa2: {  	v3 =	vld [tilespmem:s16+$0xFFFFFFC0];
	v1 =	vmul.f32 v6, v1  }
0xa3: {  	v5 =	vld [tilespmem:s15+$0x0];
	[tilespmem:s13+$0x30] =	vst v2  }
0xa4: {  	v2 =	vld [tilespmem:s16+$0x0];
	v6 =	vmul.f32 v7, v8;
	[tilespmem:s13+$0xFFFFFFB0] =	vst v1;
	s13 =	smov.u32 s15  }
0xa5: {  	v1 =	vld [tilespmem:s15+$0xFFFFFF80]  }
0xa6: {  	[tilespmem:s15+$0x40] =	vst v6;
	v6 =	vld [tilespmem:s15+$0x50]  }
0xa7: {  	v3 =	vmul.f32 v3, v9;
	v7 =	vld [tilespmem:s16+$0x50]  }
0xa8: {  	v8 =	vld [tilespmem:s15+$0xFFFFFF90]  }
0xa9: {  	[tilespmem:s15+$0xFFFFFFC0] =	vst v3;
	v3 =	vld [tilespmem:s15+$0xFFFFFFD0];
	v2 =	vmul.f32 v2, v5  }
0xaa: {  	v1 =	vmul.f32 v4, v1;
	v4 =	vld [tilespmem:s16+$0xFFFFFFD0]  }
0xab: {  	[tilespmem:s15+$0x0] =	vst v2;
	v2 =	vld [tilespmem:s15+$0x10]  }
0xac: {  	[tilespmem:s15+$0xFFFFFF80] =	vst v1;
	v1 =	vld [tilespmem:s16+$0x10];
	v5 =	vmul.f32 v7, v6  }
0xad: {  	v6 =	vld [tilespmem:s16+$0xFFFFFF90]  }
0xae: {  	[tilespmem:s15+$0x50] =	vst v5;
	v5 =	vld [tilespmem:s15+$0x60]  }
0xaf: {  	v3 =	vmul.f32 v4, v3;
	v4 =	vld [tilespmem:s16+$0x60]  }
0xb0: {  	v7 =	vld [tilespmem:s15+$0xFFFFFFA0]  }
0xb1: {  	[tilespmem:s15+$0xFFFFFFD0] =	vst v3;
	v3 =	vld [tilespmem:s15+$0xFFFFFFE0];
	v1 =	vmul.f32 v1, v2  }
0xb2: {  	v2 =	vmul.f32 v6, v8;
	v6 =	vld [tilespmem:s16+$0xFFFFFFE0]  }
0xb3: {  	[tilespmem:s15+$0x10] =	vst v1;
	v8 =	vld [tilespmem:s15+$0x20]  }
0xb4: {  	[tilespmem:s15+$0xFFFFFF90] =	vst v2;
	v9 =	vld [tilespmem:s16+$0x20];
	v1 =	vmul.f32 v4, v5  }
0xb5: {  	v4 =	vld [tilespmem:s16+$0xFFFFFFA0]  }
0xb6: {  	[tilespmem:s15+$0x60] =	vst v1;
	v10 =	vld [tilespmem:s15+$0x70]  }
0xb7: {  	v2 =	vmul.f32 v6, v3;
	v6 =	vld [tilespmem:s16+$0x70]  }
0xb8: {  	v1 =	vld [tilespmem:s15+$0xFFFFFFB0]  }
.Ltmp1:
0xb9: {  	[tilespmem:s15+$0xFFFFFFE0] =	vst v2;
	v2 =	vld [tilespmem:s15+$0xFFFFFFF0];
	v3 =	vmul.f32 v9, v8;
	(pc) =	sbr.rel @p0 .LBB2_5-.Ltmp1, $4  }
0xba: {  	v5 =	vmul.f32 v4, v7;
	v4 =	vld [tilespmem:s16+$0xFFFFFFF0]  }
0xbb: {  	[tilespmem:s15+$0x20] =	vst v3;
	v3 =	vld [tilespmem:s15+$0x30]  }
0xbc: {  	[tilespmem:s15+$0xFFFFFFA0] =	vst v5;
	v5 =	vld [tilespmem:s16+$0x30];
	v7 =	vmul.f32 v6, v10  }
0xbd: {  	s15 =	sadd.s32 $0x100, s15;
	v6 =	vld [tilespmem:s16+$0xFFFFFFB0]  }
0xbe: {  	_ =	sdelay $0x1  }
0xbf: {  	v2 =	vmul.f32 v4, v2  }
0xc0: {  	[tilespmem:s13+$0x70] =	vst v7;
	v3 =	vmul.f32 v5, v3  }
0xc1: {  	[tilespmem:s13+$0xFFFFFFF0] =	vst v2;
	v1 =	vmul.f32 v6, v1  }
0xc2: {  	[tilespmem:s13+$0x30] =	vst v3  }
0xc3: {  	s6 =	sadd.s32 $0x2710, s6;
	[tilespmem:s13+$0xFFFFFFB0] =	vst v1  }
0xc4: {  	[spmem:s2] =	stream.indirect.scatter.add.f32 [tilespmem:s19], [sflag:$0x7], $0x40, s6, s18, $0xb8;
	[tilespmem:$0x1B420] =	vst v63  }
0xc5: {  	_ =	swait.ge [sflag:s26], $0x1400  }
0xc6: {  	[sflag:s26] =	ssyncset.done $0x0  }
0xc7: {  	s6 =	simm.s32 $0x6310;
	[sflag:s26] =	ssyncadd.s32 $0xFFFFEC00  }
0xc8: {  	s13 =	simm.s32 $0xC710;
	v1 =	vld [tilespmem:s6+$0xFFFFFFD0]  }
0xc9: {  	v2 =	vld [tilespmem:s13+$0xFFFFFFD0]  }
0xca: {  	v3 =	vld [tilespmem:s6+$0xFFFFFF50]  }
0xcb: {  	v4 =	vld [tilespmem:s13+$0xFFFFFF50]  }
0xcc: {  	v5 =	vld [tilespmem:s6+$0xFFFFFF90]  }
0xcd: {  	v6 =	vld [tilespmem:s13+$0xFFFFFF90]  }
0xce: {  	v7 =	vld [tilespmem:s6+$0xFFFFFF10];
	v1 =	vmul.f32 v2, v1  }
0xcf: {  	v2 =	vld [tilespmem:s13+$0xFFFFFF10]  }
0xd0: {  	[tilespmem:s6+$0xFFFFFFD0] =	vst v1;
	v1 =	vld [tilespmem:s6+$0xFFFFFFE0]  }
0xd1: {  	v3 =	vmul.f32 v4, v3;
	v4 =	vld [tilespmem:s13+$0xFFFFFFE0]  }
0xd2: {  	v8 =	vld [tilespmem:s6+$0xFFFFFF20]  }
0xd3: {  	[tilespmem:s6+$0xFFFFFF50] =	vst v3;
	v3 =	vmul.f32 v6, v5;
	v5 =	vld [tilespmem:s6+$0xFFFFFF60]  }
0xd4: {  	v6 =	vld [tilespmem:s13+$0xFFFFFF60];
	v2 =	vmul.f32 v2, v7  }
0xd5: {  	[tilespmem:s6+$0xFFFFFF90] =	vst v3;
	v3 =	vld [tilespmem:s6+$0xFFFFFFA0]  }
0xd6: {  	v7 =	vld [tilespmem:s13+$0xFFFFFFA0];
	[tilespmem:s6+$0xFFFFFF10] =	vst v2;
	v1 =	vmul.f32 v4, v1  }
0xd7: {  	v2 =	vld [tilespmem:s13+$0xFFFFFF20]  }
0xd8: {  	[tilespmem:s6+$0xFFFFFFE0] =	vst v1;
	v1 =	vld [tilespmem:s6+$0xFFFFFFF0]  }
0xd9: {  	v4 =	vmul.f32 v6, v5;
	v5 =	vld [tilespmem:s13+$0xFFFFFFF0]  }
0xda: {  	v6 =	vld [tilespmem:s6+$0xFFFFFF30]  }
0xdb: {  	[tilespmem:s6+$0xFFFFFF60] =	vst v4;
	v3 =	vmul.f32 v7, v3;
	v4 =	vld [tilespmem:s6+$0xFFFFFF70]  }
0xdc: {  	v7 =	vld [tilespmem:s13+$0xFFFFFF70];
	v2 =	vmul.f32 v2, v8  }
0xdd: {  	[tilespmem:s6+$0xFFFFFFA0] =	vst v3;
	v3 =	vld [tilespmem:s6+$0xFFFFFFB0]  }
0xde: {  	v8 =	vld [tilespmem:s13+$0xFFFFFFB0];
	[tilespmem:s6+$0xFFFFFF20] =	vst v2;
	v1 =	vmul.f32 v5, v1  }
0xdf: {  	v5 =	vld [tilespmem:s13+$0xFFFFFF30]  }
0xe0: {  	v9 =	vld [tilespmem:s6+$0x0];
	[tilespmem:s6+$0xFFFFFFF0] =	vst v1  }
0xe1: {  	v2 =	vmul.f32 v7, v4;
	v7 =	vld [tilespmem:s13+$0x0]  }
0xe2: {  	v1 =	vld [tilespmem:s6+$0xFFFFFF40]  }
0xe3: {  	[tilespmem:s6+$0xFFFFFF70] =	vst v2;
	v3 =	vmul.f32 v8, v3;
	v2 =	vld [tilespmem:s6+$0xFFFFFF80]  }
0xe4: {  	v4 =	vld [tilespmem:s13+$0xFFFFFF80];
	v5 =	vmul.f32 v5, v6  }
0xe5: {  	[tilespmem:s6+$0xFFFFFFB0] =	vst v3;
	v3 =	vld [tilespmem:s6+$0xFFFFFFC0]  }
0xe6: {  	[tilespmem:s6+$0xFFFFFF30] =	vst v5;
	v5 =	vld [tilespmem:s13+$0xFFFFFFC0];
	v7 =	vmul.f32 v7, v9  }
0xe7: {  	s16 =	simm.s32 $0x0;
	s15 =	simm.s32 $0x6410;
	v6 =	vld [tilespmem:s13+$0xFFFFFF40]  }
.LBB2_7:
0xe8: {  	v8 =	vld [tilespmem:s15+$0xFFFFFFD0];
	[tilespmem:s6+$0x0] =	vst v7;
	s13 =	sadd.s32 $0x100, s13  }
0xe9: {  	s16 =	sadd.s32 $0x4, s16;
	v7 =	vld [tilespmem:s13+$0xFFFFFFD0];
	v2 =	vmul.f32 v4, v2  }
0xea: {  	p0 =	slt.u32 s16, $0x4C;
	v4 =	vld [tilespmem:s13+$0xFFFFFF10]  }
0xeb: {  	v9 =	vld [tilespmem:s15+$0xFFFFFF50];
	[tilespmem:s6+$0xFFFFFF80] =	vst v2;
	v2 =	vmul.f32 v5, v3  }
0xec: {  	v3 =	vld [tilespmem:s13+$0xFFFFFF50];
	v1 =	vmul.f32 v6, v1  }
0xed: {  	v5 =	vld [tilespmem:s15+$0xFFFFFF90];
	[tilespmem:s6+$0xFFFFFFC0] =	vst v2  }
0xee: {  	v2 =	vld [tilespmem:s13+$0xFFFFFF90];
	v6 =	vmul.f32 v7, v8;
	[tilespmem:s6+$0xFFFFFF40] =	vst v1;
	s6 =	smov.u32 s15  }
0xef: {  	v1 =	vld [tilespmem:s15+$0xFFFFFF10]  }
0xf0: {  	[tilespmem:s15+$0xFFFFFFD0] =	vst v6;
	v6 =	vld [tilespmem:s15+$0xFFFFFFE0]  }
0xf1: {  	v3 =	vmul.f32 v3, v9;
	v7 =	vld [tilespmem:s13+$0xFFFFFFE0]  }
0xf2: {  	v8 =	vld [tilespmem:s15+$0xFFFFFF20]  }
0xf3: {  	[tilespmem:s15+$0xFFFFFF50] =	vst v3;
	v3 =	vld [tilespmem:s15+$0xFFFFFF60];
	v2 =	vmul.f32 v2, v5  }
0xf4: {  	v1 =	vmul.f32 v4, v1;
	v4 =	vld [tilespmem:s13+$0xFFFFFF60]  }
0xf5: {  	[tilespmem:s15+$0xFFFFFF90] =	vst v2;
	v2 =	vld [tilespmem:s15+$0xFFFFFFA0]  }
0xf6: {  	[tilespmem:s15+$0xFFFFFF10] =	vst v1;
	v1 =	vld [tilespmem:s13+$0xFFFFFFA0];
	v5 =	vmul.f32 v7, v6  }
0xf7: {  	v6 =	vld [tilespmem:s13+$0xFFFFFF20]  }
0xf8: {  	[tilespmem:s15+$0xFFFFFFE0] =	vst v5;
	v5 =	vld [tilespmem:s15+$0xFFFFFFF0]  }
0xf9: {  	v3 =	vmul.f32 v4, v3;
	v4 =	vld [tilespmem:s13+$0xFFFFFFF0]  }
0xfa: {  	v7 =	vld [tilespmem:s15+$0xFFFFFF30]  }
0xfb: {  	[tilespmem:s15+$0xFFFFFF60] =	vst v3;
	v3 =	vld [tilespmem:s15+$0xFFFFFF70];
	v1 =	vmul.f32 v1, v2  }
0xfc: {  	v2 =	vmul.f32 v6, v8;
	v6 =	vld [tilespmem:s13+$0xFFFFFF70]  }
0xfd: {  	[tilespmem:s15+$0xFFFFFFA0] =	vst v1;
	v8 =	vld [tilespmem:s15+$0xFFFFFFB0]  }
0xfe: {  	[tilespmem:s15+$0xFFFFFF20] =	vst v2;
	v9 =	vld [tilespmem:s13+$0xFFFFFFB0];
	v1 =	vmul.f32 v4, v5  }
0xff: {  	v4 =	vld [tilespmem:s13+$0xFFFFFF30]  }
0x100: {  	[tilespmem:s15+$0xFFFFFFF0] =	vst v1;
	v10 =	vld [tilespmem:s15+$0x0]  }
0x101: {  	v2 =	vmul.f32 v6, v3;
	v6 =	vld [tilespmem:s13+$0x0]  }
0x102: {  	v1 =	vld [tilespmem:s15+$0xFFFFFF40]  }
.Ltmp2:
0x103: {  	[tilespmem:s15+$0xFFFFFF70] =	vst v2;
	v2 =	vld [tilespmem:s15+$0xFFFFFF80];
	v3 =	vmul.f32 v9, v8;
	(pc) =	sbr.rel @p0 .LBB2_7-.Ltmp2, $4  }
0x104: {  	v5 =	vmul.f32 v4, v7;
	v4 =	vld [tilespmem:s13+$0xFFFFFF80]  }
0x105: {  	[tilespmem:s15+$0xFFFFFFB0] =	vst v3;
	v3 =	vld [tilespmem:s15+$0xFFFFFFC0]  }
0x106: {  	[tilespmem:s15+$0xFFFFFF30] =	vst v5;
	v5 =	vld [tilespmem:s13+$0xFFFFFFC0];
	v7 =	vmul.f32 v6, v10  }
0x107: {  	s15 =	sadd.s32 $0x100, s15;
	v6 =	vld [tilespmem:s13+$0xFFFFFF40]  }
0x108: {  	_ =	sdelay $0x1  }
0x109: {  	v2 =	vmul.f32 v4, v2  }
0x10a: {  	[tilespmem:s6+$0x0] =	vst v7;
	v3 =	vmul.f32 v5, v3  }
0x10b: {  	[tilespmem:s6+$0xFFFFFF80] =	vst v2;
	v1 =	vmul.f32 v6, v1  }
0x10c: {  	[tilespmem:s6+$0xFFFFFFC0] =	vst v3  }
0x10d: {  	s17 =	sadd.s32 $0x2710, s8;
	[tilespmem:s6+$0xFFFFFF40] =	vst v1  }
0x10e: {  	[spmem:s2] =	stream.indirect.scatter.add.f32 [tilespmem:s20], [sflag:$0x8], $0x40, s17, s18, $0xb8;
	[tilespmem:$0x1B420] =	vst v63  }
0x10f: {  	_ =	swait.ge [sflag:s28], $0x1400  }
0x110: {  	[sflag:s28] =	ssyncset.done $0x0  }
0x111: {  	s6 =	simm.s32 $0x7710;
	[sflag:s28] =	ssyncadd.s32 $0xFFFFEC00  }
0x112: {  	s8 =	simm.s32 $0xDB10;
	v1 =	vld [tilespmem:s6+$0xFFFFFFD0]  }
0x113: {  	v2 =	vld [tilespmem:s8+$0xFFFFFFD0]  }
0x114: {  	v3 =	vld [tilespmem:s6+$0xFFFFFF50]  }
0x115: {  	v4 =	vld [tilespmem:s8+$0xFFFFFF50]  }
0x116: {  	v5 =	vld [tilespmem:s6+$0xFFFFFF90]  }
0x117: {  	v6 =	vld [tilespmem:s8+$0xFFFFFF90]  }
0x118: {  	v7 =	vld [tilespmem:s6+$0xFFFFFF10];
	v1 =	vmul.f32 v2, v1  }
0x119: {  	v2 =	vld [tilespmem:s8+$0xFFFFFF10]  }
0x11a: {  	[tilespmem:s6+$0xFFFFFFD0] =	vst v1;
	v1 =	vld [tilespmem:s6+$0xFFFFFFE0]  }
0x11b: {  	v3 =	vmul.f32 v4, v3;
	v4 =	vld [tilespmem:s8+$0xFFFFFFE0]  }
0x11c: {  	v8 =	vld [tilespmem:s6+$0xFFFFFF20]  }
0x11d: {  	[tilespmem:s6+$0xFFFFFF50] =	vst v3;
	v3 =	vmul.f32 v6, v5;
	v5 =	vld [tilespmem:s6+$0xFFFFFF60]  }
0x11e: {  	v6 =	vld [tilespmem:s8+$0xFFFFFF60];
	v2 =	vmul.f32 v2, v7  }
0x11f: {  	[tilespmem:s6+$0xFFFFFF90] =	vst v3;
	v3 =	vld [tilespmem:s6+$0xFFFFFFA0]  }
0x120: {  	v7 =	vld [tilespmem:s8+$0xFFFFFFA0];
	[tilespmem:s6+$0xFFFFFF10] =	vst v2;
	v1 =	vmul.f32 v4, v1  }
0x121: {  	v2 =	vld [tilespmem:s8+$0xFFFFFF20]  }
0x122: {  	[tilespmem:s6+$0xFFFFFFE0] =	vst v1;
	v1 =	vld [tilespmem:s6+$0xFFFFFFF0]  }
0x123: {  	v4 =	vmul.f32 v6, v5;
	v5 =	vld [tilespmem:s8+$0xFFFFFFF0]  }
0x124: {  	v6 =	vld [tilespmem:s6+$0xFFFFFF30]  }
0x125: {  	[tilespmem:s6+$0xFFFFFF60] =	vst v4;
	v3 =	vmul.f32 v7, v3;
	v4 =	vld [tilespmem:s6+$0xFFFFFF70]  }
0x126: {  	v7 =	vld [tilespmem:s8+$0xFFFFFF70];
	v2 =	vmul.f32 v2, v8  }
0x127: {  	[tilespmem:s6+$0xFFFFFFA0] =	vst v3;
	v3 =	vld [tilespmem:s6+$0xFFFFFFB0]  }
0x128: {  	v8 =	vld [tilespmem:s8+$0xFFFFFFB0];
	[tilespmem:s6+$0xFFFFFF20] =	vst v2;
	v1 =	vmul.f32 v5, v1  }
0x129: {  	v5 =	vld [tilespmem:s8+$0xFFFFFF30]  }
0x12a: {  	v9 =	vld [tilespmem:s6+$0x0];
	[tilespmem:s6+$0xFFFFFFF0] =	vst v1  }
0x12b: {  	v2 =	vmul.f32 v7, v4;
	v7 =	vld [tilespmem:s8+$0x0]  }
0x12c: {  	v1 =	vld [tilespmem:s6+$0xFFFFFF40]  }
0x12d: {  	[tilespmem:s6+$0xFFFFFF70] =	vst v2;
	v3 =	vmul.f32 v8, v3;
	v2 =	vld [tilespmem:s6+$0xFFFFFF80]  }
0x12e: {  	v4 =	vld [tilespmem:s8+$0xFFFFFF80];
	v5 =	vmul.f32 v5, v6  }
0x12f: {  	[tilespmem:s6+$0xFFFFFFB0] =	vst v3;
	v3 =	vld [tilespmem:s6+$0xFFFFFFC0]  }
0x130: {  	[tilespmem:s6+$0xFFFFFF30] =	vst v5;
	v5 =	vld [tilespmem:s8+$0xFFFFFFC0];
	v7 =	vmul.f32 v7, v9  }
0x131: {  	s13 =	simm.s32 $0x0;
	s15 =	simm.s32 $0x7810;
	v6 =	vld [tilespmem:s8+$0xFFFFFF40]  }
.LBB2_9:
0x132: {  	v8 =	vld [tilespmem:s15+$0xFFFFFFD0];
	[tilespmem:s6+$0x0] =	vst v7;
	s8 =	sadd.s32 $0x100, s8  }
0x133: {  	s13 =	sadd.s32 $0x4, s13;
	v7 =	vld [tilespmem:s8+$0xFFFFFFD0];
	v2 =	vmul.f32 v4, v2  }
0x134: {  	p0 =	slt.u32 s13, $0x4C;
	v4 =	vld [tilespmem:s8+$0xFFFFFF10]  }
0x135: {  	v9 =	vld [tilespmem:s15+$0xFFFFFF50];
	[tilespmem:s6+$0xFFFFFF80] =	vst v2;
	v2 =	vmul.f32 v5, v3  }
0x136: {  	v3 =	vld [tilespmem:s8+$0xFFFFFF50];
	v1 =	vmul.f32 v6, v1  }
0x137: {  	v5 =	vld [tilespmem:s15+$0xFFFFFF90];
	[tilespmem:s6+$0xFFFFFFC0] =	vst v2  }
0x138: {  	v2 =	vld [tilespmem:s8+$0xFFFFFF90];
	v6 =	vmul.f32 v7, v8;
	[tilespmem:s6+$0xFFFFFF40] =	vst v1;
	s6 =	smov.u32 s15  }
0x139: {  	v1 =	vld [tilespmem:s15+$0xFFFFFF10]  }
0x13a: {  	[tilespmem:s15+$0xFFFFFFD0] =	vst v6;
	v6 =	vld [tilespmem:s15+$0xFFFFFFE0]  }
0x13b: {  	v3 =	vmul.f32 v3, v9;
	v7 =	vld [tilespmem:s8+$0xFFFFFFE0]  }
0x13c: {  	v8 =	vld [tilespmem:s15+$0xFFFFFF20]  }
0x13d: {  	[tilespmem:s15+$0xFFFFFF50] =	vst v3;
	v3 =	vld [tilespmem:s15+$0xFFFFFF60];
	v2 =	vmul.f32 v2, v5  }
0x13e: {  	v1 =	vmul.f32 v4, v1;
	v4 =	vld [tilespmem:s8+$0xFFFFFF60]  }
0x13f: {  	[tilespmem:s15+$0xFFFFFF90] =	vst v2;
	v2 =	vld [tilespmem:s15+$0xFFFFFFA0]  }
0x140: {  	[tilespmem:s15+$0xFFFFFF10] =	vst v1;
	v1 =	vld [tilespmem:s8+$0xFFFFFFA0];
	v5 =	vmul.f32 v7, v6  }
0x141: {  	v6 =	vld [tilespmem:s8+$0xFFFFFF20]  }
0x142: {  	[tilespmem:s15+$0xFFFFFFE0] =	vst v5;
	v5 =	vld [tilespmem:s15+$0xFFFFFFF0]  }
0x143: {  	v3 =	vmul.f32 v4, v3;
	v4 =	vld [tilespmem:s8+$0xFFFFFFF0]  }
0x144: {  	v7 =	vld [tilespmem:s15+$0xFFFFFF30]  }
0x145: {  	[tilespmem:s15+$0xFFFFFF60] =	vst v3;
	v3 =	vld [tilespmem:s15+$0xFFFFFF70];
	v1 =	vmul.f32 v1, v2  }
0x146: {  	v2 =	vmul.f32 v6, v8;
	v6 =	vld [tilespmem:s8+$0xFFFFFF70]  }
0x147: {  	[tilespmem:s15+$0xFFFFFFA0] =	vst v1;
	v8 =	vld [tilespmem:s15+$0xFFFFFFB0]  }
0x148: {  	[tilespmem:s15+$0xFFFFFF20] =	vst v2;
	v9 =	vld [tilespmem:s8+$0xFFFFFFB0];
	v1 =	vmul.f32 v4, v5  }
0x149: {  	v4 =	vld [tilespmem:s8+$0xFFFFFF30]  }
0x14a: {  	[tilespmem:s15+$0xFFFFFFF0] =	vst v1;
	v10 =	vld [tilespmem:s15+$0x0]  }
0x14b: {  	v2 =	vmul.f32 v6, v3;
	v6 =	vld [tilespmem:s8+$0x0]  }
0x14c: {  	v1 =	vld [tilespmem:s15+$0xFFFFFF40]  }
.Ltmp3:
0x14d: {  	[tilespmem:s15+$0xFFFFFF70] =	vst v2;
	v2 =	vld [tilespmem:s15+$0xFFFFFF80];
	v3 =	vmul.f32 v9, v8;
	(pc) =	sbr.rel @p0 .LBB2_9-.Ltmp3, $4  }
0x14e: {  	v5 =	vmul.f32 v4, v7;
	v4 =	vld [tilespmem:s8+$0xFFFFFF80]  }
0x14f: {  	[tilespmem:s15+$0xFFFFFFB0] =	vst v3;
	v3 =	vld [tilespmem:s15+$0xFFFFFFC0]  }
0x150: {  	[tilespmem:s15+$0xFFFFFF30] =	vst v5;
	v5 =	vld [tilespmem:s8+$0xFFFFFFC0];
	v7 =	vmul.f32 v6, v10  }
0x151: {  	s15 =	sadd.s32 $0x100, s15;
	v6 =	vld [tilespmem:s8+$0xFFFFFF40]  }
0x152: {  	_ =	sdelay $0x1  }
0x153: {  	v2 =	vmul.f32 v4, v2  }
0x154: {  	[tilespmem:s6+$0x0] =	vst v7;
	v3 =	vmul.f32 v5, v3  }
0x155: {  	[tilespmem:s6+$0xFFFFFF80] =	vst v2;
	v1 =	vmul.f32 v6, v1  }
0x156: {  	[tilespmem:s6+$0xFFFFFFC0] =	vst v3  }
0x157: {  	s17 =	sadd.s32 $0x2710, s12;
	[tilespmem:s6+$0xFFFFFF40] =	vst v1  }
0x158: {  	[spmem:s2] =	stream.indirect.scatter.add.f32 [tilespmem:s21], [sflag:$0x9], $0x40, s17, s18, $0xb8;
	[tilespmem:$0x1B420] =	vst v63  }
0x159: {  	_ =	swait.ge [sflag:s29], $0x1400  }
0x15a: {  	[sflag:s29] =	ssyncset.done $0x0  }
0x15b: {  	s6 =	simm.s32 $0x8B10;
	[sflag:s29] =	ssyncadd.s32 $0xFFFFEC00  }
0x15c: {  	s8 =	simm.s32 $0xEF10;
	v1 =	vld [tilespmem:s6+$0xFFFFFFD0]  }
0x15d: {  	v2 =	vld [tilespmem:s8+$0xFFFFFFD0]  }
0x15e: {  	v3 =	vld [tilespmem:s6+$0xFFFFFF50]  }
0x15f: {  	v4 =	vld [tilespmem:s8+$0xFFFFFF50]  }
0x160: {  	v5 =	vld [tilespmem:s6+$0xFFFFFF90]  }
0x161: {  	v6 =	vld [tilespmem:s8+$0xFFFFFF90]  }
0x162: {  	v7 =	vld [tilespmem:s6+$0xFFFFFF10];
	v1 =	vmul.f32 v2, v1  }
0x163: {  	v2 =	vld [tilespmem:s8+$0xFFFFFF10]  }
0x164: {  	[tilespmem:s6+$0xFFFFFFD0] =	vst v1;
	v1 =	vld [tilespmem:s6+$0xFFFFFFE0]  }
0x165: {  	v3 =	vmul.f32 v4, v3;
	v4 =	vld [tilespmem:s8+$0xFFFFFFE0]  }
0x166: {  	v8 =	vld [tilespmem:s6+$0xFFFFFF20]  }
0x167: {  	[tilespmem:s6+$0xFFFFFF50] =	vst v3;
	v3 =	vmul.f32 v6, v5;
	v5 =	vld [tilespmem:s6+$0xFFFFFF60]  }
0x168: {  	v6 =	vld [tilespmem:s8+$0xFFFFFF60];
	v2 =	vmul.f32 v2, v7  }
0x169: {  	[tilespmem:s6+$0xFFFFFF90] =	vst v3;
	v3 =	vld [tilespmem:s6+$0xFFFFFFA0]  }
0x16a: {  	v7 =	vld [tilespmem:s8+$0xFFFFFFA0];
	[tilespmem:s6+$0xFFFFFF10] =	vst v2;
	v1 =	vmul.f32 v4, v1  }
0x16b: {  	v2 =	vld [tilespmem:s8+$0xFFFFFF20]  }
0x16c: {  	[tilespmem:s6+$0xFFFFFFE0] =	vst v1;
	v1 =	vld [tilespmem:s6+$0xFFFFFFF0]  }
0x16d: {  	v4 =	vmul.f32 v6, v5;
	v5 =	vld [tilespmem:s8+$0xFFFFFFF0]  }
0x16e: {  	v6 =	vld [tilespmem:s6+$0xFFFFFF30]  }
0x16f: {  	[tilespmem:s6+$0xFFFFFF60] =	vst v4;
	v3 =	vmul.f32 v7, v3;
	v4 =	vld [tilespmem:s6+$0xFFFFFF70]  }
0x170: {  	v7 =	vld [tilespmem:s8+$0xFFFFFF70];
	v2 =	vmul.f32 v2, v8  }
0x171: {  	[tilespmem:s6+$0xFFFFFFA0] =	vst v3;
	v3 =	vld [tilespmem:s6+$0xFFFFFFB0]  }
0x172: {  	v8 =	vld [tilespmem:s8+$0xFFFFFFB0];
	[tilespmem:s6+$0xFFFFFF20] =	vst v2;
	v1 =	vmul.f32 v5, v1  }
0x173: {  	v5 =	vld [tilespmem:s8+$0xFFFFFF30]  }
0x174: {  	v9 =	vld [tilespmem:s6+$0x0];
	[tilespmem:s6+$0xFFFFFFF0] =	vst v1  }
0x175: {  	v2 =	vmul.f32 v7, v4;
	v7 =	vld [tilespmem:s8+$0x0]  }
0x176: {  	v1 =	vld [tilespmem:s6+$0xFFFFFF40]  }
0x177: {  	[tilespmem:s6+$0xFFFFFF70] =	vst v2;
	v3 =	vmul.f32 v8, v3;
	v2 =	vld [tilespmem:s6+$0xFFFFFF80]  }
0x178: {  	v4 =	vld [tilespmem:s8+$0xFFFFFF80];
	v5 =	vmul.f32 v5, v6  }
0x179: {  	[tilespmem:s6+$0xFFFFFFB0] =	vst v3;
	v3 =	vld [tilespmem:s6+$0xFFFFFFC0]  }
0x17a: {  	[tilespmem:s6+$0xFFFFFF30] =	vst v5;
	v5 =	vld [tilespmem:s8+$0xFFFFFFC0];
	v7 =	vmul.f32 v7, v9  }
0x17b: {  	s12 =	simm.s32 $0x0;
	s13 =	simm.s32 $0x8C10;
	v6 =	vld [tilespmem:s8+$0xFFFFFF40]  }
.LBB2_11:
0x17c: {  	v8 =	vld [tilespmem:s13+$0xFFFFFFD0];
	[tilespmem:s6+$0x0] =	vst v7;
	s8 =	sadd.s32 $0x100, s8  }
0x17d: {  	s12 =	sadd.s32 $0x4, s12;
	v7 =	vld [tilespmem:s8+$0xFFFFFFD0];
	v2 =	vmul.f32 v4, v2  }
0x17e: {  	p0 =	slt.u32 s12, $0x4C;
	v4 =	vld [tilespmem:s8+$0xFFFFFF10]  }
0x17f: {  	v9 =	vld [tilespmem:s13+$0xFFFFFF50];
	[tilespmem:s6+$0xFFFFFF80] =	vst v2;
	v2 =	vmul.f32 v5, v3  }
0x180: {  	v3 =	vld [tilespmem:s8+$0xFFFFFF50];
	v1 =	vmul.f32 v6, v1  }
0x181: {  	v5 =	vld [tilespmem:s13+$0xFFFFFF90];
	[tilespmem:s6+$0xFFFFFFC0] =	vst v2  }
0x182: {  	v2 =	vld [tilespmem:s8+$0xFFFFFF90];
	v6 =	vmul.f32 v7, v8;
	[tilespmem:s6+$0xFFFFFF40] =	vst v1;
	s6 =	smov.u32 s13  }
0x183: {  	v1 =	vld [tilespmem:s13+$0xFFFFFF10]  }
0x184: {  	[tilespmem:s13+$0xFFFFFFD0] =	vst v6;
	v6 =	vld [tilespmem:s13+$0xFFFFFFE0]  }
0x185: {  	v3 =	vmul.f32 v3, v9;
	v7 =	vld [tilespmem:s8+$0xFFFFFFE0]  }
0x186: {  	v8 =	vld [tilespmem:s13+$0xFFFFFF20]  }
0x187: {  	[tilespmem:s13+$0xFFFFFF50] =	vst v3;
	v3 =	vld [tilespmem:s13+$0xFFFFFF60];
	v2 =	vmul.f32 v2, v5  }
0x188: {  	v1 =	vmul.f32 v4, v1;
	v4 =	vld [tilespmem:s8+$0xFFFFFF60]  }
0x189: {  	[tilespmem:s13+$0xFFFFFF90] =	vst v2;
	v2 =	vld [tilespmem:s13+$0xFFFFFFA0]  }
0x18a: {  	[tilespmem:s13+$0xFFFFFF10] =	vst v1;
	v1 =	vld [tilespmem:s8+$0xFFFFFFA0];
	v5 =	vmul.f32 v7, v6  }
0x18b: {  	v6 =	vld [tilespmem:s8+$0xFFFFFF20]  }
0x18c: {  	[tilespmem:s13+$0xFFFFFFE0] =	vst v5;
	v5 =	vld [tilespmem:s13+$0xFFFFFFF0]  }
0x18d: {  	v3 =	vmul.f32 v4, v3;
	v4 =	vld [tilespmem:s8+$0xFFFFFFF0]  }
0x18e: {  	v7 =	vld [tilespmem:s13+$0xFFFFFF30]  }
0x18f: {  	[tilespmem:s13+$0xFFFFFF60] =	vst v3;
	v3 =	vld [tilespmem:s13+$0xFFFFFF70];
	v1 =	vmul.f32 v1, v2  }
0x190: {  	v2 =	vmul.f32 v6, v8;
	v6 =	vld [tilespmem:s8+$0xFFFFFF70]  }
0x191: {  	[tilespmem:s13+$0xFFFFFFA0] =	vst v1;
	v8 =	vld [tilespmem:s13+$0xFFFFFFB0]  }
0x192: {  	[tilespmem:s13+$0xFFFFFF20] =	vst v2;
	v9 =	vld [tilespmem:s8+$0xFFFFFFB0];
	v1 =	vmul.f32 v4, v5  }
0x193: {  	v4 =	vld [tilespmem:s8+$0xFFFFFF30]  }
0x194: {  	[tilespmem:s13+$0xFFFFFFF0] =	vst v1;
	v10 =	vld [tilespmem:s13+$0x0]  }
0x195: {  	v2 =	vmul.f32 v6, v3;
	v6 =	vld [tilespmem:s8+$0x0]  }
0x196: {  	v1 =	vld [tilespmem:s13+$0xFFFFFF40]  }
.Ltmp4:
0x197: {  	[tilespmem:s13+$0xFFFFFF70] =	vst v2;
	v2 =	vld [tilespmem:s13+$0xFFFFFF80];
	v3 =	vmul.f32 v9, v8;
	(pc) =	sbr.rel @p0 .LBB2_11-.Ltmp4, $4  }
0x198: {  	v5 =	vmul.f32 v4, v7;
	v4 =	vld [tilespmem:s8+$0xFFFFFF80]  }
0x199: {  	[tilespmem:s13+$0xFFFFFFB0] =	vst v3;
	v3 =	vld [tilespmem:s13+$0xFFFFFFC0]  }
0x19a: {  	[tilespmem:s13+$0xFFFFFF30] =	vst v5;
	v5 =	vld [tilespmem:s8+$0xFFFFFFC0];
	v7 =	vmul.f32 v6, v10  }
0x19b: {  	s13 =	sadd.s32 $0x100, s13;
	v6 =	vld [tilespmem:s8+$0xFFFFFF40]  }
0x19c: {  	_ =	sdelay $0x1  }
0x19d: {  	v2 =	vmul.f32 v4, v2  }
0x19e: {  	[tilespmem:s6+$0x0] =	vst v7;
	v3 =	vmul.f32 v5, v3  }
0x19f: {  	[tilespmem:s6+$0xFFFFFF80] =	vst v2;
	v1 =	vmul.f32 v6, v1  }
0x1a0: {  	[tilespmem:s6+$0xFFFFFFC0] =	vst v3  }
0x1a1: {  	s17 =	sadd.s32 $0x2710, s11;
	[tilespmem:s6+$0xFFFFFF40] =	vst v1  }
0x1a2: {  	[spmem:s2] =	stream.indirect.scatter.add.f32 [tilespmem:s22], [sflag:$0xA], $0x40, s17, s18, $0xb8;
	[tilespmem:$0x1B420] =	vst v63  }
0x1a3: {  	_ =	swait.ge [sflag:s30], $0x1400  }
0x1a4: {  	[sflag:s30] =	ssyncset.done $0x0  }
0x1a5: {  	s6 =	simm.s32 $0x0;
	[sflag:s30] =	ssyncadd.s32 $0xFFFFEC00  }
0x1a6: {  	v1 =	vld [tilespmem:s6+$0x9F10]  }
0x1a7: {  	v2 =	vld [tilespmem:s6+$0x10310]  }
0x1a8: {  	v3 =	vld [tilespmem:s6+$0x9E20]  }
0x1a9: {  	v4 =	vld [tilespmem:s6+$0x10220]  }
0x1aa: {  	v5 =	vld [tilespmem:s6+$0x9E30]  }
0x1ab: {  	v6 =	vld [tilespmem:s6+$0x10230]  }
0x1ac: {  	v7 =	vld [tilespmem:s6+$0x9E40]  }
0x1ad: {  	v8 =	vld [tilespmem:s6+$0x10240]  }
0x1ae: {  	v9 =	vld [tilespmem:s6+$0x9E50]  }
0x1af: {  	v10 =	vld [tilespmem:s6+$0x10250]  }
0x1b0: {  	v11 =	vld [tilespmem:s6+$0x9E60]  }
0x1b1: {  	v12 =	vld [tilespmem:s6+$0x10260]  }
0x1b2: {  	v13 =	vld [tilespmem:s6+$0x9E70]  }
0x1b3: {  	v14 =	vld [tilespmem:s6+$0x10270]  }
0x1b4: {  	v15 =	vld [tilespmem:s6+$0x9E80]  }
0x1b5: {  	v16 =	vld [tilespmem:s6+$0x10280]  }
0x1b6: {  	v17 =	vld [tilespmem:s6+$0x9E90]  }
0x1b7: {  	v61 =	vld [tilespmem:s6+$0x102C0];
	v1 =	vmul.f32 v2, v1  }
0x1b8: {  	v2 =	vld [tilespmem:s6+$0x10290];
	v3 =	vmul.f32 v4, v3  }
0x1b9: {  	v4 =	vld [tilespmem:s6+$0x9EA0];
	[tilespmem:s6+$0x9F10] =	vst v1;
	v1 =	vmul.f32 v6, v5  }
0x1ba: {  	v5 =	vld [tilespmem:s6+$0x102A0];
	[tilespmem:s6+$0x9E20] =	vst v3;
	v3 =	vmul.f32 v8, v7  }
0x1bb: {  	v6 =	vld [tilespmem:s6+$0x9EB0];
	[tilespmem:s6+$0x9E30] =	vst v1;
	v1 =	vmul.f32 v10, v9  }
0x1bc: {  	v7 =	vld [tilespmem:s6+$0x102B0];
	[tilespmem:s6+$0x9E40] =	vst v3;
	v3 =	vmul.f32 v12, v11  }
0x1bd: {  	v8 =	vld [tilespmem:s6+$0x9EC0];
	v2 =	vmul.f32 v2, v17;
	[tilespmem:s6+$0x9E50] =	vst v1  }
0x1be: {  	v62 =	vld [tilespmem:s6+$0x9ED0];
	v1 =	vmul.f32 v14, v13;
	[tilespmem:s6+$0x9E60] =	vst v3  }
0x1bf: {  	v63 =	vld [tilespmem:s6+$0x102D0];
	v3 =	vmul.f32 v16, v15;
	[tilespmem:s6+$0x9E90] =	vst v2  }
0x1c0: {  	v4 =	vmul.f32 v5, v4;
	[tilespmem:s6+$0x9E70] =	vst v1;
	v1 =	vld [tilespmem:s6+$0x9EE0]  }
0x1c1: {  	v5 =	vmul.f32 v7, v6;
	[tilespmem:s6+$0x9E80] =	vst v3;
	v3 =	vld [tilespmem:s6+$0x102E0]  }
0x1c2: {  	v6 =	vmul.f32 v61, v8;
	v2 =	vld [tilespmem:s6+$0x9EF0];
	[tilespmem:s6+$0x9EA0] =	vst v4  }
0x1c3: {  	[tilespmem:s6+$0x9EB0] =	vst v5;
	v4 =	vld [tilespmem:s6+$0x102F0]  }
0x1c4: {  	s8 =	simm.s32 $0x0;
	s11 =	simm.s32 $0x400;
	[tilespmem:s6+$0x9EC0] =	vst v6;
	v6 =	vmul.f32 v63, v62;
	v5 =	vld [tilespmem:s6+$0x9F00]  }
.LBB2_13:
0x1c5: {  	s12 =	sshra.s32 s11, $0x2;
	v7 =	vld [tilespmem:s6+$0x10300]  }
0x1c6: {  	s8 =	sadd.s32 $0x4, s8;
	v8 =	vld [tilespmem:s12+$0x9F10];
	[tilespmem:s6+$0x9ED0] =	vst v6;
	v1 =	vmul.f32 v3, v1  }
0x1c7: {  	p0 =	slt.u32 s8, $0x4C;
	v3 =	vld [tilespmem:s12+$0x10310]  }
0x1c8: {  	v6 =	vld [tilespmem:s12+$0x9E20];
	[tilespmem:s6+$0x9EE0] =	vst v1;
	v1 =	vmul.f32 v4, v2  }
0x1c9: {  	v2 =	vld [tilespmem:s12+$0x10220]  }
0x1ca: {  	v4 =	vld [tilespmem:s12+$0x9E30];
	[tilespmem:s6+$0x9EF0] =	vst v1;
	v1 =	vmul.f32 v7, v5  }
0x1cb: {  	v5 =	vld [tilespmem:s12+$0x10230]  }
0x1cc: {  	v7 =	vld [tilespmem:s12+$0x9E40];
	v3 =	vmul.f32 v3, v8;
	[tilespmem:s6+$0x9F00] =	vst v1;
	s6 =	smov.u32 s12  }
0x1cd: {  	v1 =	vld [tilespmem:s6+$0x10240]  }
0x1ce: {  	v2 =	vmul.f32 v2, v6;
	v6 =	vld [tilespmem:s6+$0x9E50];
	[tilespmem:s6+$0x9F10] =	vst v3  }
0x1cf: {  	v3 =	vld [tilespmem:s6+$0x10250]  }
0x1d0: {  	[tilespmem:s6+$0x9E20] =	vst v2;
	v2 =	vmul.f32 v5, v4;
	v4 =	vld [tilespmem:s6+$0x9E60]  }
0x1d1: {  	v5 =	vld [tilespmem:s6+$0x10260]  }
0x1d2: {  	[tilespmem:s6+$0x9E30] =	vst v2;
	v1 =	vmul.f32 v1, v7;
	v2 =	vld [tilespmem:s6+$0x9E70]  }
0x1d3: {  	v7 =	vld [tilespmem:s6+$0x10270]  }
0x1d4: {  	[tilespmem:s6+$0x9E40] =	vst v1;
	v1 =	vmul.f32 v3, v6;
	v3 =	vld [tilespmem:s6+$0x9E80]  }
0x1d5: {  	v6 =	vld [tilespmem:s6+$0x10280]  }
0x1d6: {  	[tilespmem:s6+$0x9E50] =	vst v1;
	v1 =	vmul.f32 v5, v4;
	v4 =	vld [tilespmem:s6+$0x9E90]  }
0x1d7: {  	v5 =	vld [tilespmem:s6+$0x10290]  }
0x1d8: {  	[tilespmem:s6+$0x9E60] =	vst v1;
	v1 =	vmul.f32 v7, v2;
	v2 =	vld [tilespmem:s6+$0x9EA0]  }
0x1d9: {  	v7 =	vld [tilespmem:s6+$0x102A0]  }
0x1da: {  	[tilespmem:s6+$0x9E70] =	vst v1;
	v1 =	vmul.f32 v6, v3;
	v3 =	vld [tilespmem:s6+$0x9EB0]  }
0x1db: {  	v6 =	vld [tilespmem:s6+$0x102B0]  }
0x1dc: {  	[tilespmem:s6+$0x9E80] =	vst v1;
	v1 =	vmul.f32 v5, v4;
	v4 =	vld [tilespmem:s6+$0x9EC0]  }
0x1dd: {  	v5 =	vld [tilespmem:s6+$0x102C0]  }
0x1de: {  	[tilespmem:s6+$0x9E90] =	vst v1;
	v1 =	vmul.f32 v7, v2;
	v7 =	vld [tilespmem:s6+$0x9ED0]  }
0x1df: {  	v8 =	vld [tilespmem:s6+$0x102D0]  }
.Ltmp5:
0x1e0: {  	[tilespmem:s6+$0x9EA0] =	vst v1;
	v2 =	vmul.f32 v6, v3;
	v1 =	vld [tilespmem:s6+$0x9EE0];
	(pc) =	sbr.rel @p0 .LBB2_13-.Ltmp5, $4  }
0x1e1: {  	v3 =	vld [tilespmem:s6+$0x102E0]  }
0x1e2: {  	[tilespmem:s6+$0x9EB0] =	vst v2;
	v5 =	vmul.f32 v5, v4;
	v2 =	vld [tilespmem:s6+$0x9EF0]  }
0x1e3: {  	v4 =	vld [tilespmem:s6+$0x102F0]  }
0x1e4: {  	s11 =	sadd.s32 $0x400, s11;
	[tilespmem:s6+$0x9EC0] =	vst v5;
	v6 =	vmul.f32 v8, v7;
	v5 =	vld [tilespmem:s6+$0x9F00]  }
0x1e5: {  	v7 =	vld [tilespmem:s6+$0x10300];
	_ =	sdelay $0x2  }
0x1e6: {  	v1 =	vmul.f32 v3, v1  }
0x1e7: {  	[tilespmem:s6+$0x9ED0] =	vst v6;
	v2 =	vmul.f32 v4, v2  }
0x1e8: {  	[tilespmem:s6+$0x9EE0] =	vst v1;
	v1 =	vmul.f32 v7, v5  }
0x1e9: {  	[tilespmem:s6+$0x9EF0] =	vst v2  }
0x1ea: {  	s17 =	sadd.s32 $0x2710, s9;
	[tilespmem:s6+$0x9F00] =	vst v1  }
0x1eb: {  	[spmem:s2] =	stream.indirect.scatter.add.f32 [tilespmem:s23], [sflag:$0xB], $0x40, s17, s18, $0xb8;
	[tilespmem:$0x1B420] =	vst v63  }
0x1ec: {  	_ =	swait.ge [sflag:s31], $0x1400  }
0x1ed: {  	[sflag:s31] =	ssyncset.done $0x0  }
0x1ee: {  	[sflag:s31] =	ssyncadd.s32 $0xFFFFEC00  }
0x1ef: {  	_ =	swait.ge [sflag:s0], $0x1400  }
0x1f0: {  	[sflag:s0] =	ssyncset.done $0x0  }
0x1f1: {  	[sflag:s0] =	ssyncadd.s32 $0xFFFFEC00  }
0x1f2: {  	_ =	swait.ge [sflag:s14], $0x1400  }
0x1f3: {  	[sflag:s14] =	ssyncset.done $0x0  }
0x1f4: {  	s7 =	sadd.s32 $0x1, s7;
	[sflag:s14] =	ssyncadd.s32 $0xFFFFEC00  }
0x1f5: {  	p0 =	sne.s32 s7, $0x19;
	_ =	swait.ge [sflag:s1], $0x1400  }
.Ltmp6:
0x1f6: {  	[sflag:s1] =	ssyncset.done $0x0;
	(pc) =	sbr.rel @p0 .LBB2_4-.Ltmp6, $4  }
0x1f7: {  	[sflag:s1] =	ssyncadd.s32 $0xFFFFEC00  }
0x1f8: {  	_ =	swait.ge [sflag:s3], $0x1400  }
0x1f9: {  	[sflag:s3] =	ssyncset.done $0x0  }
0x1fa: {  	[sflag:s3] =	ssyncadd.s32 $0xFFFFEC00  }
0x1fb: {  	s6 =	stileid.u32;
	[bflag:$0x0] =	sbarrier.arrive $0xFFFF  }
0x1fc: {  	s6 =	sshll.u32 s6, $0x6;
	s8 =	rddreg [dreg:$0x7]  }
0x1fd: {  	s9 =	rddreg [dreg:$0x9];
	s6 =	sor.u32 $0x1C0C, s6;
	s7 =	sshrl.u32 s8, $0x3  }
0x1fe: {  	[hbm:s9], [sflag:s6] =	dma.local [spmem:s7], $0x13C0  }
0x1ff: {  	s9 =	simm.s32 $0xC  }
0x200: {  	_ =	swait.ge [sflag:s9], $0x13C0  }
0x201: {  	s16 =	rddreg [dreg:$0xb]  }
0x202: {  	s17 =	rddreg [dreg:$0xa];
	s7 =	sadd.s32 $0x1, s16  }
0x203: {  	p0 =	sne.s32 s7, s17  }
.Ltmp7:
0x204: {  	_ = 	snop;
	(pc) =	sbr.rel @p0 .LBB2_1-.Ltmp7, $3  }
0x205: {  	_ =	sdelay $0x1  }
0x206: {  	[sflag:s9] =	ssyncset.done $0x0  }
0x207: {  	[sflag:s9] =	ssyncadd.s32 $0xFFFFEC40  }
0x208: {  	_ =	sfence.sel $0x180000  }
0x209: {  	[bflag:$0x0] =	sbarrier.arrive $0xFFFF  }
0x20a: {  	_ =	strace $0x9000004A  }
0x20b: {  	s0 =	stileid.u32;
	[bflag:$0x2] =	sbarrier.arrive $0xFFFF  }
0x20c: {  	p0 =	sne.s32 s0, $0x0;
	s0 =	rddreg [dreg:$0x4]  }
0x20d: {  	s0 =	sadd.s32 @!p0 $0x100000, s0  }
0x20e: {  	[sflag:s0] =	ssyncadd.tile.s32 @!p0 $0x1;
	_ =	shalt  }
.Lfunc_end2:
_tile_overlayer_lowered:
.L_overlay_start_2:
0x20f: {  	(tag) =	ssettag $0x2  }
0x210: {  	s0 =	rddreg [dreg:$0x0];
	s2 =	stileid.u32  }
0x211: {  	s1 =	rddreg [dreg:$0x1];
	p0 =	sne.s32 s2, $0x0  }
0x212: {  	s3 =	rddreg [dreg:$0x2];
	[bflag:$0x3] =	sbarrier.arrive $0xFFFF;
	s2 =	simm.s32 @!p0 $0x1C0C  }
0x213: {  	[timem:s3], [sflag:s2] =	dma.local @!p0 [hbm:s0], s1  }
0x214: {  	s0 =	simm.s32 @!p0 $0xC  }
0x215: {  	_ =	swait.ge @!p0 [sflag:s0], s1  }
0x216: {  	s1 =	ssub.s32 @!p0 $0x0, s1;
	[sflag:s0] =	ssyncset.done @!p0 $0x0  }
0x217: {  	[sflag:s0] =	ssyncadd.s32 @!p0 s1  }
0x218: {  	[bflag:$0x3] =	sbarrier.arrive $0xFFFF  }
0x219: {  	_ =	shalt  }

// kernel: kernel.8.cloned.1.call-start
scs
__scs_entry_jumppad:
0x0: {  	(pc) =	sbr.rel $0x88, $3  }
0x1: {  	(tag) =	ssettag $0x0;
	lr =	simm.s32 $0x1  }
0x2: {  	[smem:$0x3F8F] =	sst lr;
	_ =	strace $0xD0000000  }
0x3: {  	_ = 	snop  }
0x4: {  	_ = 	snop  }
0x5: {  	_ = 	snop  }
0x6: {  	_ = 	snop  }
0x7: {  	_ = 	snop  }
__scs_overlays_trampoline_lowered:
0x8: {  	[smem:$0x3F9E] =	sst s0  }
0x9: {  	[smem:$0x3F9F] =	sst s1  }
0xa: {  	[smem:$0x3FA0] =	sst s2  }
0xb: {  	[smem:$0x3FA1] =	sst s3  }
0xc: {  	[smem:$0x3FA2] =	sst s4  }
0xd: {  	[smem:$0x3FA3] =	sst s5  }
0xe: {  	[smem:$0x3FA4] =	sst s6  }
0xf: {  	[smem:$0x3FA5] =	sst s7  }
0x10: {  	[smem:$0x3FA6] =	sst s8  }
0x11: {  	[smem:$0x3FA7] =	sst s9;
	s0 =	simm.s32 @!p0 $0x0  }
0x12: {  	s1 =	sld [smem:$0x3F8D];
	s0 =	simm.s32 @p0 $0x1  }
0x13: {  	[smem:$0x3FA8] =	sst s0;
	s0 =	simm.s32 @!p1 $0x0  }
0x14: {  	s2 =	sld [smem:$0x3F8C];
	s0 =	simm.s32 @p1 $0x1  }
0x15: {  	[smem:$0x3FA9] =	sst s0;
	s0 =	simm.s32 @!p2 $0x0  }
0x16: {  	s3 =	sld [smem:$0x3FDB];
	s0 =	simm.s32 @p2 $0x1  }
0x17: {  	s4 =	simm.s32 $0x1BF5;
	[smem:$0x3FAB] =	sst s0  }
0x18: {  	s0 =	sld [smem:$0x3F8E];
	_ =	swait.ge [sflag:s4], $0x0  }
0x19: {  	s7 =	sld [smem:$0x3F8F]  }
0x1a: {  	s8 =	sadd.s32 $0xFFFFE003, lr  }
0x1b: {  	s9 =	sadd.s32 $0xFFFFFEF7, lr;
	s5 =	simm.s32 $0xFFFFFFFF;
	p2 =	slt.u32 s8, $0xFFFFF086  }
0x1c: {  	p1 =	slt.u32 s9, $0xF7A;
	s5 =	simm.s32 @!p2 $0x0  }
0x1d: {  	s5 =	simm.s32 @p1 $0x1;
	p0 =	seq.s32 s7, s2  }
0x1e: {  	s7 =	smul.u32 @!p0 $0xF7A, s2;
	p2 =	seq.s32 @!p0 s5, $0x0  }
0x1f: {  	s9 =	smul.u32 $0xF7A, s1;
	s8 =	simm.s32 @!p0 $0x1BF5;
	p2 =	por !p2, p0  }
0x20: {  	[sflag:s8] =	ssyncset.s32 @!p0 $0xFFFFF086;
	s6 =	sadd.s32 @!p0 s3, s7;
	s7 =	simm.s32 @!p0 $0x108  }
0x21: {  	s3 =	sadd.s32 s3, s9;
	s6 =	sadd.s32 @!p0 $0x88, s6;
	s7 =	simm.s32 @p2 $0x1082  }
0x22: {  	[simem:s7], [sflag:s8] =	dma.local @!p0 [hbm:s6], $0xF7A  }
0x23: {  	s9 =	sor.u32 $0xD0000000, s2;
	s6 =	simm.s32 $0x108;
	_ =	swait.ge @!p0 [sflag:s8], $0x0  }
0x24: {  	s3 =	sadd.s32 $0x88, s3;
	s6 =	simm.s32 @!p1 $0x1082;
	[sflag:s4] =	ssyncset.s32 $0xFFFFF086  }
0x25: {  	[simem:s6], [sflag:s4] =	dma.local [hbm:s3], $0xF7A  }
0x26: {  	[smem:$0x3F8F] =	sst s1;
	(tag) =	ssettag s2;
	_ =	strace s9  }
0x27: {  	s1 =	sld [smem:$0x3F9F]  }
0x28: {  	s2 =	sld [smem:$0x3FA0]  }
0x29: {  	s4 =	sld [smem:$0x3FA2]  }
0x2a: {  	p0 =	seq.s32 s5, $0x0;
	s5 =	sld [smem:$0x3FA3]  }
0x2b: {  	s6 =	sld [smem:$0x3FA4]  }
0x2c: {  	s7 =	sld [smem:$0x3FA5]  }
0x2d: {  	s3 =	simm.s32 $0x108;
	s8 =	sld [smem:$0x3FA6]  }
0x2e: {  	s3 =	simm.s32 @!p0 $0x1082;
	s9 =	sld [smem:$0x3FA7]  }
0x2f: {  	lr =	sadd.s32 s0, s3;
	s0 =	sld [smem:$0x3F9E]  }
0x30: {  	s3 =	sld [smem:$0x3FA1]  }
0x31: {  	[smem:$0x3FAA] =	sst s10  }
0x32: {  	s10 =	sld [smem:$0x3FA8];
	_ =	sdelay $0x3  }
0x33: {  	p0 =	seq.s32 s10, $0x1;
	s10 =	sld [smem:$0x3FAA];
	_ =	sdelay $0x3  }
0x34: {  	[smem:$0x3FAA] =	sst s10  }
0x35: {  	s10 =	sld [smem:$0x3FA9];
	_ =	sdelay $0x3  }
0x36: {  	p1 =	seq.s32 s10, $0x1;
	s10 =	sld [smem:$0x3FAA];
	_ =	sdelay $0x3  }
0x37: {  	[smem:$0x3FAA] =	sst s10  }
0x38: {  	s10 =	sld [smem:$0x3FAB]  }
0x39: {  	_ = 	snop;
	(pc) =	sbr.ind lr, $3  }
0x3a: {  	_ = 	snop  }
0x3b: {  	_ = 	snop  }
0x3c: {  	p2 =	seq.s32 s10, $0x1;
	s10 =	sld [smem:$0x3FAA]  }
0x3d: {  	_ =	shalt  }
0x3e: {  	_ =	shalt  }
0x3f: {  	_ =	shalt  }
0x40: {  	_ =	shalt  }
0x41: {  	_ =	shalt  }
0x42: {  	_ =	shalt  }
0x43: {  	_ =	shalt  }
0x44: {  	_ =	shalt  }
0x45: {  	_ =	shalt  }
0x46: {  	_ =	shalt  }
0x47: {  	_ =	shalt  }
0x48: {  	_ =	shalt  }
0x49: {  	_ =	shalt  }
0x4a: {  	_ =	shalt  }
0x4b: {  	_ =	shalt  }
0x4c: {  	_ =	shalt  }
0x4d: {  	_ =	shalt  }
0x4e: {  	_ =	shalt  }
0x4f: {  	_ =	shalt  }
0x50: {  	_ =	shalt  }
0x51: {  	_ =	shalt  }
0x52: {  	_ =	shalt  }
0x53: {  	_ =	shalt  }
0x54: {  	_ =	shalt  }
0x55: {  	_ =	shalt  }
0x56: {  	_ =	shalt  }
0x57: {  	_ =	shalt  }
0x58: {  	_ =	shalt  }
0x59: {  	_ =	shalt  }
0x5a: {  	_ =	shalt  }
0x5b: {  	_ =	shalt  }
0x5c: {  	_ =	shalt  }
0x5d: {  	_ =	shalt  }
0x5e: {  	_ =	shalt  }
0x5f: {  	_ =	shalt  }
0x60: {  	_ =	shalt  }
0x61: {  	_ =	shalt  }
0x62: {  	_ =	shalt  }
0x63: {  	_ =	shalt  }
0x64: {  	_ =	shalt  }
0x65: {  	_ =	shalt  }
0x66: {  	_ =	shalt  }
0x67: {  	_ =	shalt  }
0x68: {  	_ =	shalt  }
0x69: {  	_ =	shalt  }
0x6a: {  	_ =	shalt  }
0x6b: {  	_ =	shalt  }
0x6c: {  	_ =	shalt  }
0x6d: {  	_ =	shalt  }
0x6e: {  	_ =	shalt  }
0x6f: {  	_ =	shalt  }
0x70: {  	_ =	shalt  }
0x71: {  	_ =	shalt  }
0x72: {  	_ =	shalt  }
0x73: {  	_ =	shalt  }
0x74: {  	_ =	shalt  }
0x75: {  	_ =	shalt  }
0x76: {  	_ =	shalt  }
0x77: {  	_ =	shalt  }
0x78: {  	_ =	shalt  }
0x79: {  	_ =	shalt  }
0x7a: {  	_ =	shalt  }
0x7b: {  	_ =	shalt  }
0x7c: {  	_ =	shalt  }
0x7d: {  	_ =	shalt  }
0x7e: {  	_ =	shalt  }
0x7f: {  	_ =	shalt  }
0x80: {  	_ =	shalt  }
0x81: {  	_ =	shalt  }
0x82: {  	_ =	shalt  }
0x83: {  	_ =	shalt  }
0x84: {  	_ =	shalt  }
0x85: {  	_ =	shalt  }
0x86: {  	_ =	shalt  }
0x87: {  	_ =	shalt  }
.Lfunc_end0:
.L_simem_size_0:
called_computation_lowered:
.L_overlay_start_0:
0x88: {  	s2 =	sld [smem:$0x3FD9]  }
0x89: {  	s3 =	sld [smem:$0x3FFE];
	_ =	sdelay $0x1  }
0x8a: {  	s1 =	srdreg.scid  }
0x8b: {  	s0 =	sand.u32 $0x1, s1  }
0x8c: {  	s17 =	sshll.u32 s0, $0xA;
	s2 =	sadd.s32 s3, s2  }
0x8d: {  	s2 =	sadd.s32 s2, s17  }
0x8e: {  	[smem:$0x3FB6] =	sst s2  }
0x8f: {  	_ = 	snop  }
0x90: {  	s2 =	sld [smem:$0x3FC7]  }
0x91: {  	s18 =	sld [smem:$0x3FC6];
	(tm) =	ssettm $0x1  }
0x92: {  	s4 =	sld [smem:$0x3FFB];
	_ =	sdelay $0x3  }
0x93: {  	_ =	strace s4  }
0x94: {  	s4 =	sld [smem:$0x3FFC];
	_ =	sdelay $0x3  }
0x95: {  	_ =	strace s4  }
0x96: {  	s4 =	sld [smem:$0x3FFD];
	_ =	sdelay $0x3  }
0x97: {  	_ =	strace s4  }
0x98: {  	_ =	strace $0x8FFFFFFF  }
0x99: {  	s19 =	sld [smem:$0x3FDB];
	_ =	sdelay $0x1  }
0x9a: {  	s5 =	simm.s32 $_scs_section_size  }
0x9b: {  	s6 =	simm.s32 $_size__tile_overlayer_lowered;
	s7 =	simm.s32 $_tile_overlayer_lowered  }
0x9c: {  	s22 =	simm.s32 $0x1BFF;
	s21 =	sshll.u32 s7, $0x1;
	s4 =	sadd.s32 s5, s19  }
0x9d: {  	s8 =	simm.s32 $0x0;
	s20 =	sshll.u32 s6, $0x1;
	s6 =	sadd.s32 s21, s4  }
0x9e: {  	[timem:s8], [sflag:s22] =	dma.local [hbm:s6], s20  }
0x9f: {  	_ =	swait.ge [sflag:s22], s20  }
0xa0: {  	s5 =	ssub.s32 $0x0, s20;
	[sflag:s22] =	ssyncset.done $0x0  }
0xa1: {  	[sflag:s22] =	ssyncadd.s32 s5;
	_ =	sdelay $0x1  }
0xa2: {  	s23 =	simm.s32 $0x1B8B  }
0xa3: {  	_ =	swait.ge [sflag:s23], $0x1  }
0xa4: {  	[sflag:s23] =	ssyncset.done $0x0  }
0xa5: {  	s25 =	simm.s32 $0x1B8E;
	s24 =	sld [smem:$0x3FFE];
	[sflag:s23] =	ssyncadd.s32 $0xFFFFFFFF  }
0xa6: {  	s26 =	simm.s32 $execute0_lowered;
	[smem:$0x3FD2] =	sst s25  }
0xa7: {  	s6 =	sshll.u32 s26, $0x1;
	_ =	strace $0x80000046;
	[dreg:$0x1] =	wrdreg $0xFFFFFFFF  }
0xa8: {  	s28 =	simm.s32 $_size_execute0_lowered;
	s4 =	sadd.s32 s4, s6;
	[dreg:$0x0] =	wrdreg $0x0  }
0xa9: {  	s6 =	sshll.u32 s28, $0x1;
	[dreg:$0x2] =	wrdreg s4  }
0xaa: {  	[dreg:$0x3] =	wrdreg s6  }
0xab: {  	[dreg:$0x4] =	wrdreg $0xC0  }
0xac: {  	_ =	task [dreg:s8], $0x5FFFF  }
0xad: {  	[dreg:$0x1] =	wrdreg $0xFFFFFFFF  }
0xae: {  	[dreg:$0x0] =	wrdreg $0x60  }
0xaf: {  	[dreg:$0x2] =	wrdreg s24  }
0xb0: {  	[dreg:$0x3] =	wrdreg s2  }
0xb1: {  	[dreg:$0x4] =	wrdreg s18  }
0xb2: {  	[dreg:$0x5] =	wrdreg $0x80200  }
0xb3: {  	[dreg:$0x6] =	wrdreg $0x9  }
0xb4: {  	_ =	task.clear_ibuf [dreg:s8], $0x7FFFF;
	_ =	strace $0x90000046  }
0xb5: {  	s29 =	simm.s32 $0x9;
	_ =	strace $0x80000048  }
0xb6: {  	_ =	swait.ge [sflag:s29], $0x1  }
0xb7: {  	[sflag:s29] =	ssyncadd.s32 $0xFFFFFFFF  }
0xb8: {  	_ =	strace $0x90000048  }
0xb9: {  	_ =	sfence  }
0xba: {  	s30 =	sld [smem:$0x0];
	_ =	sdelay $0x2  }
0xbb: {  	s31 =	sshll.u32 s1, $0xD;
	s1 =	sshrl.u32 s1, $0x2  }
0xbc: {  	s3 =	sand.u32 $0x4000, s31;
	s1 =	sadd.s32 s1, s30  }
0xbd: {  	s0 =	sor.u32 s3, s0;
	s1 =	sshll.u32 s1, $0x11  }
0xbe: {  	s0 =	sor.u32 s1, s0  }
0xbf: {  	s0 =	sadd.s32 $0x8F2B, s0  }
0xc0: {  	[sflag:s0] =	ssyncadd.remote.s32 $0x1  }
0xc1: {  	_ =	sfence.sel $0xFFFF  }
0xc2: {  	[dreg:$0x0] =	wrdreg $0xFFFFFFFF;
	(pc) =	sbr.abs _section_cstart, $3  }
0xc3: {  	[dreg:$0x1] =	wrdreg $0xFFFFFFFF  }
0xc4: {  	_ =	task.clear_ibuf [dreg:s8], $0x2FFFF;
	_ =	strace $0x9FFFFFFF  }
0xc5: {  	(tm) =	ssettm $0x7FFFFFFF  }
tec
execute0_lowered:
.L_overlay_start_1:
0x0: {  	(tag) =	ssettag $0x1  }
0x1: {  	s0 =	rddreg [dreg:$0x0]  }
0x2: {  	s1 =	rddreg [dreg:$0x1]  }
0x3: {  	s3 =	rddreg [dreg:$0x2]  }
0x4: {  	s2 =	rddreg [dreg:$0x3];
	s4 =	srdreg.scid  }
0x5: {  	s9 =	stileid.u32;
	s5 =	simm.s32 $0x0;
	s18 =	simm.s32 $0x50  }
0x6: {  	s19 =	simm.s32 $0x4E20;
	s20 =	simm.s32 $0x5320;
	s21 =	simm.s32 $0x5820  }
0x7: {  	s22 =	simm.s32 $0x5D20;
	s28 =	simm.s32 $0x3;
	s29 =	simm.s32 $0x4  }
0x8: {  	s30 =	simm.s32 $0x5;
	s31 =	simm.s32 $0x7;
	s14 =	simm.s32 $0x9  }
0x9: {  	s7 =	sand.u32 $0x1, s4;
	s6 =	smul.u32 $0x4F0, s9;
	[smem:$0x7FF] =	sst s5  }
0xa: {  	s5 =	sadd.s32 $0x51A00, s0;
	s4 =	sshll.u32 s7, $0x4;
	s8 =	smul.u32 $0x4F00, s7  }
0xb: {  	s7 =	ssub.s32 $0x2, s7;
	s4 =	sor.u32 s9, s4;
	s9 =	smul.u32 $0x9E00, s9  }
0xc: {  	_ =	strace $0x80000047;
	s23 =	sshrl.u32 s7, $0x1;
	s4 =	smul.u32 $0x2710, s4  }
0xd: {  	s8 =	sadd.s32 s6, s8;
	s6 =	sadd.s32 $0x56A00, s0;
	s7 =	ssub.s32 s7, s23  }
0xe: {  	s23 =	simm.s32 $0x6220;
	s0 =	sadd.s32 s8, s0;
	s26 =	smax.u32 s7, $0x1  }
0xf: {  	s9 =	sshrl.u32 s9, $0x2;
	s0 =	sadd.s32 $0x538A00, s0;
	[dreg:$0xa] =	wrdreg s26  }
0x10: {  	s10 =	sshrl.u32 s4, $0x3;
	s9 =	sadd.s32 s9, s2;
	[dreg:$0x9] =	wrdreg s0  }
0x11: {  	s8 =	simm.s32 $0x0;
	s1 =	sadd.s32 s1, s10;
	[dreg:$0x6] =	wrdreg s9  }
0x12: {  	s26 =	simm.s32 $0x2;
	s24 =	sadd.s32 s3, s10;
	[dreg:$0x5] =	wrdreg s1  }
0x13: {  	s25 =	sadd.s32 $0x1900, s9;
	s10 =	simm.s32 $0xC;
	[dreg:$0x7] =	wrdreg s24  }
0x14: {  	s0 =	simm.s32 $0x8;
	s3 =	simm.s32 $0xB;
	[dreg:$0x8] =	wrdreg s25  }
0x15: {  	v0 =	vimm.f32 $0.0e+00;
	s24 =	simm.s32 $0x6;
	s25 =	simm.s32 $0x1;
	s1 =	simm.s32 $0xA  }
.LBB2_1:
0x16: {  	[dreg:$0xb] =	wrdreg s8  }
0x17: {  	s7 =	simm.s32 $0x0;
	s16 =	rddreg [dreg:$0x5]  }
0x18: {  	[tilespmem:s7], [sflag:$0xC] =	stream.linear.gather [hbm4b:s16+s7], $0x2710, $0x38;
	[tilespmem:$0xA7A0] =	vst v63  }
0x19: {  	_ =	swait.ge [sflag:s10], $0x2710  }
0x1a: {  	[sflag:s10] =	ssyncset.done $0x0  }
0x1b: {  	s11 =	simm.s32 $0x2710;
	s17 =	rddreg [dreg:$0x7];
	[sflag:s10] =	ssyncadd.s32 $0xFFFFD8F0  }
0x1c: {  	[tilespmem:s11], [sflag:$0xC] =	stream.linear.gather [hbm4b:s17+s7], $0x2710, $0x38;
	[tilespmem:$0xA7A0] =	vst v63  }
0x1d: {  	_ =	swait.ge [sflag:s10], $0x2710  }
0x1e: {  	[sflag:s10] =	ssyncset.done $0x0  }
0x1f: {  	s7 =	simm.s32 $0x6760;
	[sflag:s10] =	ssyncadd.s32 $0xFFFFD8F0  }
0x20: {  	[tilespmem:s7+$0xFFFFFFC0] =	vst v0  }
0x21: {  	[tilespmem:s7+$0x30] =	vst v0  }
0x22: {  	[tilespmem:s7+$0x20] =	vst v0  }
0x23: {  	[tilespmem:s7+$0x10] =	vst v0  }
0x24: {  	[tilespmem:s7+$0x0] =	vst v0  }
0x25: {  	[tilespmem:s7+$0xFFFFFFF0] =	vst v0  }
0x26: {  	s8 =	simm.s32 $0x0;
	[tilespmem:s7+$0xFFFFFFE0] =	vst v0  }
.LBB2_2:
0x27: {  	s8 =	sadd.s32 $0x8, s8;
	[tilespmem:s7+$0xFFFFFFD0] =	vst v0;
	s7 =	sadd.s32 $0x80, s7  }
0x28: {  	[tilespmem:s7+$0xFFFFFFC0] =	vst v0;
	p0 =	slt.u32 s8, $0x188  }
0x29: {  	[tilespmem:s7+$0x30] =	vst v0  }
.Ltmp0:
0x2a: {  	[tilespmem:s7+$0x20] =	vst v0;
	(pc) =	sbr.rel @p0 .LBB2_2-.Ltmp0, $4  }
0x2b: {  	[tilespmem:s7+$0x10] =	vst v0  }
0x2c: {  	[tilespmem:s7+$0x0] =	vst v0  }
0x2d: {  	[tilespmem:s7+$0xFFFFFFF0] =	vst v0  }
0x2e: {  	[tilespmem:s7+$0xFFFFFFE0] =	vst v0  }
0x2f: {  	[tilespmem:s7+$0xFFFFFFD0] =	vst v0;
	s8 =	simm.s32 $0x6720  }
0x30: {  	[spmem:s9] =	stream.linear.scatter [tilespmem:s8], [sflag:$0xC], $0x1900, $0x38;
	[tilespmem:$0xA7A0] =	vst v63  }
0x31: {  	_ =	swait.ge [sflag:s10], $0x1900  }
0x32: {  	[sflag:s10] =	ssyncset.done $0x0  }
0x33: {  	s17 =	rddreg [dreg:$0x8];
	[sflag:s10] =	ssyncadd.s32 $0xFFFFE700  }
0x34: {  	[spmem:s17] =	stream.linear.scatter [tilespmem:s8], [sflag:$0xC], $0xE80, $0x38;
	[tilespmem:$0xA7A0] =	vst v63  }
0x35: {  	_ =	swait.ge [sflag:s10], $0xE80  }
0x36: {  	[sflag:s10] =	ssyncset.done $0x0  }
0x37: {  	[sflag:s10] =	ssyncadd.s32 $0xFFFFF180  }
0x38: {  	s9 =	simm.s32 $0x0;
	[bflag:$0x0] =	sbarrier.arrive $0xFFFF  }
.LBB2_4:
0x39: {  	s7 =	smul.u32 $0x190, s9;
	_ =	sdelay $0x1  }
0x3a: {  	s8 =	sadd.s32 s4, s7  }
0x3b: {  	s10 =	simm.s32 $0x6720;
	s8 =	sshll.u32 s8, $0x4  }
0x3c: {  	s11 =	simm.s32 $0x10;
	s12 =	simm.s32 $0x80;
	s8 =	sadd.s32 s6, s8  }
0x3d: {  	[tilespmem:s10], [sflag:$0x6] =	stream.strided.gather [hbm4b:s8+s11], $0x1900, s12, s11, $0x38;
	[tilespmem:$0xA7A0] =	vst v63  }
0x3e: {  	_ = 	snop  }
0x3f: {  	[tilespmem:s19], [sflag:$0x1] =	stream.indirect.gather [hbm4b:s5+s18], $0x10, s7, s18, $0xb8;
	[tilespmem:$0xA7A0] =	vst v63  }
0x40: {  	s8 =	sadd.s32 $0x50, s7  }
0x41: {  	[tilespmem:s20], [sflag:$0x2] =	stream.indirect.gather [hbm4b:s5+s18], $0x10, s8, s18, $0xb8;
	[tilespmem:$0xA7A0] =	vst v63  }
0x42: {  	s12 =	sadd.s32 $0xA0, s7  }
0x43: {  	[tilespmem:s21], [sflag:$0x3] =	stream.indirect.gather [hbm4b:s5+s18], $0x10, s12, s18, $0xb8;
	[tilespmem:$0xA7A0] =	vst v63  }
0x44: {  	s11 =	sadd.s32 $0xF0, s7  }
0x45: {  	[tilespmem:s22], [sflag:$0x4] =	stream.indirect.gather [hbm4b:s5+s18], $0x10, s11, s18, $0xb8;
	[tilespmem:$0xA7A0] =	vst v63  }
0x46: {  	s10 =	sadd.s32 $0x140, s7  }
0x47: {  	[tilespmem:s23], [sflag:$0x5] =	stream.indirect.gather [hbm4b:s5+s18], $0x10, s10, s18, $0xb8;
	[tilespmem:$0xA7A0] =	vst v63  }
0x48: {  	_ =	swait.ge [sflag:s24], $0x1900  }
0x49: {  	[sflag:s24] =	ssyncset.done $0x0  }
0x4a: {  	[sflag:s24] =	ssyncadd.s32 $0xFFFFE700  }
0x4b: {  	_ =	swait.ge [sflag:s25], $0x500  }
0x4c: {  	[sflag:s25] =	ssyncset.done $0x0  }
0x4d: {  	s13 =	simm.s32 $0x4E40;
	[sflag:s25] =	ssyncadd.s32 $0xFFFFFB00  }
0x4e: {  	s16 =	simm.s32 $0x6740;
	v6 =	vld [tilespmem:s13+$0x10]  }
0x4f: {  	v7 =	vld [tilespmem:s16+$0x10]  }
0x50: {  	v3 =	vld [tilespmem:s16+$0xFFFFFFE0]  }
0x51: {  	v1 =	vld [tilespmem:s13+$0xFFFFFFF0]  }
0x52: {  	v5 =	vld [tilespmem:s16+$0xFFFFFFF0]  }
0x53: {  	v2 =	vld [tilespmem:s13+$0x0]  }
0x54: {  	v4 =	vld [tilespmem:s16+$0x0];
	v7 =	vmul.f32 v7, v6  }
0x55: {  	s17 =	simm.s32 $0x0;
	s15 =	simm.s32 $0x4E80;
	v6 =	vld [tilespmem:s13+$0xFFFFFFE0]  }
.LBB2_5:
0x56: {  	v8 =	vld [tilespmem:s15+$0x10];
	[tilespmem:s13+$0x10] =	vst v7;
	s16 =	sadd.s32 $0x40, s16  }
0x57: {  	s17 =	sadd.s32 $0x4, s17;
	v7 =	vld [tilespmem:s16+$0x10];
	v5 =	vmul.f32 v5, v1  }
0x58: {  	p0 =	slt.u32 s17, $0x4C;
	v9 =	vld [tilespmem:s16+$0xFFFFFFE0]  }
.Ltmp1:
0x59: {  	v1 =	vld [tilespmem:s15+$0xFFFFFFF0];
	[tilespmem:s13+$0xFFFFFFF0] =	vst v5;
	v4 =	vmul.f32 v4, v2;
	(pc) =	sbr.rel @p0 .LBB2_5-.Ltmp1, $4  }
0x5a: {  	v5 =	vld [tilespmem:s16+$0xFFFFFFF0];
	v10 =	vmul.f32 v3, v6  }
0x5b: {  	v2 =	vld [tilespmem:s15+$0x0];
	[tilespmem:s13+$0x0] =	vst v4  }
0x5c: {  	v4 =	vld [tilespmem:s16+$0x0];
	v7 =	vmul.f32 v7, v8;
	[tilespmem:s13+$0xFFFFFFE0] =	vst v10;
	s13 =	smov.u32 s15  }
0x5d: {  	s15 =	sadd.s32 $0x40, s15;
	v6 =	vld [tilespmem:s13+$0xFFFFFFE0];
	v3 =	vmov v9  }
0x5e: {  	_ =	sdelay $0x1  }
0x5f: {  	v1 =	vmul.f32 v5, v1  }
0x60: {  	[tilespmem:s13+$0x10] =	vst v7;
	v2 =	vmul.f32 v4, v2  }
0x61: {  	[tilespmem:s13+$0xFFFFFFF0] =	vst v1;
	v1 =	vmul.f32 v3, v6  }
0x62: {  	[tilespmem:s13+$0x0] =	vst v2  }
0x63: {  	s7 =	sadd.s32 $0x2710, s7;
	[tilespmem:s13+$0xFFFFFFE0] =	vst v1  }
0x64: {  	[spmem:s2] =	stream.indirect.scatter.add.f32 [tilespmem:s19], [sflag:$0x7], $0x10, s7, s18, $0xb8;
	[tilespmem:$0xA7A0] =	vst v63  }
0x65: {  	_ =	swait.ge [sflag:s26], $0x500  }
0x66: {  	[sflag:s26] =	ssyncset.done $0x0  }
0x67: {  	s7 =	simm.s32 $0x5350;
	[sflag:s26] =	ssyncadd.s32 $0xFFFFFB00  }
0x68: {  	s13 =	simm.s32 $0x6C50;
	v6 =	vld [tilespmem:s7+$0x0]  }
0x69: {  	v7 =	vld [tilespmem:s13+$0x0]  }
0x6a: {  	v3 =	vld [tilespmem:s13+$0xFFFFFFD0]  }
0x6b: {  	v1 =	vld [tilespmem:s7+$0xFFFFFFE0]  }
0x6c: {  	v5 =	vld [tilespmem:s13+$0xFFFFFFE0]  }
0x6d: {  	v2 =	vld [tilespmem:s7+$0xFFFFFFF0]  }
0x6e: {  	v4 =	vld [tilespmem:s13+$0xFFFFFFF0];
	v7 =	vmul.f32 v7, v6  }
0x6f: {  	s16 =	simm.s32 $0x0;
	s15 =	simm.s32 $0x5390;
	v6 =	vld [tilespmem:s7+$0xFFFFFFD0]  }
.LBB2_7:
0x70: {  	v8 =	vld [tilespmem:s15+$0x0];
	[tilespmem:s7+$0x0] =	vst v7;
	s13 =	sadd.s32 $0x40, s13  }
0x71: {  	s16 =	sadd.s32 $0x4, s16;
	v7 =	vld [tilespmem:s13+$0x0];
	v5 =	vmul.f32 v5, v1  }
0x72: {  	p0 =	slt.u32 s16, $0x4C;
	v9 =	vld [tilespmem:s13+$0xFFFFFFD0]  }
.Ltmp2:
0x73: {  	v1 =	vld [tilespmem:s15+$0xFFFFFFE0];
	[tilespmem:s7+$0xFFFFFFE0] =	vst v5;
	v4 =	vmul.f32 v4, v2;
	(pc) =	sbr.rel @p0 .LBB2_7-.Ltmp2, $4  }
0x74: {  	v5 =	vld [tilespmem:s13+$0xFFFFFFE0];
	v10 =	vmul.f32 v3, v6  }
0x75: {  	v2 =	vld [tilespmem:s15+$0xFFFFFFF0];
	[tilespmem:s7+$0xFFFFFFF0] =	vst v4  }
0x76: {  	v4 =	vld [tilespmem:s13+$0xFFFFFFF0];
	v7 =	vmul.f32 v7, v8;
	[tilespmem:s7+$0xFFFFFFD0] =	vst v10;
	s7 =	smov.u32 s15  }
0x77: {  	s15 =	sadd.s32 $0x40, s15;
	v6 =	vld [tilespmem:s7+$0xFFFFFFD0];
	v3 =	vmov v9  }
0x78: {  	_ =	sdelay $0x1  }
0x79: {  	v1 =	vmul.f32 v5, v1  }
0x7a: {  	[tilespmem:s7+$0x0] =	vst v7;
	v2 =	vmul.f32 v4, v2  }
0x7b: {  	[tilespmem:s7+$0xFFFFFFE0] =	vst v1;
	v1 =	vmul.f32 v3, v6  }
0x7c: {  	[tilespmem:s7+$0xFFFFFFF0] =	vst v2  }
0x7d: {  	s17 =	sadd.s32 $0x2710, s8;
	[tilespmem:s7+$0xFFFFFFD0] =	vst v1  }
0x7e: {  	[spmem:s2] =	stream.indirect.scatter.add.f32 [tilespmem:s20], [sflag:$0x8], $0x10, s17, s18, $0xb8;
	[tilespmem:$0xA7A0] =	vst v63  }
0x7f: {  	_ =	swait.ge [sflag:s28], $0x500  }
0x80: {  	[sflag:s28] =	ssyncset.done $0x0  }
0x81: {  	s7 =	simm.s32 $0x5850;
	[sflag:s28] =	ssyncadd.s32 $0xFFFFFB00  }
0x82: {  	s8 =	simm.s32 $0x7150;
	v6 =	vld [tilespmem:s7+$0x0]  }
0x83: {  	v7 =	vld [tilespmem:s8+$0x0]  }
0x84: {  	v3 =	vld [tilespmem:s8+$0xFFFFFFD0]  }
0x85: {  	v1 =	vld [tilespmem:s7+$0xFFFFFFE0]  }
0x86: {  	v5 =	vld [tilespmem:s8+$0xFFFFFFE0]  }
0x87: {  	v2 =	vld [tilespmem:s7+$0xFFFFFFF0]  }
0x88: {  	v4 =	vld [tilespmem:s8+$0xFFFFFFF0];
	v7 =	vmul.f32 v7, v6  }
0x89: {  	s13 =	simm.s32 $0x0;
	s15 =	simm.s32 $0x5890;
	v6 =	vld [tilespmem:s7+$0xFFFFFFD0]  }
.LBB2_9:
0x8a: {  	v8 =	vld [tilespmem:s15+$0x0];
	[tilespmem:s7+$0x0] =	vst v7;
	s8 =	sadd.s32 $0x40, s8  }
0x8b: {  	s13 =	sadd.s32 $0x4, s13;
	v7 =	vld [tilespmem:s8+$0x0];
	v5 =	vmul.f32 v5, v1  }
0x8c: {  	p0 =	slt.u32 s13, $0x4C;
	v9 =	vld [tilespmem:s8+$0xFFFFFFD0]  }
.Ltmp3:
0x8d: {  	v1 =	vld [tilespmem:s15+$0xFFFFFFE0];
	[tilespmem:s7+$0xFFFFFFE0] =	vst v5;
	v4 =	vmul.f32 v4, v2;
	(pc) =	sbr.rel @p0 .LBB2_9-.Ltmp3, $4  }
0x8e: {  	v5 =	vld [tilespmem:s8+$0xFFFFFFE0];
	v10 =	vmul.f32 v3, v6  }
0x8f: {  	v2 =	vld [tilespmem:s15+$0xFFFFFFF0];
	[tilespmem:s7+$0xFFFFFFF0] =	vst v4  }
0x90: {  	v4 =	vld [tilespmem:s8+$0xFFFFFFF0];
	v7 =	vmul.f32 v7, v8;
	[tilespmem:s7+$0xFFFFFFD0] =	vst v10;
	s7 =	smov.u32 s15  }
0x91: {  	s15 =	sadd.s32 $0x40, s15;
	v6 =	vld [tilespmem:s7+$0xFFFFFFD0];
	v3 =	vmov v9  }
0x92: {  	_ =	sdelay $0x1  }
0x93: {  	v1 =	vmul.f32 v5, v1  }
0x94: {  	[tilespmem:s7+$0x0] =	vst v7;
	v2 =	vmul.f32 v4, v2  }
0x95: {  	[tilespmem:s7+$0xFFFFFFE0] =	vst v1;
	v1 =	vmul.f32 v3, v6  }
0x96: {  	[tilespmem:s7+$0xFFFFFFF0] =	vst v2  }
0x97: {  	s17 =	sadd.s32 $0x2710, s12;
	[tilespmem:s7+$0xFFFFFFD0] =	vst v1  }
0x98: {  	[spmem:s2] =	stream.indirect.scatter.add.f32 [tilespmem:s21], [sflag:$0x9], $0x10, s17, s18, $0xb8;
	[tilespmem:$0xA7A0] =	vst v63  }
0x99: {  	_ =	swait.ge [sflag:s29], $0x500  }
0x9a: {  	[sflag:s29] =	ssyncset.done $0x0  }
0x9b: {  	s7 =	simm.s32 $0x5D50;
	[sflag:s29] =	ssyncadd.s32 $0xFFFFFB00  }
0x9c: {  	s8 =	simm.s32 $0x7650;
	v6 =	vld [tilespmem:s7+$0x0]  }
0x9d: {  	v7 =	vld [tilespmem:s8+$0x0]  }
0x9e: {  	v3 =	vld [tilespmem:s8+$0xFFFFFFD0]  }
0x9f: {  	v1 =	vld [tilespmem:s7+$0xFFFFFFE0]  }
0xa0: {  	v5 =	vld [tilespmem:s8+$0xFFFFFFE0]  }
0xa1: {  	v2 =	vld [tilespmem:s7+$0xFFFFFFF0]  }
0xa2: {  	v4 =	vld [tilespmem:s8+$0xFFFFFFF0];
	v7 =	vmul.f32 v7, v6  }
0xa3: {  	s12 =	simm.s32 $0x0;
	s13 =	simm.s32 $0x5D90;
	v6 =	vld [tilespmem:s7+$0xFFFFFFD0]  }
.LBB2_11:
0xa4: {  	v8 =	vld [tilespmem:s13+$0x0];
	[tilespmem:s7+$0x0] =	vst v7;
	s8 =	sadd.s32 $0x40, s8  }
0xa5: {  	s12 =	sadd.s32 $0x4, s12;
	v7 =	vld [tilespmem:s8+$0x0];
	v5 =	vmul.f32 v5, v1  }
0xa6: {  	p0 =	slt.u32 s12, $0x4C;
	v9 =	vld [tilespmem:s8+$0xFFFFFFD0]  }
.Ltmp4:
0xa7: {  	v1 =	vld [tilespmem:s13+$0xFFFFFFE0];
	[tilespmem:s7+$0xFFFFFFE0] =	vst v5;
	v4 =	vmul.f32 v4, v2;
	(pc) =	sbr.rel @p0 .LBB2_11-.Ltmp4, $4  }
0xa8: {  	v5 =	vld [tilespmem:s8+$0xFFFFFFE0];
	v10 =	vmul.f32 v3, v6  }
0xa9: {  	v2 =	vld [tilespmem:s13+$0xFFFFFFF0];
	[tilespmem:s7+$0xFFFFFFF0] =	vst v4  }
0xaa: {  	v4 =	vld [tilespmem:s8+$0xFFFFFFF0];
	v7 =	vmul.f32 v7, v8;
	[tilespmem:s7+$0xFFFFFFD0] =	vst v10;
	s7 =	smov.u32 s13  }
0xab: {  	s13 =	sadd.s32 $0x40, s13;
	v6 =	vld [tilespmem:s7+$0xFFFFFFD0];
	v3 =	vmov v9  }
0xac: {  	_ =	sdelay $0x1  }
0xad: {  	v1 =	vmul.f32 v5, v1  }
0xae: {  	[tilespmem:s7+$0x0] =	vst v7;
	v2 =	vmul.f32 v4, v2  }
0xaf: {  	[tilespmem:s7+$0xFFFFFFE0] =	vst v1;
	v1 =	vmul.f32 v3, v6  }
0xb0: {  	[tilespmem:s7+$0xFFFFFFF0] =	vst v2  }
0xb1: {  	s17 =	sadd.s32 $0x2710, s11;
	[tilespmem:s7+$0xFFFFFFD0] =	vst v1  }
0xb2: {  	[spmem:s2] =	stream.indirect.scatter.add.f32 [tilespmem:s22], [sflag:$0xA], $0x10, s17, s18, $0xb8;
	[tilespmem:$0xA7A0] =	vst v63  }
0xb3: {  	_ =	swait.ge [sflag:s30], $0x500  }
0xb4: {  	[sflag:s30] =	ssyncset.done $0x0  }
0xb5: {  	s7 =	simm.s32 $0x6250;
	[sflag:s30] =	ssyncadd.s32 $0xFFFFFB00  }
0xb6: {  	s8 =	simm.s32 $0x7B50;
	v6 =	vld [tilespmem:s7+$0x0]  }
0xb7: {  	v7 =	vld [tilespmem:s8+$0x0]  }
0xb8: {  	v3 =	vld [tilespmem:s8+$0xFFFFFFD0]  }
0xb9: {  	v1 =	vld [tilespmem:s7+$0xFFFFFFE0]  }
0xba: {  	v5 =	vld [tilespmem:s8+$0xFFFFFFE0]  }
0xbb: {  	v2 =	vld [tilespmem:s7+$0xFFFFFFF0]  }
0xbc: {  	v4 =	vld [tilespmem:s8+$0xFFFFFFF0];
	v7 =	vmul.f32 v7, v6  }
0xbd: {  	s11 =	simm.s32 $0x0;
	s12 =	simm.s32 $0x6290;
	v6 =	vld [tilespmem:s7+$0xFFFFFFD0]  }
.LBB2_13:
0xbe: {  	v8 =	vld [tilespmem:s12+$0x0];
	[tilespmem:s7+$0x0] =	vst v7;
	s8 =	sadd.s32 $0x40, s8  }
0xbf: {  	s11 =	sadd.s32 $0x4, s11;
	v7 =	vld [tilespmem:s8+$0x0];
	v5 =	vmul.f32 v5, v1  }
0xc0: {  	p0 =	slt.u32 s11, $0x4C;
	v9 =	vld [tilespmem:s8+$0xFFFFFFD0]  }
.Ltmp5:
0xc1: {  	v1 =	vld [tilespmem:s12+$0xFFFFFFE0];
	[tilespmem:s7+$0xFFFFFFE0] =	vst v5;
	v4 =	vmul.f32 v4, v2;
	(pc) =	sbr.rel @p0 .LBB2_13-.Ltmp5, $4  }
0xc2: {  	v5 =	vld [tilespmem:s8+$0xFFFFFFE0];
	v10 =	vmul.f32 v3, v6  }
0xc3: {  	v2 =	vld [tilespmem:s12+$0xFFFFFFF0];
	[tilespmem:s7+$0xFFFFFFF0] =	vst v4  }
0xc4: {  	v4 =	vld [tilespmem:s8+$0xFFFFFFF0];
	v7 =	vmul.f32 v7, v8;
	[tilespmem:s7+$0xFFFFFFD0] =	vst v10;
	s7 =	smov.u32 s12  }
0xc5: {  	s12 =	sadd.s32 $0x40, s12;
	v6 =	vld [tilespmem:s7+$0xFFFFFFD0];
	v3 =	vmov v9  }
0xc6: {  	_ =	sdelay $0x1  }
0xc7: {  	v1 =	vmul.f32 v5, v1  }
0xc8: {  	[tilespmem:s7+$0x0] =	vst v7;
	v2 =	vmul.f32 v4, v2  }
0xc9: {  	[tilespmem:s7+$0xFFFFFFE0] =	vst v1;
	v1 =	vmul.f32 v3, v6  }
0xca: {  	[tilespmem:s7+$0xFFFFFFF0] =	vst v2  }
0xcb: {  	s17 =	sadd.s32 $0x2710, s10;
	[tilespmem:s7+$0xFFFFFFD0] =	vst v1  }
0xcc: {  	[spmem:s2] =	stream.indirect.scatter.add.f32 [tilespmem:s23], [sflag:$0xB], $0x10, s17, s18, $0xb8;
	[tilespmem:$0xA7A0] =	vst v63  }
0xcd: {  	_ =	swait.ge [sflag:s31], $0x500  }
0xce: {  	[sflag:s31] =	ssyncset.done $0x0  }
0xcf: {  	[sflag:s31] =	ssyncadd.s32 $0xFFFFFB00  }
0xd0: {  	_ =	swait.ge [sflag:s0], $0x500  }
0xd1: {  	[sflag:s0] =	ssyncset.done $0x0  }
0xd2: {  	[sflag:s0] =	ssyncadd.s32 $0xFFFFFB00  }
0xd3: {  	_ =	swait.ge [sflag:s14], $0x500  }
0xd4: {  	[sflag:s14] =	ssyncset.done $0x0  }
0xd5: {  	s9 =	sadd.s32 $0x1, s9;
	[sflag:s14] =	ssyncadd.s32 $0xFFFFFB00  }
0xd6: {  	p0 =	sne.s32 s9, $0x19;
	_ =	swait.ge [sflag:s1], $0x500  }
.Ltmp6:
0xd7: {  	[sflag:s1] =	ssyncset.done $0x0;
	(pc) =	sbr.rel @p0 .LBB2_4-.Ltmp6, $4  }
0xd8: {  	[sflag:s1] =	ssyncadd.s32 $0xFFFFFB00  }
0xd9: {  	_ =	swait.ge [sflag:s3], $0x500  }
0xda: {  	[sflag:s3] =	ssyncset.done $0x0  }
0xdb: {  	[sflag:s3] =	ssyncadd.s32 $0xFFFFFB00  }
0xdc: {  	s7 =	stileid.u32;
	[bflag:$0x0] =	sbarrier.arrive $0xFFFF  }
0xdd: {  	s7 =	sshll.u32 s7, $0x6;
	s9 =	rddreg [dreg:$0x6]  }
0xde: {  	s10 =	rddreg [dreg:$0x9];
	s7 =	sor.u32 $0x1C0C, s7;
	s8 =	sshrl.u32 s9, $0x3  }
0xdf: {  	[hbm:s10], [sflag:s7] =	dma.local [spmem:s8], $0x4F0  }
0xe0: {  	s10 =	simm.s32 $0xC  }
0xe1: {  	_ =	swait.ge [sflag:s10], $0x4F0  }
0xe2: {  	s16 =	rddreg [dreg:$0xb]  }
0xe3: {  	s17 =	rddreg [dreg:$0xa];
	s8 =	sadd.s32 $0x1, s16  }
0xe4: {  	p0 =	sne.s32 s8, s17  }
.Ltmp7:
0xe5: {  	_ = 	snop;
	(pc) =	sbr.rel @p0 .LBB2_1-.Ltmp7, $3  }
0xe6: {  	_ =	sdelay $0x1  }
0xe7: {  	[sflag:s10] =	ssyncset.done $0x0  }
0xe8: {  	[sflag:s10] =	ssyncadd.s32 $0xFFFFFB10  }
0xe9: {  	_ =	sfence.sel $0x180000  }
0xea: {  	[bflag:$0x0] =	sbarrier.arrive $0xFFFF  }
0xeb: {  	_ =	strace $0x90000047  }
0xec: {  	s0 =	stileid.u32;
	[bflag:$0x2] =	sbarrier.arrive $0xFFFF  }
0xed: {  	p0 =	sne.s32 s0, $0x0;
	s0 =	rddreg [dreg:$0x4]  }
0xee: {  	s0 =	sadd.s32 @!p0 $0x100000, s0  }
0xef: {  	[sflag:s0] =	ssyncadd.tile.s32 @!p0 $0x1;
	_ =	shalt  }
.Lfunc_end2:
_tile_overlayer_lowered:
.L_overlay_start_2:
0xf0: {  	(tag) =	ssettag $0x2  }
0xf1: {  	s0 =	rddreg [dreg:$0x0];
	s2 =	stileid.u32  }
0xf2: {  	s1 =	rddreg [dreg:$0x1];
	p0 =	sne.s32 s2, $0x0  }
0xf3: {  	s3 =	rddreg [dreg:$0x2];
	[bflag:$0x3] =	sbarrier.arrive $0xFFFF;
	s2 =	simm.s32 @!p0 $0x1C0C  }
0xf4: {  	[timem:s3], [sflag:s2] =	dma.local @!p0 [hbm:s0], s1  }
0xf5: {  	s0 =	simm.s32 @!p0 $0xC  }
0xf6: {  	_ =	swait.ge @!p0 [sflag:s0], s1  }
0xf7: {  	s1 =	ssub.s32 @!p0 $0x0, s1;
	[sflag:s0] =	ssyncset.done @!p0 $0x0  }
0xf8: {  	[sflag:s0] =	ssyncadd.s32 @!p0 s1  }
0xf9: {  	[bflag:$0x3] =	sbarrier.arrive $0xFFFF  }
0xfa: {  	_ =	shalt  }

</sc_bundles>
